<compile_context>
chip_gen: v7x
topology: tpu7x:2x2x1
jax: 0.10.2.dev20260603
libtpu: 0.0.44.dev20260713+nightly
codegen_flags: <defaults>
</compile_context>

<pallas_src>
import jax
import jax.numpy as jnp
from jax import lax
from jax.experimental import pallas as pl
from jax.experimental.pallas import tpu as pltpu
from jax.experimental.pallas import tpu_sc as plsc

VOCAB = 1000000
VEC = 64
SEQ = 50
BATCH = 4096

NC = 2
NS = 16
NW = NC * NS
BPW = BATCH // NW
SCH = 5
NCHUNK = SEQ // SCH
NV = VEC // 16


def _cbow_body(text, w_vec, b_vec, table, out_hbm,
               idx_v, buf0, buf1, acc_v, w_v, b_v, out_v, sem0, sem1):
  cid = lax.axis_index("c")
  sid = lax.axis_index("s")
  wid = sid * NC + cid
  base = wid * BPW

  pltpu.sync_copy(text.at[:, pl.ds(base, BPW)], idx_v)
  pltpu.sync_copy(w_vec, w_v)
  pltpu.sync_copy(b_vec, b_v)

  w_regs = [w_v[pl.ds(k * 16, 16)] for k in range(NV)]
  bias_v = b_v[...]
  lane = lax.iota(jnp.int32, 16)
  zero = jnp.zeros((16,), jnp.float32)

  def hsum(x):
    for sh in (8, 4, 2, 1):
      x = x + x.at[lane ^ sh].get(mode="promise_in_bounds")
    return x

  def zbody(c, carry):
    for k in range(NV):
      acc_v[c, pl.ds(k * 16, 16)] = zero
    return carry

  lax.fori_loop(0, BPW, zbody, 0)

  def start(ci, buf, sem):
    for j in range(SCH):
      pltpu.async_copy(table.at[idx_v.at[ci * SCH + j]], buf.at[j], sem)

  def wait(buf, sem):
    for s in range(SCH):
      pltpu.make_async_copy(table.at[pl.ds(0, BPW)], buf.at[s], sem).wait()

  def accumulate(buf):
    def body(c, carry):
      for k in range(NV):
        v = buf[0, c, pl.ds(k * 16, 16)]
        for s in range(1, SCH):
          v = v + buf[s, c, pl.ds(k * 16, 16)]
        plsc.addupdate(acc_v.at[c, pl.ds(k * 16, 16)], v)
      return carry
    lax.fori_loop(0, BPW, body, 0)

  start(0, buf0, sem0)

  def outer(gg, carry):
    start(2 * gg + 1, buf1, sem1)
    wait(buf0, sem0)
    accumulate(buf0)

    @pl.when(gg < NCHUNK // 2 - 1)
    def _():
      start(2 * gg + 2, buf0, sem0)

    wait(buf1, sem1)
    accumulate(buf1)
    return carry

  lax.fori_loop(0, NCHUNK // 2, outer, 0)

  def fgroup(g, carry):
    ovec = zero
    for j in range(16):
      c = g * 16 + j
      accs = [acc_v[c, pl.ds(k * 16, 16)] for k in range(NV)]
      p = jnp.maximum(accs[0], 0.0) * w_regs[0]
      for k in range(1, NV):
        p = p + jnp.maximum(accs[k], 0.0) * w_regs[k]
      total = hsum(p) + bias_v
      ovec = jnp.where(lane == j, total, ovec)
    out_v[pl.ds(g * 16, 16)] = ovec
    return carry

  lax.fori_loop(0, BPW // 16, fgroup, 0)

  pltpu.sync_copy(out_v, out_hbm.at[pl.ds(base, BPW)])


def kernel(text, W, w_lin, b_lin):
  w64 = w_lin.reshape(VEC)
  b16 = jnp.broadcast_to(b_lin, (16,))

  mesh = plsc.VectorSubcoreMesh(core_axis_name="c", subcore_axis_name="s")
  kern = pl.kernel(
      _cbow_body,
      mesh=mesh,
      compiler_params=pltpu.CompilerParams(use_tc_tiling_on_sc=False),
      out_type=jax.ShapeDtypeStruct((BATCH,), jnp.float32),
      scratch_types=[
          pltpu.VMEM((SEQ, BPW), jnp.int32),
          pltpu.VMEM((SCH, BPW, VEC), jnp.float32),
          pltpu.VMEM((SCH, BPW, VEC), jnp.float32),
          pltpu.VMEM((BPW, VEC), jnp.float32),
          pltpu.VMEM((VEC,), jnp.float32),
          pltpu.VMEM((16,), jnp.float32),
          pltpu.VMEM((BPW,), jnp.float32),
          pltpu.SemaphoreType.DMA,
          pltpu.SemaphoreType.DMA,
      ],
  )
  return kern(text, w64, b16, W)

# --- scband reference (transcript-rebuilt; emitter-appended) ---
"""Pipeline reference for scband-cbow-12652973654319 (READ-ONLY COPY).

The authoritative reference and input builder live on the scoring server;
editing this copy changes nothing except your own understanding.
"""

import jax, jax.numpy as jnp
import numpy as np

VOCAB = 1000000
VEC = 64
SEQ = 50
BATCH = 4096


def setup_inputs(seed: int = 0) -> dict:
    key = jax.random.key(seed)
    k1, k2, k3 = jax.random.split(key, 3)
    text = jax.random.randint(k1, (SEQ, BATCH), 0, VOCAB, dtype=jnp.int32)
    W = jax.random.normal(k2, (VOCAB, VEC), dtype=jnp.float32) * 0.02
    w_lin = jax.random.normal(k3, (1, VEC), dtype=jnp.float32) * 0.02
    b_lin = jnp.zeros((1,), dtype=jnp.float32)
    return {"text": text, "W": W, "w_lin": w_lin, "b_lin": b_lin}


def reference(text, W, w_lin, b_lin):
    # embeds = sum over sequence dim of embedding lookup: [SEQ, BATCH, VEC] -> [BATCH, VEC]
    gathered = jnp.take(W, text, axis=0)
    embeds = jnp.sum(gathered, axis=0)
    out = jax.nn.relu(embeds)
    out = (out @ w_lin.T + b_lin).squeeze(-1)
    return out

if __name__ == "__main__":
    import jax
    _d = setup_inputs()
    print(jax.jit(kernel)(*tuple(_d.values())))

</pallas_src>

<mosaic_0001>
#map = affine_map<(d0, d1) -> (0, 0)>
#map1 = affine_map<(d0, d1) -> (0)>
module attributes {stable_mosaic.version = 14 : i64} {
  func.func @_cbow_body(%arg0: i32, %arg1: i32, %arg2: memref<50x4096xi32, #tpu.memory_space<hbm>>, %arg3: memref<64xf32, #tpu.memory_space<hbm>>, %arg4: memref<16xf32, #tpu.memory_space<hbm>>, %arg5: memref<1000000x64xf32, #tpu.memory_space<hbm>>, %arg6: memref<4096xf32, #tpu.memory_space<hbm>>, %arg7: memref<50x128xi32, #tpu.memory_space<vmem>>, %arg8: memref<5x128x64xf32, #tpu.memory_space<vmem>>, %arg9: memref<5x128x64xf32, #tpu.memory_space<vmem>>, %arg10: memref<128x64xf32, #tpu.memory_space<vmem>>, %arg11: memref<64xf32, #tpu.memory_space<vmem>>, %arg12: memref<16xf32, #tpu.memory_space<vmem>>, %arg13: memref<128xf32, #tpu.memory_space<vmem>>, %arg14: memref<!tpu.dma_semaphore, #tpu.memory_space<semaphore_mem>>, %arg15: memref<!tpu.dma_semaphore, #tpu.memory_space<semaphore_mem>>) attributes {dimension_semantics = [#tpu.dimension_semantics<core_parallel>, #tpu.dimension_semantics<subcore_parallel>], iteration_bounds = array<i64: 2, 16>, scalar_prefetch = 0 : i64, scratch_operands = 9 : i64, tpu.core_type = #tpu.core_type<sc_vector_subcore>, window_params = [{transform_indices = #map}, {transform_indices = #map1}, {transform_indices = #map1}, {transform_indices = #map}, {transform_indices = #map1}]} {
    %mul3A = arith.constant 2 : i32
    %mul3A_0 = arith.muli %arg1, %mul3A : i32
    %add3A = arith.addi %mul3A_0, %arg0 : i32
    %mul3A_1 = arith.constant 128 : i32
    %mul3A_2 = arith.muli %add3A, %mul3A_1 : i32
    "tpu.region"() ({
      %run_scoped3A = tpu.sem_alloc : memref<!tpu.dma_semaphore, #tpu.memory_space<semaphore_mem>>
      %dma_start3A_94 = arith.constant 0 : i32
      %dma_start3A_95 = tpu.memref_slice %arg2[%dma_start3A_94, %mul3A_2] : memref<50x4096xi32, #tpu.memory_space<hbm>> -> memref<50x128xi32, #tpu.memory_space<hbm>>
      %dma_start3A_96 = arith.constant 0 : i32
      %dma_start3A_97 = tpu.memref_slice %arg2[%dma_start3A_96, %mul3A_2] : memref<50x4096xi32, #tpu.memory_space<hbm>> -> memref<50x128xi32, #tpu.memory_space<hbm>>
      tpu.enqueue_dma source(%dma_start3A_97 : memref<50x128xi32, #tpu.memory_space<hbm>>) target(%arg7 : memref<50x128xi32, #tpu.memory_space<vmem>>) target_semaphore(%run_scoped3A : memref<!tpu.dma_semaphore, #tpu.memory_space<semaphore_mem>>)
      %dma_wait3A = arith.constant 0 : i32
      %dma_wait3A_98 = tpu.memref_slice %arg2[%dma_wait3A, %mul3A_2] : memref<50x4096xi32, #tpu.memory_space<hbm>> -> memref<50x128xi32, #tpu.memory_space<hbm>>
      %dma_wait3A_99 = arith.constant 0 : i32
      %dma_wait3A_100 = tpu.memref_slice %arg2[%dma_wait3A_99, %mul3A_2] : memref<50x4096xi32, #tpu.memory_space<hbm>> -> memref<50x128xi32, #tpu.memory_space<hbm>>
      tpu.wait_dma2 semaphore(%run_scoped3A : memref<!tpu.dma_semaphore, #tpu.memory_space<semaphore_mem>>) src(%dma_wait3A_100 : memref<50x128xi32, #tpu.memory_space<hbm>>) dst(%arg7 : memref<50x128xi32, #tpu.memory_space<vmem>>)
      tpu.yield
    }) : () -> ()
    "tpu.region"() ({
      %run_scoped3A = tpu.sem_alloc : memref<!tpu.dma_semaphore, #tpu.memory_space<semaphore_mem>>
      tpu.enqueue_dma source(%arg3 : memref<64xf32, #tpu.memory_space<hbm>>) target(%arg11 : memref<64xf32, #tpu.memory_space<vmem>>) target_semaphore(%run_scoped3A : memref<!tpu.dma_semaphore, #tpu.memory_space<semaphore_mem>>)
      tpu.wait_dma2 semaphore(%run_scoped3A : memref<!tpu.dma_semaphore, #tpu.memory_space<semaphore_mem>>) src(%arg3 : memref<64xf32, #tpu.memory_space<hbm>>) dst(%arg11 : memref<64xf32, #tpu.memory_space<vmem>>)
      tpu.yield
    }) : () -> ()
    "tpu.region"() ({
      %run_scoped3A = tpu.sem_alloc : memref<!tpu.dma_semaphore, #tpu.memory_space<semaphore_mem>>
      tpu.enqueue_dma source(%arg4 : memref<16xf32, #tpu.memory_space<hbm>>) target(%arg12 : memref<16xf32, #tpu.memory_space<vmem>>) target_semaphore(%run_scoped3A : memref<!tpu.dma_semaphore, #tpu.memory_space<semaphore_mem>>)
      tpu.wait_dma2 semaphore(%run_scoped3A : memref<!tpu.dma_semaphore, #tpu.memory_space<semaphore_mem>>) src(%arg4 : memref<16xf32, #tpu.memory_space<hbm>>) dst(%arg12 : memref<16xf32, #tpu.memory_space<vmem>>)
      tpu.yield
    }) : () -> ()
    %get3A = arith.constant 0 : index
    %get3A_3 = tpu.vector_load %arg11[%get3A] {strides = array<i32>} : memref<64xf32, #tpu.memory_space<vmem>>, vector<16xf32>,
    %get3A_4 = vector.shape_cast %get3A_3 : vector<16xf32> to vector<16xf32>
    %get3A_5 = arith.constant 16 : index
    %get3A_6 = tpu.vector_load %arg11[%get3A_5] {strides = array<i32>} : memref<64xf32, #tpu.memory_space<vmem>>, vector<16xf32>,
    %get3A_7 = vector.shape_cast %get3A_6 : vector<16xf32> to vector<16xf32>
    %get3A_8 = arith.constant 32 : index
    %get3A_9 = tpu.vector_load %arg11[%get3A_8] {strides = array<i32>} : memref<64xf32, #tpu.memory_space<vmem>>, vector<16xf32>,
    %get3A_10 = vector.shape_cast %get3A_9 : vector<16xf32> to vector<16xf32>
    %get3A_11 = arith.constant 48 : index
    %get3A_12 = tpu.vector_load %arg11[%get3A_11] {strides = array<i32>} : memref<64xf32, #tpu.memory_space<vmem>>, vector<16xf32>,
    %get3A_13 = vector.shape_cast %get3A_12 : vector<16xf32> to vector<16xf32>
    %get3A_14 = arith.constant 0 : index
    %get3A_15 = tpu.vector_load %arg12[%get3A_14] {strides = array<i32>} : memref<16xf32, #tpu.memory_space<vmem>>, vector<16xf32>,
    %get3A_16 = vector.shape_cast %get3A_15 : vector<16xf32> to vector<16xf32>
    %iota3A = tpu.iota {dimensions = array<i32: 0>} : vector<16xi32>
    %broadcast_in_dim3A = arith.constant 0.000000e+00 : f32
    %broadcast_in_dim3A_17 = vector.broadcast %broadcast_in_dim3A : f32 to vector<16xf32>
    %scan3A = arith.constant 0 : i32
    %scan3A_18 = arith.constant 0 : i32
    %scan3A_19 = arith.constant 128 : i32
    %scan3A_20 = arith.addi %scan3A_18, %scan3A_19 : i32
    %scan3A_21 = arith.constant 1 : i32
    scf.for %scan3A_94 = %scan3A_18 to %scan3A_20 step %scan3A_21  : i32 {
      %swap3A = arith.index_cast %scan3A_94 : i32 to index
      %swap3A_95 = arith.constant 0 : index
      %swap3A_96 = tpu.vector_load %arg10[%swap3A, %swap3A_95] {strides = array<i32>} : memref<128x64xf32, #tpu.memory_space<vmem>>, vector<1x16xf32>,
      %swap3A_97 = vector.shape_cast %swap3A_96 : vector<1x16xf32> to vector<16xf32>
      %swap3A_98 = vector.shape_cast %broadcast_in_dim3A_17 : vector<16xf32> to vector<1x16xf32>
      tpu.vector_store %arg10[%swap3A, %swap3A_95], %swap3A_98 {strides = array<i32>} : memref<128x64xf32, #tpu.memory_space<vmem>>, vector<1x16xf32>,
      %swap3A_99 = arith.index_cast %scan3A_94 : i32 to index
      %swap3A_100 = arith.constant 16 : index
      %swap3A_101 = tpu.vector_load %arg10[%swap3A_99, %swap3A_100] {strides = array<i32>} : memref<128x64xf32, #tpu.memory_space<vmem>>, vector<1x16xf32>,
      %swap3A_102 = vector.shape_cast %swap3A_101 : vector<1x16xf32> to vector<16xf32>
      %swap3A_103 = vector.shape_cast %broadcast_in_dim3A_17 : vector<16xf32> to vector<1x16xf32>
      tpu.vector_store %arg10[%swap3A_99, %swap3A_100], %swap3A_103 {strides = array<i32>} : memref<128x64xf32, #tpu.memory_space<vmem>>, vector<1x16xf32>,
      %swap3A_104 = arith.index_cast %scan3A_94 : i32 to index
      %swap3A_105 = arith.constant 32 : index
      %swap3A_106 = tpu.vector_load %arg10[%swap3A_104, %swap3A_105] {strides = array<i32>} : memref<128x64xf32, #tpu.memory_space<vmem>>, vector<1x16xf32>,
      %swap3A_107 = vector.shape_cast %swap3A_106 : vector<1x16xf32> to vector<16xf32>
      %swap3A_108 = vector.shape_cast %broadcast_in_dim3A_17 : vector<16xf32> to vector<1x16xf32>
      tpu.vector_store %arg10[%swap3A_104, %swap3A_105], %swap3A_108 {strides = array<i32>} : memref<128x64xf32, #tpu.memory_space<vmem>>, vector<1x16xf32>,
      %swap3A_109 = arith.index_cast %scan3A_94 : i32 to index
      %swap3A_110 = arith.constant 48 : index
      %swap3A_111 = tpu.vector_load %arg10[%swap3A_109, %swap3A_110] {strides = array<i32>} : memref<128x64xf32, #tpu.memory_space<vmem>>, vector<1x16xf32>,
      %swap3A_112 = vector.shape_cast %swap3A_111 : vector<1x16xf32> to vector<16xf32>
      %swap3A_113 = vector.shape_cast %broadcast_in_dim3A_17 : vector<16xf32> to vector<1x16xf32>
      tpu.vector_store %arg10[%swap3A_109, %swap3A_110], %swap3A_113 {strides = array<i32>} : memref<128x64xf32, #tpu.memory_space<vmem>>, vector<1x16xf32>,
    }
    %scan3A_22 = arith.constant 128 : i32
    %dma_start3A = arith.constant 0 : i32
    %dma_start3A_23 = arith.constant 0 : i32
    %dma_start3A_24 = arith.constant 0 : i32
    %dma_start3A_25 = arith.constant 0 : i32
    %dma_start3A_26 = tpu.memref_slice %arg8[%dma_start3A_23, %dma_start3A_24, %dma_start3A_25] : memref<5x128x64xf32, #tpu.memory_space<vmem>> -> memref<1x128x64xf32, #tpu.memory_space<vmem>>
    %dma_start3A_27 = tpu.memref_squeeze %dma_start3A_26 : memref<1x128x64xf32, #tpu.memory_space<vmem>> -> memref<128x64xf32, #tpu.memory_space<vmem>>
    %dma_start3A_28 = arith.constant 0 : i32
    %dma_start3A_29 = tpu.memref_slice %arg7[%dma_start3A, %dma_start3A_28] : memref<50x128xi32, #tpu.memory_space<vmem>> -> memref<1x128xi32, #tpu.memory_space<vmem>>
    %dma_start3A_30 = tpu.memref_squeeze %dma_start3A_29 : memref<1x128xi32, #tpu.memory_space<vmem>> -> memref<128xi32, #tpu.memory_space<vmem>>
    %dma_start3A_31 = arith.constant 0 : i32
    %dma_start3A_32 = arith.constant 0 : i32
    %dma_start3A_33 = tpu.memref_slice %arg5[%dma_start3A_31, %dma_start3A_32] : memref<1000000x64xf32, #tpu.memory_space<hbm>> -> memref<1000000x64xf32, #tpu.memory_space<hbm>>
    tpu.enqueue_indirect_dma source(%dma_start3A_33 : memref<1000000x64xf32, #tpu.memory_space<hbm>>) target(%dma_start3A_27 : memref<128x64xf32, #tpu.memory_space<vmem>>) offsets(%dma_start3A_30 : memref<128xi32, #tpu.memory_space<vmem>>) semaphore(%arg14 : memref<!tpu.dma_semaphore, #tpu.memory_space<semaphore_mem>>)
    %dma_start3A_34 = arith.constant 1 : i32
    %dma_start3A_35 = arith.constant 1 : i32
    %dma_start3A_36 = arith.constant 0 : i32
    %dma_start3A_37 = arith.constant 0 : i32
    %dma_start3A_38 = tpu.memref_slice %arg8[%dma_start3A_35, %dma_start3A_36, %dma_start3A_37] : memref<5x128x64xf32, #tpu.memory_space<vmem>> -> memref<1x128x64xf32, #tpu.memory_space<vmem>>
    %dma_start3A_39 = tpu.memref_squeeze %dma_start3A_38 : memref<1x128x64xf32, #tpu.memory_space<vmem>> -> memref<128x64xf32, #tpu.memory_space<vmem>>
    %dma_start3A_40 = arith.constant 0 : i32
    %dma_start3A_41 = tpu.memref_slice %arg7[%dma_start3A_34, %dma_start3A_40] : memref<50x128xi32, #tpu.memory_space<vmem>> -> memref<1x128xi32, #tpu.memory_space<vmem>>
    %dma_start3A_42 = tpu.memref_squeeze %dma_start3A_41 : memref<1x128xi32, #tpu.memory_space<vmem>> -> memref<128xi32, #tpu.memory_space<vmem>>
    %dma_start3A_43 = arith.constant 0 : i32
    %dma_start3A_44 = arith.constant 0 : i32
    %dma_start3A_45 = tpu.memref_slice %arg5[%dma_start3A_43, %dma_start3A_44] : memref<1000000x64xf32, #tpu.memory_space<hbm>> -> memref<1000000x64xf32, #tpu.memory_space<hbm>>
    tpu.enqueue_indirect_dma source(%dma_start3A_45 : memref<1000000x64xf32, #tpu.memory_space<hbm>>) target(%dma_start3A_39 : memref<128x64xf32, #tpu.memory_space<vmem>>) offsets(%dma_start3A_42 : memref<128xi32, #tpu.memory_space<vmem>>) semaphore(%arg14 : memref<!tpu.dma_semaphore, #tpu.memory_space<semaphore_mem>>)
    %dma_start3A_46 = arith.constant 2 : i32
    %dma_start3A_47 = arith.constant 2 : i32
    %dma_start3A_48 = arith.constant 0 : i32
    %dma_start3A_49 = arith.constant 0 : i32
    %dma_start3A_50 = tpu.memref_slice %arg8[%dma_start3A_47, %dma_start3A_48, %dma_start3A_49] : memref<5x128x64xf32, #tpu.memory_space<vmem>> -> memref<1x128x64xf32, #tpu.memory_space<vmem>>
    %dma_start3A_51 = tpu.memref_squeeze %dma_start3A_50 : memref<1x128x64xf32, #tpu.memory_space<vmem>> -> memref<128x64xf32, #tpu.memory_space<vmem>>
    %dma_start3A_52 = arith.constant 0 : i32
    %dma_start3A_53 = tpu.memref_slice %arg7[%dma_start3A_46, %dma_start3A_52] : memref<50x128xi32, #tpu.memory_space<vmem>> -> memref<1x128xi32, #tpu.memory_space<vmem>>
    %dma_start3A_54 = tpu.memref_squeeze %dma_start3A_53 : memref<1x128xi32, #tpu.memory_space<vmem>> -> memref<128xi32, #tpu.memory_space<vmem>>
    %dma_start3A_55 = arith.constant 0 : i32
    %dma_start3A_56 = arith.constant 0 : i32
    %dma_start3A_57 = tpu.memref_slice %arg5[%dma_start3A_55, %dma_start3A_56] : memref<1000000x64xf32, #tpu.memory_space<hbm>> -> memref<1000000x64xf32, #tpu.memory_space<hbm>>
    tpu.enqueue_indirect_dma source(%dma_start3A_57 : memref<1000000x64xf32, #tpu.memory_space<hbm>>) target(%dma_start3A_51 : memref<128x64xf32, #tpu.memory_space<vmem>>) offsets(%dma_start3A_54 : memref<128xi32, #tpu.memory_space<vmem>>) semaphore(%arg14 : memref<!tpu.dma_semaphore, #tpu.memory_space<semaphore_mem>>)
    %dma_start3A_58 = arith.constant 3 : i32
    %dma_start3A_59 = arith.constant 3 : i32
    %dma_start3A_60 = arith.constant 0 : i32
    %dma_start3A_61 = arith.constant 0 : i32
    %dma_start3A_62 = tpu.memref_slice %arg8[%dma_start3A_59, %dma_start3A_60, %dma_start3A_61] : memref<5x128x64xf32, #tpu.memory_space<vmem>> -> memref<1x128x64xf32, #tpu.memory_space<vmem>>
    %dma_start3A_63 = tpu.memref_squeeze %dma_start3A_62 : memref<1x128x64xf32, #tpu.memory_space<vmem>> -> memref<128x64xf32, #tpu.memory_space<vmem>>
    %dma_start3A_64 = arith.constant 0 : i32
    %dma_start3A_65 = tpu.memref_slice %arg7[%dma_start3A_58, %dma_start3A_64] : memref<50x128xi32, #tpu.memory_space<vmem>> -> memref<1x128xi32, #tpu.memory_space<vmem>>
    %dma_start3A_66 = tpu.memref_squeeze %dma_start3A_65 : memref<1x128xi32, #tpu.memory_space<vmem>> -> memref<128xi32, #tpu.memory_space<vmem>>
    %dma_start3A_67 = arith.constant 0 : i32
    %dma_start3A_68 = arith.constant 0 : i32
    %dma_start3A_69 = tpu.memref_slice %arg5[%dma_start3A_67, %dma_start3A_68] : memref<1000000x64xf32, #tpu.memory_space<hbm>> -> memref<1000000x64xf32, #tpu.memory_space<hbm>>
    tpu.enqueue_indirect_dma source(%dma_start3A_69 : memref<1000000x64xf32, #tpu.memory_space<hbm>>) target(%dma_start3A_63 : memref<128x64xf32, #tpu.memory_space<vmem>>) offsets(%dma_start3A_66 : memref<128xi32, #tpu.memory_space<vmem>>) semaphore(%arg14 : memref<!tpu.dma_semaphore, #tpu.memory_space<semaphore_mem>>)
    %dma_start3A_70 = arith.constant 4 : i32
    %dma_start3A_71 = arith.constant 4 : i32
    %dma_start3A_72 = arith.constant 0 : i32
    %dma_start3A_73 = arith.constant 0 : i32
    %dma_start3A_74 = tpu.memref_slice %arg8[%dma_start3A_71, %dma_start3A_72, %dma_start3A_73] : memref<5x128x64xf32, #tpu.memory_space<vmem>> -> memref<1x128x64xf32, #tpu.memory_space<vmem>>
    %dma_start3A_75 = tpu.memref_squeeze %dma_start3A_74 : memref<1x128x64xf32, #tpu.memory_space<vmem>> -> memref<128x64xf32, #tpu.memory_space<vmem>>
    %dma_start3A_76 = arith.constant 0 : i32
    %dma_start3A_77 = tpu.memref_slice %arg7[%dma_start3A_70, %dma_start3A_76] : memref<50x128xi32, #tpu.memory_space<vmem>> -> memref<1x128xi32, #tpu.memory_space<vmem>>
    %dma_start3A_78 = tpu.memref_squeeze %dma_start3A_77 : memref<1x128xi32, #tpu.memory_space<vmem>> -> memref<128xi32, #tpu.memory_space<vmem>>
    %dma_start3A_79 = arith.constant 0 : i32
    %dma_start3A_80 = arith.constant 0 : i32
    %dma_start3A_81 = tpu.memref_slice %arg5[%dma_start3A_79, %dma_start3A_80] : memref<1000000x64xf32, #tpu.memory_space<hbm>> -> memref<1000000x64xf32, #tpu.memory_space<hbm>>
    tpu.enqueue_indirect_dma source(%dma_start3A_81 : memref<1000000x64xf32, #tpu.memory_space<hbm>>) target(%dma_start3A_75 : memref<128x64xf32, #tpu.memory_space<vmem>>) offsets(%dma_start3A_78 : memref<128xi32, #tpu.memory_space<vmem>>) semaphore(%arg14 : memref<!tpu.dma_semaphore, #tpu.memory_space<semaphore_mem>>)
    %scan3A_82 = arith.constant 0 : i32
    %scan3A_83 = arith.constant 0 : i32
    %scan3A_84 = arith.constant 5 : i32
    %scan3A_85 = arith.addi %scan3A_83, %scan3A_84 : i32
    %scan3A_86 = arith.constant 1 : i32
    scf.for %scan3A_94 = %scan3A_83 to %scan3A_85 step %scan3A_86  : i32 {
      %mul3A_95 = arith.constant 2 : i32
      %mul3A_96 = arith.muli %mul3A_95, %scan3A_94 : i32
      %add3A_97 = arith.constant 1 : i32
      %add3A_98 = arith.addi %mul3A_96, %add3A_97 : i32
      %mul3A_99 = arith.constant 5 : i32
      %mul3A_100 = arith.muli %add3A_98, %mul3A_99 : i32
      %add3A_101 = arith.constant 0 : i32
      %add3A_102 = arith.addi %mul3A_100, %add3A_101 : i32
      %dma_start3A_103 = arith.constant 0 : i32
      %dma_start3A_104 = arith.constant 0 : i32
      %dma_start3A_105 = arith.constant 0 : i32
      %dma_start3A_106 = tpu.memref_slice %arg9[%dma_start3A_103, %dma_start3A_104, %dma_start3A_105] : memref<5x128x64xf32, #tpu.memory_space<vmem>> -> memref<1x128x64xf32, #tpu.memory_space<vmem>>
      %dma_start3A_107 = tpu.memref_squeeze %dma_start3A_106 : memref<1x128x64xf32, #tpu.memory_space<vmem>> -> memref<128x64xf32, #tpu.memory_space<vmem>>
      %dma_start3A_108 = arith.constant 0 : i32
      %dma_start3A_109 = tpu.memref_slice %arg7[%add3A_102, %dma_start3A_108] : memref<50x128xi32, #tpu.memory_space<vmem>> -> memref<1x128xi32, #tpu.memory_space<vmem>>
      %dma_start3A_110 = tpu.memref_squeeze %dma_start3A_109 : memref<1x128xi32, #tpu.memory_space<vmem>> -> memref<128xi32, #tpu.memory_space<vmem>>
      %dma_start3A_111 = arith.constant 0 : i32
      %dma_start3A_112 = arith.constant 0 : i32
      %dma_start3A_113 = tpu.memref_slice %arg5[%dma_start3A_111, %dma_start3A_112] : memref<1000000x64xf32, #tpu.memory_space<hbm>> -> memref<1000000x64xf32, #tpu.memory_space<hbm>>
      tpu.enqueue_indirect_dma source(%dma_start3A_113 : memref<1000000x64xf32, #tpu.memory_space<hbm>>) target(%dma_start3A_107 : memref<128x64xf32, #tpu.memory_space<vmem>>) offsets(%dma_start3A_110 : memref<128xi32, #tpu.memory_space<vmem>>) semaphore(%arg15 : memref<!tpu.dma_semaphore, #tpu.memory_space<semaphore_mem>>)
      %mul3A_114 = arith.constant 5 : i32
      %mul3A_115 = arith.muli %add3A_98, %mul3A_114 : i32
      %add3A_116 = arith.constant 1 : i32
      %add3A_117 = arith.addi %mul3A_115, %add3A_116 : i32
      %dma_start3A_118 = arith.constant 1 : i32
      %dma_start3A_119 = arith.constant 0 : i32
      %dma_start3A_120 = arith.constant 0 : i32
      %dma_start3A_121 = tpu.memref_slice %arg9[%dma_start3A_118, %dma_start3A_119, %dma_start3A_120] : memref<5x128x64xf32, #tpu.memory_space<vmem>> -> memref<1x128x64xf32, #tpu.memory_space<vmem>>
      %dma_start3A_122 = tpu.memref_squeeze %dma_start3A_121 : memref<1x128x64xf32, #tpu.memory_space<vmem>> -> memref<128x64xf32, #tpu.memory_space<vmem>>
      %dma_start3A_123 = arith.constant 0 : i32
      %dma_start3A_124 = tpu.memref_slice %arg7[%add3A_117, %dma_start3A_123] : memref<50x128xi32, #tpu.memory_space<vmem>> -> memref<1x128xi32, #tpu.memory_space<vmem>>
      %dma_start3A_125 = tpu.memref_squeeze %dma_start3A_124 : memref<1x128xi32, #tpu.memory_space<vmem>> -> memref<128xi32, #tpu.memory_space<vmem>>
      %dma_start3A_126 = arith.constant 0 : i32
      %dma_start3A_127 = arith.constant 0 : i32
      %dma_start3A_128 = tpu.memref_slice %arg5[%dma_start3A_126, %dma_start3A_127] : memref<1000000x64xf32, #tpu.memory_space<hbm>> -> memref<1000000x64xf32, #tpu.memory_space<hbm>>
      tpu.enqueue_indirect_dma source(%dma_start3A_128 : memref<1000000x64xf32, #tpu.memory_space<hbm>>) target(%dma_start3A_122 : memref<128x64xf32, #tpu.memory_space<vmem>>) offsets(%dma_start3A_125 : memref<128xi32, #tpu.memory_space<vmem>>) semaphore(%arg15 : memref<!tpu.dma_semaphore, #tpu.memory_space<semaphore_mem>>)
      %mul3A_129 = arith.constant 5 : i32
      %mul3A_130 = arith.muli %add3A_98, %mul3A_129 : i32
      %add3A_131 = arith.constant 2 : i32
      %add3A_132 = arith.addi %mul3A_130, %add3A_131 : i32
      %dma_start3A_133 = arith.constant 2 : i32
      %dma_start3A_134 = arith.constant 0 : i32
      %dma_start3A_135 = arith.constant 0 : i32
      %dma_start3A_136 = tpu.memref_slice %arg9[%dma_start3A_133, %dma_start3A_134, %dma_start3A_135] : memref<5x128x64xf32, #tpu.memory_space<vmem>> -> memref<1x128x64xf32, #tpu.memory_space<vmem>>
      %dma_start3A_137 = tpu.memref_squeeze %dma_start3A_136 : memref<1x128x64xf32, #tpu.memory_space<vmem>> -> memref<128x64xf32, #tpu.memory_space<vmem>>
      %dma_start3A_138 = arith.constant 0 : i32
      %dma_start3A_139 = tpu.memref_slice %arg7[%add3A_132, %dma_start3A_138] : memref<50x128xi32, #tpu.memory_space<vmem>> -> memref<1x128xi32, #tpu.memory_space<vmem>>
      %dma_start3A_140 = tpu.memref_squeeze %dma_start3A_139 : memref<1x128xi32, #tpu.memory_space<vmem>> -> memref<128xi32, #tpu.memory_space<vmem>>
      %dma_start3A_141 = arith.constant 0 : i32
      %dma_start3A_142 = arith.constant 0 : i32
      %dma_start3A_143 = tpu.memref_slice %arg5[%dma_start3A_141, %dma_start3A_142] : memref<1000000x64xf32, #tpu.memory_space<hbm>> -> memref<1000000x64xf32, #tpu.memory_space<hbm>>
      tpu.enqueue_indirect_dma source(%dma_start3A_143 : memref<1000000x64xf32, #tpu.memory_space<hbm>>) target(%dma_start3A_137 : memref<128x64xf32, #tpu.memory_space<vmem>>) offsets(%dma_start3A_140 : memref<128xi32, #tpu.memory_space<vmem>>) semaphore(%arg15 : memref<!tpu.dma_semaphore, #tpu.memory_space<semaphore_mem>>)
      %mul3A_144 = arith.constant 5 : i32
      %mul3A_145 = arith.muli %add3A_98, %mul3A_144 : i32
      %add3A_146 = arith.constant 3 : i32
      %add3A_147 = arith.addi %mul3A_145, %add3A_146 : i32
      %dma_start3A_148 = arith.constant 3 : i32
      %dma_start3A_149 = arith.constant 0 : i32
      %dma_start3A_150 = arith.constant 0 : i32
      %dma_start3A_151 = tpu.memref_slice %arg9[%dma_start3A_148, %dma_start3A_149, %dma_start3A_150] : memref<5x128x64xf32, #tpu.memory_space<vmem>> -> memref<1x128x64xf32, #tpu.memory_space<vmem>>
      %dma_start3A_152 = tpu.memref_squeeze %dma_start3A_151 : memref<1x128x64xf32, #tpu.memory_space<vmem>> -> memref<128x64xf32, #tpu.memory_space<vmem>>
      %dma_start3A_153 = arith.constant 0 : i32
      %dma_start3A_154 = tpu.memref_slice %arg7[%add3A_147, %dma_start3A_153] : memref<50x128xi32, #tpu.memory_space<vmem>> -> memref<1x128xi32, #tpu.memory_space<vmem>>
      %dma_start3A_155 = tpu.memref_squeeze %dma_start3A_154 : memref<1x128xi32, #tpu.memory_space<vmem>> -> memref<128xi32, #tpu.memory_space<vmem>>
      %dma_start3A_156 = arith.constant 0 : i32
      %dma_start3A_157 = arith.constant 0 : i32
      %dma_start3A_158 = tpu.memref_slice %arg5[%dma_start3A_156, %dma_start3A_157] : memref<1000000x64xf32, #tpu.memory_space<hbm>> -> memref<1000000x64xf32, #tpu.memory_space<hbm>>
      tpu.enqueue_indirect_dma source(%dma_start3A_158 : memref<1000000x64xf32, #tpu.memory_space<hbm>>) target(%dma_start3A_152 : memref<128x64xf32, #tpu.memory_space<vmem>>) offsets(%dma_start3A_155 : memref<128xi32, #tpu.memory_space<vmem>>) semaphore(%arg15 : memref<!tpu.dma_semaphore, #tpu.memory_space<semaphore_mem>>)
      %mul3A_159 = arith.constant 5 : i32
      %mul3A_160 = arith.muli %add3A_98, %mul3A_159 : i32
      %add3A_161 = arith.constant 4 : i32
      %add3A_162 = arith.addi %mul3A_160, %add3A_161 : i32
      %dma_start3A_163 = arith.constant 4 : i32
      %dma_start3A_164 = arith.constant 0 : i32
      %dma_start3A_165 = arith.constant 0 : i32
      %dma_start3A_166 = tpu.memref_slice %arg9[%dma_start3A_163, %dma_start3A_164, %dma_start3A_165] : memref<5x128x64xf32, #tpu.memory_space<vmem>> -> memref<1x128x64xf32, #tpu.memory_space<vmem>>
      %dma_start3A_167 = tpu.memref_squeeze %dma_start3A_166 : memref<1x128x64xf32, #tpu.memory_space<vmem>> -> memref<128x64xf32, #tpu.memory_space<vmem>>
      %dma_start3A_168 = arith.constant 0 : i32
      %dma_start3A_169 = tpu.memref_slice %arg7[%add3A_162, %dma_start3A_168] : memref<50x128xi32, #tpu.memory_space<vmem>> -> memref<1x128xi32, #tpu.memory_space<vmem>>
      %dma_start3A_170 = tpu.memref_squeeze %dma_start3A_169 : memref<1x128xi32, #tpu.memory_space<vmem>> -> memref<128xi32, #tpu.memory_space<vmem>>
      %dma_start3A_171 = arith.constant 0 : i32
      %dma_start3A_172 = arith.constant 0 : i32
      %dma_start3A_173 = tpu.memref_slice %arg5[%dma_start3A_171, %dma_start3A_172] : memref<1000000x64xf32, #tpu.memory_space<hbm>> -> memref<1000000x64xf32, #tpu.memory_space<hbm>>
      tpu.enqueue_indirect_dma source(%dma_start3A_173 : memref<1000000x64xf32, #tpu.memory_space<hbm>>) target(%dma_start3A_167 : memref<128x64xf32, #tpu.memory_space<vmem>>) offsets(%dma_start3A_170 : memref<128xi32, #tpu.memory_space<vmem>>) semaphore(%arg15 : memref<!tpu.dma_semaphore, #tpu.memory_space<semaphore_mem>>)
      %dma_wait3A = arith.constant 0 : i32
      %dma_wait3A_174 = arith.constant 0 : i32
      %dma_wait3A_175 = arith.constant 0 : i32
      %dma_wait3A_176 = tpu.memref_slice %arg8[%dma_wait3A, %dma_wait3A_174, %dma_wait3A_175] : memref<5x128x64xf32, #tpu.memory_space<vmem>> -> memref<1x128x64xf32, #tpu.memory_space<vmem>>
      %dma_wait3A_177 = tpu.memref_squeeze %dma_wait3A_176 : memref<1x128x64xf32, #tpu.memory_space<vmem>> -> memref<128x64xf32, #tpu.memory_space<vmem>>
      %dma_wait3A_178 = arith.constant 0 : i32
      %dma_wait3A_179 = arith.constant 0 : i32
      %dma_wait3A_180 = tpu.memref_slice %arg5[%dma_wait3A_178, %dma_wait3A_179] : memref<1000000x64xf32, #tpu.memory_space<hbm>> -> memref<128x64xf32, #tpu.memory_space<hbm>>
      %dma_wait3A_181 = arith.constant 0 : i32
      %dma_wait3A_182 = arith.constant 0 : i32
      %dma_wait3A_183 = tpu.memref_slice %arg8[%dma_wait3A, %dma_wait3A_181, %dma_wait3A_182] : memref<5x128x64xf32, #tpu.memory_space<vmem>> -> memref<1x128x64xf32, #tpu.memory_space<vmem>>
      %dma_wait3A_184 = tpu.memref_squeeze %dma_wait3A_183 : memref<1x128x64xf32, #tpu.memory_space<vmem>> -> memref<128x64xf32, #tpu.memory_space<vmem>>
      %dma_wait3A_185 = arith.constant 0 : i32
      %dma_wait3A_186 = arith.constant 0 : i32
      %dma_wait3A_187 = tpu.memref_slice %arg5[%dma_wait3A_185, %dma_wait3A_186] : memref<1000000x64xf32, #tpu.memory_space<hbm>> -> memref<128x64xf32, #tpu.memory_space<hbm>>
      tpu.wait_dma2 semaphore(%arg14 : memref<!tpu.dma_semaphore, #tpu.memory_space<semaphore_mem>>) src(%dma_wait3A_187 : memref<128x64xf32, #tpu.memory_space<hbm>>) dst(%dma_wait3A_184 : memref<128x64xf32, #tpu.memory_space<vmem>>)
      %dma_wait3A_188 = arith.constant 1 : i32
      %dma_wait3A_189 = arith.constant 0 : i32
      %dma_wait3A_190 = arith.constant 0 : i32
      %dma_wait3A_191 = tpu.memref_slice %arg8[%dma_wait3A_188, %dma_wait3A_189, %dma_wait3A_190] : memref<5x128x64xf32, #tpu.memory_space<vmem>> -> memref<1x128x64xf32, #tpu.memory_space<vmem>>
      %dma_wait3A_192 = tpu.memref_squeeze %dma_wait3A_191 : memref<1x128x64xf32, #tpu.memory_space<vmem>> -> memref<128x64xf32, #tpu.memory_space<vmem>>
      %dma_wait3A_193 = arith.constant 0 : i32
      %dma_wait3A_194 = arith.constant 0 : i32
      %dma_wait3A_195 = tpu.memref_slice %arg5[%dma_wait3A_193, %dma_wait3A_194] : memref<1000000x64xf32, #tpu.memory_space<hbm>> -> memref<128x64xf32, #tpu.memory_space<hbm>>
      %dma_wait3A_196 = arith.constant 0 : i32
      %dma_wait3A_197 = arith.constant 0 : i32
      %dma_wait3A_198 = tpu.memref_slice %arg8[%dma_wait3A_188, %dma_wait3A_196, %dma_wait3A_197] : memref<5x128x64xf32, #tpu.memory_space<vmem>> -> memref<1x128x64xf32, #tpu.memory_space<vmem>>
      %dma_wait3A_199 = tpu.memref_squeeze %dma_wait3A_198 : memref<1x128x64xf32, #tpu.memory_space<vmem>> -> memref<128x64xf32, #tpu.memory_space<vmem>>
      %dma_wait3A_200 = arith.constant 0 : i32
      %dma_wait3A_201 = arith.constant 0 : i32
      %dma_wait3A_202 = tpu.memref_slice %arg5[%dma_wait3A_200, %dma_wait3A_201] : memref<1000000x64xf32, #tpu.memory_space<hbm>> -> memref<128x64xf32, #tpu.memory_space<hbm>>
      tpu.wait_dma2 semaphore(%arg14 : memref<!tpu.dma_semaphore, #tpu.memory_space<semaphore_mem>>) src(%dma_wait3A_202 : memref<128x64xf32, #tpu.memory_space<hbm>>) dst(%dma_wait3A_199 : memref<128x64xf32, #tpu.memory_space<vmem>>)
      %dma_wait3A_203 = arith.constant 2 : i32
      %dma_wait3A_204 = arith.constant 0 : i32
      %dma_wait3A_205 = arith.constant 0 : i32
      %dma_wait3A_206 = tpu.memref_slice %arg8[%dma_wait3A_203, %dma_wait3A_204, %dma_wait3A_205] : memref<5x128x64xf32, #tpu.memory_space<vmem>> -> memref<1x128x64xf32, #tpu.memory_space<vmem>>
      %dma_wait3A_207 = tpu.memref_squeeze %dma_wait3A_206 : memref<1x128x64xf32, #tpu.memory_space<vmem>> -> memref<128x64xf32, #tpu.memory_space<vmem>>
      %dma_wait3A_208 = arith.constant 0 : i32
      %dma_wait3A_209 = arith.constant 0 : i32
      %dma_wait3A_210 = tpu.memref_slice %arg5[%dma_wait3A_208, %dma_wait3A_209] : memref<1000000x64xf32, #tpu.memory_space<hbm>> -> memref<128x64xf32, #tpu.memory_space<hbm>>
      %dma_wait3A_211 = arith.constant 0 : i32
      %dma_wait3A_212 = arith.constant 0 : i32
      %dma_wait3A_213 = tpu.memref_slice %arg8[%dma_wait3A_203, %dma_wait3A_211, %dma_wait3A_212] : memref<5x128x64xf32, #tpu.memory_space<vmem>> -> memref<1x128x64xf32, #tpu.memory_space<vmem>>
      %dma_wait3A_214 = tpu.memref_squeeze %dma_wait3A_213 : memref<1x128x64xf32, #tpu.memory_space<vmem>> -> memref<128x64xf32, #tpu.memory_space<vmem>>
      %dma_wait3A_215 = arith.constant 0 : i32
      %dma_wait3A_216 = arith.constant 0 : i32
      %dma_wait3A_217 = tpu.memref_slice %arg5[%dma_wait3A_215, %dma_wait3A_216] : memref<1000000x64xf32, #tpu.memory_space<hbm>> -> memref<128x64xf32, #tpu.memory_space<hbm>>
      tpu.wait_dma2 semaphore(%arg14 : memref<!tpu.dma_semaphore, #tpu.memory_space<semaphore_mem>>) src(%dma_wait3A_217 : memref<128x64xf32, #tpu.memory_space<hbm>>) dst(%dma_wait3A_214 : memref<128x64xf32, #tpu.memory_space<vmem>>)
      %dma_wait3A_218 = arith.constant 3 : i32
      %dma_wait3A_219 = arith.constant 0 : i32
      %dma_wait3A_220 = arith.constant 0 : i32
      %dma_wait3A_221 = tpu.memref_slice %arg8[%dma_wait3A_218, %dma_wait3A_219, %dma_wait3A_220] : memref<5x128x64xf32, #tpu.memory_space<vmem>> -> memref<1x128x64xf32, #tpu.memory_space<vmem>>
      %dma_wait3A_222 = tpu.memref_squeeze %dma_wait3A_221 : memref<1x128x64xf32, #tpu.memory_space<vmem>> -> memref<128x64xf32, #tpu.memory_space<vmem>>
      %dma_wait3A_223 = arith.constant 0 : i32
      %dma_wait3A_224 = arith.constant 0 : i32
      %dma_wait3A_225 = tpu.memref_slice %arg5[%dma_wait3A_223, %dma_wait3A_224] : memref<1000000x64xf32, #tpu.memory_space<hbm>> -> memref<128x64xf32, #tpu.memory_space<hbm>>
      %dma_wait3A_226 = arith.constant 0 : i32
      %dma_wait3A_227 = arith.constant 0 : i32
      %dma_wait3A_228 = tpu.memref_slice %arg8[%dma_wait3A_218, %dma_wait3A_226, %dma_wait3A_227] : memref<5x128x64xf32, #tpu.memory_space<vmem>> -> memref<1x128x64xf32, #tpu.memory_space<vmem>>
      %dma_wait3A_229 = tpu.memref_squeeze %dma_wait3A_228 : memref<1x128x64xf32, #tpu.memory_space<vmem>> -> memref<128x64xf32, #tpu.memory_space<vmem>>
      %dma_wait3A_230 = arith.constant 0 : i32
      %dma_wait3A_231 = arith.constant 0 : i32
      %dma_wait3A_232 = tpu.memref_slice %arg5[%dma_wait3A_230, %dma_wait3A_231] : memref<1000000x64xf32, #tpu.memory_space<hbm>> -> memref<128x64xf32, #tpu.memory_space<hbm>>
      tpu.wait_dma2 semaphore(%arg14 : memref<!tpu.dma_semaphore, #tpu.memory_space<semaphore_mem>>) src(%dma_wait3A_232 : memref<128x64xf32, #tpu.memory_space<hbm>>) dst(%dma_wait3A_229 : memref<128x64xf32, #tpu.memory_space<vmem>>)
      %dma_wait3A_233 = arith.constant 4 : i32
      %dma_wait3A_234 = arith.constant 0 : i32
      %dma_wait3A_235 = arith.constant 0 : i32
      %dma_wait3A_236 = tpu.memref_slice %arg8[%dma_wait3A_233, %dma_wait3A_234, %dma_wait3A_235] : memref<5x128x64xf32, #tpu.memory_space<vmem>> -> memref<1x128x64xf32, #tpu.memory_space<vmem>>
      %dma_wait3A_237 = tpu.memref_squeeze %dma_wait3A_236 : memref<1x128x64xf32, #tpu.memory_space<vmem>> -> memref<128x64xf32, #tpu.memory_space<vmem>>
      %dma_wait3A_238 = arith.constant 0 : i32
      %dma_wait3A_239 = arith.constant 0 : i32
      %dma_wait3A_240 = tpu.memref_slice %arg5[%dma_wait3A_238, %dma_wait3A_239] : memref<1000000x64xf32, #tpu.memory_space<hbm>> -> memref<128x64xf32, #tpu.memory_space<hbm>>
      %dma_wait3A_241 = arith.constant 0 : i32
      %dma_wait3A_242 = arith.constant 0 : i32
      %dma_wait3A_243 = tpu.memref_slice %arg8[%dma_wait3A_233, %dma_wait3A_241, %dma_wait3A_242] : memref<5x128x64xf32, #tpu.memory_space<vmem>> -> memref<1x128x64xf32, #tpu.memory_space<vmem>>
      %dma_wait3A_244 = tpu.memref_squeeze %dma_wait3A_243 : memref<1x128x64xf32, #tpu.memory_space<vmem>> -> memref<128x64xf32, #tpu.memory_space<vmem>>
      %dma_wait3A_245 = arith.constant 0 : i32
      %dma_wait3A_246 = arith.constant 0 : i32
      %dma_wait3A_247 = tpu.memref_slice %arg5[%dma_wait3A_245, %dma_wait3A_246] : memref<1000000x64xf32, #tpu.memory_space<hbm>> -> memref<128x64xf32, #tpu.memory_space<hbm>>
      tpu.wait_dma2 semaphore(%arg14 : memref<!tpu.dma_semaphore, #tpu.memory_space<semaphore_mem>>) src(%dma_wait3A_247 : memref<128x64xf32, #tpu.memory_space<hbm>>) dst(%dma_wait3A_244 : memref<128x64xf32, #tpu.memory_space<vmem>>)
      %scan3A_248 = arith.constant 0 : i32
      %scan3A_249 = arith.constant 0 : i32
      %scan3A_250 = arith.constant 128 : i32
      %scan3A_251 = arith.addi %scan3A_249, %scan3A_250 : i32
      %scan3A_252 = arith.constant 1 : i32
      scf.for %scan3A_337 = %scan3A_249 to %scan3A_251 step %scan3A_252  : i32 {
        %get3A_338 = arith.constant 0 : i32
        %get3A_339 = arith.index_cast %get3A_338 : i32 to index
        %get3A_340 = arith.index_cast %scan3A_337 : i32 to index
        %get3A_341 = arith.constant 0 : index
        %get3A_342 = tpu.vector_load %arg8[%get3A_339, %get3A_340, %get3A_341] {strides = array<i32>} : memref<5x128x64xf32, #tpu.memory_space<vmem>>, vector<1x1x16xf32>,
        %get3A_343 = vector.shape_cast %get3A_342 : vector<1x1x16xf32> to vector<16xf32>
        %get3A_344 = arith.constant 1 : i32
        %get3A_345 = arith.index_cast %get3A_344 : i32 to index
        %get3A_346 = arith.index_cast %scan3A_337 : i32 to index
        %get3A_347 = arith.constant 0 : index
        %get3A_348 = tpu.vector_load %arg8[%get3A_345, %get3A_346, %get3A_347] {strides = array<i32>} : memref<5x128x64xf32, #tpu.memory_space<vmem>>, vector<1x1x16xf32>,
        %get3A_349 = vector.shape_cast %get3A_348 : vector<1x1x16xf32> to vector<16xf32>
        %add3A_350 = arith.addf %get3A_343, %get3A_349 : vector<16xf32>
        %get3A_351 = arith.constant 2 : i32
        %get3A_352 = arith.index_cast %get3A_351 : i32 to index
        %get3A_353 = arith.index_cast %scan3A_337 : i32 to index
        %get3A_354 = arith.constant 0 : index
        %get3A_355 = tpu.vector_load %arg8[%get3A_352, %get3A_353, %get3A_354] {strides = array<i32>} : memref<5x128x64xf32, #tpu.memory_space<vmem>>, vector<1x1x16xf32>,
        %get3A_356 = vector.shape_cast %get3A_355 : vector<1x1x16xf32> to vector<16xf32>
        %add3A_357 = arith.addf %add3A_350, %get3A_356 : vector<16xf32>
        %get3A_358 = arith.constant 3 : i32
        %get3A_359 = arith.index_cast %get3A_358 : i32 to index
        %get3A_360 = arith.index_cast %scan3A_337 : i32 to index
        %get3A_361 = arith.constant 0 : index
        %get3A_362 = tpu.vector_load %arg8[%get3A_359, %get3A_360, %get3A_361] {strides = array<i32>} : memref<5x128x64xf32, #tpu.memory_space<vmem>>, vector<1x1x16xf32>,
        %get3A_363 = vector.shape_cast %get3A_362 : vector<1x1x16xf32> to vector<16xf32>
        %add3A_364 = arith.addf %add3A_357, %get3A_363 : vector<16xf32>
        %get3A_365 = arith.constant 4 : i32
        %get3A_366 = arith.index_cast %get3A_365 : i32 to index
        %get3A_367 = arith.index_cast %scan3A_337 : i32 to index
        %get3A_368 = arith.constant 0 : index
        %get3A_369 = tpu.vector_load %arg8[%get3A_366, %get3A_367, %get3A_368] {strides = array<i32>} : memref<5x128x64xf32, #tpu.memory_space<vmem>>, vector<1x1x16xf32>,
        %get3A_370 = vector.shape_cast %get3A_369 : vector<1x1x16xf32> to vector<16xf32>
        %add3A_371 = arith.addf %add3A_364, %get3A_370 : vector<16xf32>
        %swap3A = arith.index_cast %scan3A_337 : i32 to index
        %swap3A_372 = arith.constant 0 : index
        %swap3A_373 = tpu.vector_load %arg10[%swap3A, %swap3A_372] {strides = array<i32>} : memref<128x64xf32, #tpu.memory_space<vmem>>, vector<1x16xf32>,
        %swap3A_374 = vector.shape_cast %swap3A_373 : vector<1x16xf32> to vector<16xf32>
        %swap3A_375 = vector.shape_cast %add3A_371 : vector<16xf32> to vector<1x16xf32>
        tpu.vector_store %arg10[%swap3A, %swap3A_372], %swap3A_375 {add = true, strides = array<i32>} : memref<128x64xf32, #tpu.memory_space<vmem>>, vector<1x16xf32>,
        %get3A_376 = arith.constant 0 : i32
        %get3A_377 = arith.index_cast %get3A_376 : i32 to index
        %get3A_378 = arith.index_cast %scan3A_337 : i32 to index
        %get3A_379 = arith.constant 16 : index
        %get3A_380 = tpu.vector_load %arg8[%get3A_377, %get3A_378, %get3A_379] {strides = array<i32>} : memref<5x128x64xf32, #tpu.memory_space<vmem>>, vector<1x1x16xf32>,
        %get3A_381 = vector.shape_cast %get3A_380 : vector<1x1x16xf32> to vector<16xf32>
        %get3A_382 = arith.constant 1 : i32
        %get3A_383 = arith.index_cast %get3A_382 : i32 to index
        %get3A_384 = arith.index_cast %scan3A_337 : i32 to index
        %get3A_385 = arith.constant 16 : index
        %get3A_386 = tpu.vector_load %arg8[%get3A_383, %get3A_384, %get3A_385] {strides = array<i32>} : memref<5x128x64xf32, #tpu.memory_space<vmem>>, vector<1x1x16xf32>,
        %get3A_387 = vector.shape_cast %get3A_386 : vector<1x1x16xf32> to vector<16xf32>
        %add3A_388 = arith.addf %get3A_381, %get3A_387 : vector<16xf32>
        %get3A_389 = arith.constant 2 : i32
        %get3A_390 = arith.index_cast %get3A_389 : i32 to index
        %get3A_391 = arith.index_cast %scan3A_337 : i32 to index
        %get3A_392 = arith.constant 16 : index
        %get3A_393 = tpu.vector_load %arg8[%get3A_390, %get3A_391, %get3A_392] {strides = array<i32>} : memref<5x128x64xf32, #tpu.memory_space<vmem>>, vector<1x1x16xf32>,
        %get3A_394 = vector.shape_cast %get3A_393 : vector<1x1x16xf32> to vector<16xf32>
        %add3A_395 = arith.addf %add3A_388, %get3A_394 : vector<16xf32>
        %get3A_396 = arith.constant 3 : i32
        %get3A_397 = arith.index_cast %get3A_396 : i32 to index
        %get3A_398 = arith.index_cast %scan3A_337 : i32 to index
        %get3A_399 = arith.constant 16 : index
        %get3A_400 = tpu.vector_load %arg8[%get3A_397, %get3A_398, %get3A_399] {strides = array<i32>} : memref<5x128x64xf32, #tpu.memory_space<vmem>>, vector<1x1x16xf32>,
        %get3A_401 = vector.shape_cast %get3A_400 : vector<1x1x16xf32> to vector<16xf32>
        %add3A_402 = arith.addf %add3A_395, %get3A_401 : vector<16xf32>
        %get3A_403 = arith.constant 4 : i32
        %get3A_404 = arith.index_cast %get3A_403 : i32 to index
        %get3A_405 = arith.index_cast %scan3A_337 : i32 to index
        %get3A_406 = arith.constant 16 : index
        %get3A_407 = tpu.vector_load %arg8[%get3A_404, %get3A_405, %get3A_406] {strides = array<i32>} : memref<5x128x64xf32, #tpu.memory_space<vmem>>, vector<1x1x16xf32>,
        %get3A_408 = vector.shape_cast %get3A_407 : vector<1x1x16xf32> to vector<16xf32>
        %add3A_409 = arith.addf %add3A_402, %get3A_408 : vector<16xf32>
        %swap3A_410 = arith.index_cast %scan3A_337 : i32 to index
        %swap3A_411 = arith.constant 16 : index
        %swap3A_412 = tpu.vector_load %arg10[%swap3A_410, %swap3A_411] {strides = array<i32>} : memref<128x64xf32, #tpu.memory_space<vmem>>, vector<1x16xf32>,
        %swap3A_413 = vector.shape_cast %swap3A_412 : vector<1x16xf32> to vector<16xf32>
        %swap3A_414 = vector.shape_cast %add3A_409 : vector<16xf32> to vector<1x16xf32>
        tpu.vector_store %arg10[%swap3A_410, %swap3A_411], %swap3A_414 {add = true, strides = array<i32>} : memref<128x64xf32, #tpu.memory_space<vmem>>, vector<1x16xf32>,
        %get3A_415 = arith.constant 0 : i32
        %get3A_416 = arith.index_cast %get3A_415 : i32 to index
        %get3A_417 = arith.index_cast %scan3A_337 : i32 to index
        %get3A_418 = arith.constant 32 : index
        %get3A_419 = tpu.vector_load %arg8[%get3A_416, %get3A_417, %get3A_418] {strides = array<i32>} : memref<5x128x64xf32, #tpu.memory_space<vmem>>, vector<1x1x16xf32>,
        %get3A_420 = vector.shape_cast %get3A_419 : vector<1x1x16xf32> to vector<16xf32>
        %get3A_421 = arith.constant 1 : i32
        %get3A_422 = arith.index_cast %get3A_421 : i32 to index
        %get3A_423 = arith.index_cast %scan3A_337 : i32 to index
        %get3A_424 = arith.constant 32 : index
        %get3A_425 = tpu.vector_load %arg8[%get3A_422, %get3A_423, %get3A_424] {strides = array<i32>} : memref<5x128x64xf32, #tpu.memory_space<vmem>>, vector<1x1x16xf32>,
        %get3A_426 = vector.shape_cast %get3A_425 : vector<1x1x16xf32> to vector<16xf32>
        %add3A_427 = arith.addf %get3A_420, %get3A_426 : vector<16xf32>
        %get3A_428 = arith.constant 2 : i32
        %get3A_429 = arith.index_cast %get3A_428 : i32 to index
        %get3A_430 = arith.index_cast %scan3A_337 : i32 to index
        %get3A_431 = arith.constant 32 : index
        %get3A_432 = tpu.vector_load %arg8[%get3A_429, %get3A_430, %get3A_431] {strides = array<i32>} : memref<5x128x64xf32, #tpu.memory_space<vmem>>, vector<1x1x16xf32>,
        %get3A_433 = vector.shape_cast %get3A_432 : vector<1x1x16xf32> to vector<16xf32>
        %add3A_434 = arith.addf %add3A_427, %get3A_433 : vector<16xf32>
        %get3A_435 = arith.constant 3 : i32
        %get3A_436 = arith.index_cast %get3A_435 : i32 to index
        %get3A_437 = arith.index_cast %scan3A_337 : i32 to index
        %get3A_438 = arith.constant 32 : index
        %get3A_439 = tpu.vector_load %arg8[%get3A_436, %get3A_437, %get3A_438] {strides = array<i32>} : memref<5x128x64xf32, #tpu.memory_space<vmem>>, vector<1x1x16xf32>,
        %get3A_440 = vector.shape_cast %get3A_439 : vector<1x1x16xf32> to vector<16xf32>
        %add3A_441 = arith.addf %add3A_434, %get3A_440 : vector<16xf32>
        %get3A_442 = arith.constant 4 : i32
        %get3A_443 = arith.index_cast %get3A_442 : i32 to index
        %get3A_444 = arith.index_cast %scan3A_337 : i32 to index
        %get3A_445 = arith.constant 32 : index
        %get3A_446 = tpu.vector_load %arg8[%get3A_443, %get3A_444, %get3A_445] {strides = array<i32>} : memref<5x128x64xf32, #tpu.memory_space<vmem>>, vector<1x1x16xf32>,
        %get3A_447 = vector.shape_cast %get3A_446 : vector<1x1x16xf32> to vector<16xf32>
        %add3A_448 = arith.addf %add3A_441, %get3A_447 : vector<16xf32>
        %swap3A_449 = arith.index_cast %scan3A_337 : i32 to index
        %swap3A_450 = arith.constant 32 : index
        %swap3A_451 = tpu.vector_load %arg10[%swap3A_449, %swap3A_450] {strides = array<i32>} : memref<128x64xf32, #tpu.memory_space<vmem>>, vector<1x16xf32>,
        %swap3A_452 = vector.shape_cast %swap3A_451 : vector<1x16xf32> to vector<16xf32>
        %swap3A_453 = vector.shape_cast %add3A_448 : vector<16xf32> to vector<1x16xf32>
        tpu.vector_store %arg10[%swap3A_449, %swap3A_450], %swap3A_453 {add = true, strides = array<i32>} : memref<128x64xf32, #tpu.memory_space<vmem>>, vector<1x16xf32>,
        %get3A_454 = arith.constant 0 : i32
        %get3A_455 = arith.index_cast %get3A_454 : i32 to index
        %get3A_456 = arith.index_cast %scan3A_337 : i32 to index
        %get3A_457 = arith.constant 48 : index
        %get3A_458 = tpu.vector_load %arg8[%get3A_455, %get3A_456, %get3A_457] {strides = array<i32>} : memref<5x128x64xf32, #tpu.memory_space<vmem>>, vector<1x1x16xf32>,
        %get3A_459 = vector.shape_cast %get3A_458 : vector<1x1x16xf32> to vector<16xf32>
        %get3A_460 = arith.constant 1 : i32
        %get3A_461 = arith.index_cast %get3A_460 : i32 to index
        %get3A_462 = arith.index_cast %scan3A_337 : i32 to index
        %get3A_463 = arith.constant 48 : index
        %get3A_464 = tpu.vector_load %arg8[%get3A_461, %get3A_462, %get3A_463] {strides = array<i32>} : memref<5x128x64xf32, #tpu.memory_space<vmem>>, vector<1x1x16xf32>,
        %get3A_465 = vector.shape_cast %get3A_464 : vector<1x1x16xf32> to vector<16xf32>
        %add3A_466 = arith.addf %get3A_459, %get3A_465 : vector<16xf32>
        %get3A_467 = arith.constant 2 : i32
        %get3A_468 = arith.index_cast %get3A_467 : i32 to index
        %get3A_469 = arith.index_cast %scan3A_337 : i32 to index
        %get3A_470 = arith.constant 48 : index
        %get3A_471 = tpu.vector_load %arg8[%get3A_468, %get3A_469, %get3A_470] {strides = array<i32>} : memref<5x128x64xf32, #tpu.memory_space<vmem>>, vector<1x1x16xf32>,
        %get3A_472 = vector.shape_cast %get3A_471 : vector<1x1x16xf32> to vector<16xf32>
        %add3A_473 = arith.addf %add3A_466, %get3A_472 : vector<16xf32>
        %get3A_474 = arith.constant 3 : i32
        %get3A_475 = arith.index_cast %get3A_474 : i32 to index
        %get3A_476 = arith.index_cast %scan3A_337 : i32 to index
        %get3A_477 = arith.constant 48 : index
        %get3A_478 = tpu.vector_load %arg8[%get3A_475, %get3A_476, %get3A_477] {strides = array<i32>} : memref<5x128x64xf32, #tpu.memory_space<vmem>>, vector<1x1x16xf32>,
        %get3A_479 = vector.shape_cast %get3A_478 : vector<1x1x16xf32> to vector<16xf32>
        %add3A_480 = arith.addf %add3A_473, %get3A_479 : vector<16xf32>
        %get3A_481 = arith.constant 4 : i32
        %get3A_482 = arith.index_cast %get3A_481 : i32 to index
        %get3A_483 = arith.index_cast %scan3A_337 : i32 to index
        %get3A_484 = arith.constant 48 : index
        %get3A_485 = tpu.vector_load %arg8[%get3A_482, %get3A_483, %get3A_484] {strides = array<i32>} : memref<5x128x64xf32, #tpu.memory_space<vmem>>, vector<1x1x16xf32>,
        %get3A_486 = vector.shape_cast %get3A_485 : vector<1x1x16xf32> to vector<16xf32>
        %add3A_487 = arith.addf %add3A_480, %get3A_486 : vector<16xf32>
        %swap3A_488 = arith.index_cast %scan3A_337 : i32 to index
        %swap3A_489 = arith.constant 48 : index
        %swap3A_490 = tpu.vector_load %arg10[%swap3A_488, %swap3A_489] {strides = array<i32>} : memref<128x64xf32, #tpu.memory_space<vmem>>, vector<1x16xf32>,
        %swap3A_491 = vector.shape_cast %swap3A_490 : vector<1x16xf32> to vector<16xf32>
        %swap3A_492 = vector.shape_cast %add3A_487 : vector<16xf32> to vector<1x16xf32>
        tpu.vector_store %arg10[%swap3A_488, %swap3A_489], %swap3A_492 {add = true, strides = array<i32>} : memref<128x64xf32, #tpu.memory_space<vmem>>, vector<1x16xf32>,
      }
      %scan3A_253 = arith.constant 128 : i32
      %lt3A = arith.constant 4 : i32
      %lt3A_254 = arith.cmpi slt, %scan3A_94, %lt3A : i32
      %convert_element_type3A = arith.extui %lt3A_254 : i1 to i32
      %cond3A = arith.constant 0 : i32
      %cond3A_255 = arith.cmpi ne, %convert_element_type3A, %cond3A : i32
      scf.if %cond3A_255 {
        %mul3A_337 = arith.constant 2 : i32
        %mul3A_338 = arith.muli %mul3A_337, %scan3A_94 : i32
        %add3A_339 = arith.constant 2 : i32
        %add3A_340 = arith.addi %mul3A_338, %add3A_339 : i32
        %mul3A_341 = arith.constant 5 : i32
        %mul3A_342 = arith.muli %add3A_340, %mul3A_341 : i32
        %add3A_343 = arith.constant 0 : i32
        %add3A_344 = arith.addi %mul3A_342, %add3A_343 : i32
        %dma_start3A_345 = arith.constant 0 : i32
        %dma_start3A_346 = arith.constant 0 : i32
        %dma_start3A_347 = arith.constant 0 : i32
        %dma_start3A_348 = tpu.memref_slice %arg8[%dma_start3A_345, %dma_start3A_346, %dma_start3A_347] : memref<5x128x64xf32, #tpu.memory_space<vmem>> -> memref<1x128x64xf32, #tpu.memory_space<vmem>>
        %dma_start3A_349 = tpu.memref_squeeze %dma_start3A_348 : memref<1x128x64xf32, #tpu.memory_space<vmem>> -> memref<128x64xf32, #tpu.memory_space<vmem>>
        %dma_start3A_350 = arith.constant 0 : i32
        %dma_start3A_351 = tpu.memref_slice %arg7[%add3A_344, %dma_start3A_350] : memref<50x128xi32, #tpu.memory_space<vmem>> -> memref<1x128xi32, #tpu.memory_space<vmem>>
        %dma_start3A_352 = tpu.memref_squeeze %dma_start3A_351 : memref<1x128xi32, #tpu.memory_space<vmem>> -> memref<128xi32, #tpu.memory_space<vmem>>
        %dma_start3A_353 = arith.constant 0 : i32
        %dma_start3A_354 = arith.constant 0 : i32
        %dma_start3A_355 = tpu.memref_slice %arg5[%dma_start3A_353, %dma_start3A_354] : memref<1000000x64xf32, #tpu.memory_space<hbm>> -> memref<1000000x64xf32, #tpu.memory_space<hbm>>
        tpu.enqueue_indirect_dma source(%dma_start3A_355 : memref<1000000x64xf32, #tpu.memory_space<hbm>>) target(%dma_start3A_349 : memref<128x64xf32, #tpu.memory_space<vmem>>) offsets(%dma_start3A_352 : memref<128xi32, #tpu.memory_space<vmem>>) semaphore(%arg14 : memref<!tpu.dma_semaphore, #tpu.memory_space<semaphore_mem>>)
        %mul3A_356 = arith.constant 5 : i32
        %mul3A_357 = arith.muli %add3A_340, %mul3A_356 : i32
        %add3A_358 = arith.constant 1 : i32
        %add3A_359 = arith.addi %mul3A_357, %add3A_358 : i32
        %dma_start3A_360 = arith.constant 1 : i32
        %dma_start3A_361 = arith.constant 0 : i32
        %dma_start3A_362 = arith.constant 0 : i32
        %dma_start3A_363 = tpu.memref_slice %arg8[%dma_start3A_360, %dma_start3A_361, %dma_start3A_362] : memref<5x128x64xf32, #tpu.memory_space<vmem>> -> memref<1x128x64xf32, #tpu.memory_space<vmem>>
        %dma_start3A_364 = tpu.memref_squeeze %dma_start3A_363 : memref<1x128x64xf32, #tpu.memory_space<vmem>> -> memref<128x64xf32, #tpu.memory_space<vmem>>
        %dma_start3A_365 = arith.constant 0 : i32
        %dma_start3A_366 = tpu.memref_slice %arg7[%add3A_359, %dma_start3A_365] : memref<50x128xi32, #tpu.memory_space<vmem>> -> memref<1x128xi32, #tpu.memory_space<vmem>>
        %dma_start3A_367 = tpu.memref_squeeze %dma_start3A_366 : memref<1x128xi32, #tpu.memory_space<vmem>> -> memref<128xi32, #tpu.memory_space<vmem>>
        %dma_start3A_368 = arith.constant 0 : i32
        %dma_start3A_369 = arith.constant 0 : i32
        %dma_start3A_370 = tpu.memref_slice %arg5[%dma_start3A_368, %dma_start3A_369] : memref<1000000x64xf32, #tpu.memory_space<hbm>> -> memref<1000000x64xf32, #tpu.memory_space<hbm>>
        tpu.enqueue_indirect_dma source(%dma_start3A_370 : memref<1000000x64xf32, #tpu.memory_space<hbm>>) target(%dma_start3A_364 : memref<128x64xf32, #tpu.memory_space<vmem>>) offsets(%dma_start3A_367 : memref<128xi32, #tpu.memory_space<vmem>>) semaphore(%arg14 : memref<!tpu.dma_semaphore, #tpu.memory_space<semaphore_mem>>)
        %mul3A_371 = arith.constant 5 : i32
        %mul3A_372 = arith.muli %add3A_340, %mul3A_371 : i32
        %add3A_373 = arith.constant 2 : i32
        %add3A_374 = arith.addi %mul3A_372, %add3A_373 : i32
        %dma_start3A_375 = arith.constant 2 : i32
        %dma_start3A_376 = arith.constant 0 : i32
        %dma_start3A_377 = arith.constant 0 : i32
        %dma_start3A_378 = tpu.memref_slice %arg8[%dma_start3A_375, %dma_start3A_376, %dma_start3A_377] : memref<5x128x64xf32, #tpu.memory_space<vmem>> -> memref<1x128x64xf32, #tpu.memory_space<vmem>>
        %dma_start3A_379 = tpu.memref_squeeze %dma_start3A_378 : memref<1x128x64xf32, #tpu.memory_space<vmem>> -> memref<128x64xf32, #tpu.memory_space<vmem>>
        %dma_start3A_380 = arith.constant 0 : i32
        %dma_start3A_381 = tpu.memref_slice %arg7[%add3A_374, %dma_start3A_380] : memref<50x128xi32, #tpu.memory_space<vmem>> -> memref<1x128xi32, #tpu.memory_space<vmem>>
        %dma_start3A_382 = tpu.memref_squeeze %dma_start3A_381 : memref<1x128xi32, #tpu.memory_space<vmem>> -> memref<128xi32, #tpu.memory_space<vmem>>
        %dma_start3A_383 = arith.constant 0 : i32
        %dma_start3A_384 = arith.constant 0 : i32
        %dma_start3A_385 = tpu.memref_slice %arg5[%dma_start3A_383, %dma_start3A_384] : memref<1000000x64xf32, #tpu.memory_space<hbm>> -> memref<1000000x64xf32, #tpu.memory_space<hbm>>
        tpu.enqueue_indirect_dma source(%dma_start3A_385 : memref<1000000x64xf32, #tpu.memory_space<hbm>>) target(%dma_start3A_379 : memref<128x64xf32, #tpu.memory_space<vmem>>) offsets(%dma_start3A_382 : memref<128xi32, #tpu.memory_space<vmem>>) semaphore(%arg14 : memref<!tpu.dma_semaphore, #tpu.memory_space<semaphore_mem>>)
        %mul3A_386 = arith.constant 5 : i32
        %mul3A_387 = arith.muli %add3A_340, %mul3A_386 : i32
        %add3A_388 = arith.constant 3 : i32
        %add3A_389 = arith.addi %mul3A_387, %add3A_388 : i32
        %dma_start3A_390 = arith.constant 3 : i32
        %dma_start3A_391 = arith.constant 0 : i32
        %dma_start3A_392 = arith.constant 0 : i32
        %dma_start3A_393 = tpu.memref_slice %arg8[%dma_start3A_390, %dma_start3A_391, %dma_start3A_392] : memref<5x128x64xf32, #tpu.memory_space<vmem>> -> memref<1x128x64xf32, #tpu.memory_space<vmem>>
        %dma_start3A_394 = tpu.memref_squeeze %dma_start3A_393 : memref<1x128x64xf32, #tpu.memory_space<vmem>> -> memref<128x64xf32, #tpu.memory_space<vmem>>
        %dma_start3A_395 = arith.constant 0 : i32
        %dma_start3A_396 = tpu.memref_slice %arg7[%add3A_389, %dma_start3A_395] : memref<50x128xi32, #tpu.memory_space<vmem>> -> memref<1x128xi32, #tpu.memory_space<vmem>>
        %dma_start3A_397 = tpu.memref_squeeze %dma_start3A_396 : memref<1x128xi32, #tpu.memory_space<vmem>> -> memref<128xi32, #tpu.memory_space<vmem>>
        %dma_start3A_398 = arith.constant 0 : i32
        %dma_start3A_399 = arith.constant 0 : i32
        %dma_start3A_400 = tpu.memref_slice %arg5[%dma_start3A_398, %dma_start3A_399] : memref<1000000x64xf32, #tpu.memory_space<hbm>> -> memref<1000000x64xf32, #tpu.memory_space<hbm>>
        tpu.enqueue_indirect_dma source(%dma_start3A_400 : memref<1000000x64xf32, #tpu.memory_space<hbm>>) target(%dma_start3A_394 : memref<128x64xf32, #tpu.memory_space<vmem>>) offsets(%dma_start3A_397 : memref<128xi32, #tpu.memory_space<vmem>>) semaphore(%arg14 : memref<!tpu.dma_semaphore, #tpu.memory_space<semaphore_mem>>)
        %mul3A_401 = arith.constant 5 : i32
        %mul3A_402 = arith.muli %add3A_340, %mul3A_401 : i32
        %add3A_403 = arith.constant 4 : i32
        %add3A_404 = arith.addi %mul3A_402, %add3A_403 : i32
        %dma_start3A_405 = arith.constant 4 : i32
        %dma_start3A_406 = arith.constant 0 : i32
        %dma_start3A_407 = arith.constant 0 : i32
        %dma_start3A_408 = tpu.memref_slice %arg8[%dma_start3A_405, %dma_start3A_406, %dma_start3A_407] : memref<5x128x64xf32, #tpu.memory_space<vmem>> -> memref<1x128x64xf32, #tpu.memory_space<vmem>>
        %dma_start3A_409 = tpu.memref_squeeze %dma_start3A_408 : memref<1x128x64xf32, #tpu.memory_space<vmem>> -> memref<128x64xf32, #tpu.memory_space<vmem>>
        %dma_start3A_410 = arith.constant 0 : i32
        %dma_start3A_411 = tpu.memref_slice %arg7[%add3A_404, %dma_start3A_410] : memref<50x128xi32, #tpu.memory_space<vmem>> -> memref<1x128xi32, #tpu.memory_space<vmem>>
        %dma_start3A_412 = tpu.memref_squeeze %dma_start3A_411 : memref<1x128xi32, #tpu.memory_space<vmem>> -> memref<128xi32, #tpu.memory_space<vmem>>
        %dma_start3A_413 = arith.constant 0 : i32
        %dma_start3A_414 = arith.constant 0 : i32
        %dma_start3A_415 = tpu.memref_slice %arg5[%dma_start3A_413, %dma_start3A_414] : memref<1000000x64xf32, #tpu.memory_space<hbm>> -> memref<1000000x64xf32, #tpu.memory_space<hbm>>
        tpu.enqueue_indirect_dma source(%dma_start3A_415 : memref<1000000x64xf32, #tpu.memory_space<hbm>>) target(%dma_start3A_409 : memref<128x64xf32, #tpu.memory_space<vmem>>) offsets(%dma_start3A_412 : memref<128xi32, #tpu.memory_space<vmem>>) semaphore(%arg14 : memref<!tpu.dma_semaphore, #tpu.memory_space<semaphore_mem>>)
      } else {
      }
      %dma_wait3A_256 = arith.constant 0 : i32
      %dma_wait3A_257 = arith.constant 0 : i32
      %dma_wait3A_258 = arith.constant 0 : i32
      %dma_wait3A_259 = tpu.memref_slice %arg9[%dma_wait3A_256, %dma_wait3A_257, %dma_wait3A_258] : memref<5x128x64xf32, #tpu.memory_space<vmem>> -> memref<1x128x64xf32, #tpu.memory_space<vmem>>
      %dma_wait3A_260 = tpu.memref_squeeze %dma_wait3A_259 : memref<1x128x64xf32, #tpu.memory_space<vmem>> -> memref<128x64xf32, #tpu.memory_space<vmem>>
      %dma_wait3A_261 = arith.constant 0 : i32
      %dma_wait3A_262 = arith.constant 0 : i32
      %dma_wait3A_263 = tpu.memref_slice %arg5[%dma_wait3A_261, %dma_wait3A_262] : memref<1000000x64xf32, #tpu.memory_space<hbm>> -> memref<128x64xf32, #tpu.memory_space<hbm>>
      %dma_wait3A_264 = arith.constant 0 : i32
      %dma_wait3A_265 = arith.constant 0 : i32
      %dma_wait3A_266 = tpu.memref_slice %arg9[%dma_wait3A_256, %dma_wait3A_264, %dma_wait3A_265] : memref<5x128x64xf32, #tpu.memory_space<vmem>> -> memref<1x128x64xf32, #tpu.memory_space<vmem>>
      %dma_wait3A_267 = tpu.memref_squeeze %dma_wait3A_266 : memref<1x128x64xf32, #tpu.memory_space<vmem>> -> memref<128x64xf32, #tpu.memory_space<vmem>>
      %dma_wait3A_268 = arith.constant 0 : i32
      %dma_wait3A_269 = arith.constant 0 : i32
      %dma_wait3A_270 = tpu.memref_slice %arg5[%dma_wait3A_268, %dma_wait3A_269] : memref<1000000x64xf32, #tpu.memory_space<hbm>> -> memref<128x64xf32, #tpu.memory_space<hbm>>
      tpu.wait_dma2 semaphore(%arg15 : memref<!tpu.dma_semaphore, #tpu.memory_space<semaphore_mem>>) src(%dma_wait3A_270 : memref<128x64xf32, #tpu.memory_space<hbm>>) dst(%dma_wait3A_267 : memref<128x64xf32, #tpu.memory_space<vmem>>)
      %dma_wait3A_271 = arith.constant 1 : i32
      %dma_wait3A_272 = arith.constant 0 : i32
      %dma_wait3A_273 = arith.constant 0 : i32
      %dma_wait3A_274 = tpu.memref_slice %arg9[%dma_wait3A_271, %dma_wait3A_272, %dma_wait3A_273] : memref<5x128x64xf32, #tpu.memory_space<vmem>> -> memref<1x128x64xf32, #tpu.memory_space<vmem>>
      %dma_wait3A_275 = tpu.memref_squeeze %dma_wait3A_274 : memref<1x128x64xf32, #tpu.memory_space<vmem>> -> memref<128x64xf32, #tpu.memory_space<vmem>>
      %dma_wait3A_276 = arith.constant 0 : i32
      %dma_wait3A_277 = arith.constant 0 : i32
      %dma_wait3A_278 = tpu.memref_slice %arg5[%dma_wait3A_276, %dma_wait3A_277] : memref<1000000x64xf32, #tpu.memory_space<hbm>> -> memref<128x64xf32, #tpu.memory_space<hbm>>
      %dma_wait3A_279 = arith.constant 0 : i32
      %dma_wait3A_280 = arith.constant 0 : i32
      %dma_wait3A_281 = tpu.memref_slice %arg9[%dma_wait3A_271, %dma_wait3A_279, %dma_wait3A_280] : memref<5x128x64xf32, #tpu.memory_space<vmem>> -> memref<1x128x64xf32, #tpu.memory_space<vmem>>
      %dma_wait3A_282 = tpu.memref_squeeze %dma_wait3A_281 : memref<1x128x64xf32, #tpu.memory_space<vmem>> -> memref<128x64xf32, #tpu.memory_space<vmem>>
      %dma_wait3A_283 = arith.constant 0 : i32
      %dma_wait3A_284 = arith.constant 0 : i32
      %dma_wait3A_285 = tpu.memref_slice %arg5[%dma_wait3A_283, %dma_wait3A_284] : memref<1000000x64xf32, #tpu.memory_space<hbm>> -> memref<128x64xf32, #tpu.memory_space<hbm>>
      tpu.wait_dma2 semaphore(%arg15 : memref<!tpu.dma_semaphore, #tpu.memory_space<semaphore_mem>>) src(%dma_wait3A_285 : memref<128x64xf32, #tpu.memory_space<hbm>>) dst(%dma_wait3A_282 : memref<128x64xf32, #tpu.memory_space<vmem>>)
      %dma_wait3A_286 = arith.constant 2 : i32
      %dma_wait3A_287 = arith.constant 0 : i32
      %dma_wait3A_288 = arith.constant 0 : i32
      %dma_wait3A_289 = tpu.memref_slice %arg9[%dma_wait3A_286, %dma_wait3A_287, %dma_wait3A_288] : memref<5x128x64xf32, #tpu.memory_space<vmem>> -> memref<1x128x64xf32, #tpu.memory_space<vmem>>
      %dma_wait3A_290 = tpu.memref_squeeze %dma_wait3A_289 : memref<1x128x64xf32, #tpu.memory_space<vmem>> -> memref<128x64xf32, #tpu.memory_space<vmem>>
      %dma_wait3A_291 = arith.constant 0 : i32
      %dma_wait3A_292 = arith.constant 0 : i32
      %dma_wait3A_293 = tpu.memref_slice %arg5[%dma_wait3A_291, %dma_wait3A_292] : memref<1000000x64xf32, #tpu.memory_space<hbm>> -> memref<128x64xf32, #tpu.memory_space<hbm>>
      %dma_wait3A_294 = arith.constant 0 : i32
      %dma_wait3A_295 = arith.constant 0 : i32
      %dma_wait3A_296 = tpu.memref_slice %arg9[%dma_wait3A_286, %dma_wait3A_294, %dma_wait3A_295] : memref<5x128x64xf32, #tpu.memory_space<vmem>> -> memref<1x128x64xf32, #tpu.memory_space<vmem>>
      %dma_wait3A_297 = tpu.memref_squeeze %dma_wait3A_296 : memref<1x128x64xf32, #tpu.memory_space<vmem>> -> memref<128x64xf32, #tpu.memory_space<vmem>>
      %dma_wait3A_298 = arith.constant 0 : i32
      %dma_wait3A_299 = arith.constant 0 : i32
      %dma_wait3A_300 = tpu.memref_slice %arg5[%dma_wait3A_298, %dma_wait3A_299] : memref<1000000x64xf32, #tpu.memory_space<hbm>> -> memref<128x64xf32, #tpu.memory_space<hbm>>
      tpu.wait_dma2 semaphore(%arg15 : memref<!tpu.dma_semaphore, #tpu.memory_space<semaphore_mem>>) src(%dma_wait3A_300 : memref<128x64xf32, #tpu.memory_space<hbm>>) dst(%dma_wait3A_297 : memref<128x64xf32, #tpu.memory_space<vmem>>)
      %dma_wait3A_301 = arith.constant 3 : i32
      %dma_wait3A_302 = arith.constant 0 : i32
      %dma_wait3A_303 = arith.constant 0 : i32
      %dma_wait3A_304 = tpu.memref_slice %arg9[%dma_wait3A_301, %dma_wait3A_302, %dma_wait3A_303] : memref<5x128x64xf32, #tpu.memory_space<vmem>> -> memref<1x128x64xf32, #tpu.memory_space<vmem>>
      %dma_wait3A_305 = tpu.memref_squeeze %dma_wait3A_304 : memref<1x128x64xf32, #tpu.memory_space<vmem>> -> memref<128x64xf32, #tpu.memory_space<vmem>>
      %dma_wait3A_306 = arith.constant 0 : i32
      %dma_wait3A_307 = arith.constant 0 : i32
      %dma_wait3A_308 = tpu.memref_slice %arg5[%dma_wait3A_306, %dma_wait3A_307] : memref<1000000x64xf32, #tpu.memory_space<hbm>> -> memref<128x64xf32, #tpu.memory_space<hbm>>
      %dma_wait3A_309 = arith.constant 0 : i32
      %dma_wait3A_310 = arith.constant 0 : i32
      %dma_wait3A_311 = tpu.memref_slice %arg9[%dma_wait3A_301, %dma_wait3A_309, %dma_wait3A_310] : memref<5x128x64xf32, #tpu.memory_space<vmem>> -> memref<1x128x64xf32, #tpu.memory_space<vmem>>
      %dma_wait3A_312 = tpu.memref_squeeze %dma_wait3A_311 : memref<1x128x64xf32, #tpu.memory_space<vmem>> -> memref<128x64xf32, #tpu.memory_space<vmem>>
      %dma_wait3A_313 = arith.constant 0 : i32
      %dma_wait3A_314 = arith.constant 0 : i32
      %dma_wait3A_315 = tpu.memref_slice %arg5[%dma_wait3A_313, %dma_wait3A_314] : memref<1000000x64xf32, #tpu.memory_space<hbm>> -> memref<128x64xf32, #tpu.memory_space<hbm>>
      tpu.wait_dma2 semaphore(%arg15 : memref<!tpu.dma_semaphore, #tpu.memory_space<semaphore_mem>>) src(%dma_wait3A_315 : memref<128x64xf32, #tpu.memory_space<hbm>>) dst(%dma_wait3A_312 : memref<128x64xf32, #tpu.memory_space<vmem>>)
      %dma_wait3A_316 = arith.constant 4 : i32
      %dma_wait3A_317 = arith.constant 0 : i32
      %dma_wait3A_318 = arith.constant 0 : i32
      %dma_wait3A_319 = tpu.memref_slice %arg9[%dma_wait3A_316, %dma_wait3A_317, %dma_wait3A_318] : memref<5x128x64xf32, #tpu.memory_space<vmem>> -> memref<1x128x64xf32, #tpu.memory_space<vmem>>
      %dma_wait3A_320 = tpu.memref_squeeze %dma_wait3A_319 : memref<1x128x64xf32, #tpu.memory_space<vmem>> -> memref<128x64xf32, #tpu.memory_space<vmem>>
      %dma_wait3A_321 = arith.constant 0 : i32
      %dma_wait3A_322 = arith.constant 0 : i32
      %dma_wait3A_323 = tpu.memref_slice %arg5[%dma_wait3A_321, %dma_wait3A_322] : memref<1000000x64xf32, #tpu.memory_space<hbm>> -> memref<128x64xf32, #tpu.memory_space<hbm>>
      %dma_wait3A_324 = arith.constant 0 : i32
      %dma_wait3A_325 = arith.constant 0 : i32
      %dma_wait3A_326 = tpu.memref_slice %arg9[%dma_wait3A_316, %dma_wait3A_324, %dma_wait3A_325] : memref<5x128x64xf32, #tpu.memory_space<vmem>> -> memref<1x128x64xf32, #tpu.memory_space<vmem>>
      %dma_wait3A_327 = tpu.memref_squeeze %dma_wait3A_326 : memref<1x128x64xf32, #tpu.memory_space<vmem>> -> memref<128x64xf32, #tpu.memory_space<vmem>>
      %dma_wait3A_328 = arith.constant 0 : i32
      %dma_wait3A_329 = arith.constant 0 : i32
      %dma_wait3A_330 = tpu.memref_slice %arg5[%dma_wait3A_328, %dma_wait3A_329] : memref<1000000x64xf32, #tpu.memory_space<hbm>> -> memref<128x64xf32, #tpu.memory_space<hbm>>
      tpu.wait_dma2 semaphore(%arg15 : memref<!tpu.dma_semaphore, #tpu.memory_space<semaphore_mem>>) src(%dma_wait3A_330 : memref<128x64xf32, #tpu.memory_space<hbm>>) dst(%dma_wait3A_327 : memref<128x64xf32, #tpu.memory_space<vmem>>)
      %scan3A_331 = arith.constant 0 : i32
      %scan3A_332 = arith.constant 0 : i32
      %scan3A_333 = arith.constant 128 : i32
      %scan3A_334 = arith.addi %scan3A_332, %scan3A_333 : i32
      %scan3A_335 = arith.constant 1 : i32
      scf.for %scan3A_337 = %scan3A_332 to %scan3A_334 step %scan3A_335  : i32 {
        %get3A_338 = arith.constant 0 : i32
        %get3A_339 = arith.index_cast %get3A_338 : i32 to index
        %get3A_340 = arith.index_cast %scan3A_337 : i32 to index
        %get3A_341 = arith.constant 0 : index
        %get3A_342 = tpu.vector_load %arg9[%get3A_339, %get3A_340, %get3A_341] {strides = array<i32>} : memref<5x128x64xf32, #tpu.memory_space<vmem>>, vector<1x1x16xf32>,
        %get3A_343 = vector.shape_cast %get3A_342 : vector<1x1x16xf32> to vector<16xf32>
        %get3A_344 = arith.constant 1 : i32
        %get3A_345 = arith.index_cast %get3A_344 : i32 to index
        %get3A_346 = arith.index_cast %scan3A_337 : i32 to index
        %get3A_347 = arith.constant 0 : index
        %get3A_348 = tpu.vector_load %arg9[%get3A_345, %get3A_346, %get3A_347] {strides = array<i32>} : memref<5x128x64xf32, #tpu.memory_space<vmem>>, vector<1x1x16xf32>,
        %get3A_349 = vector.shape_cast %get3A_348 : vector<1x1x16xf32> to vector<16xf32>
        %add3A_350 = arith.addf %get3A_343, %get3A_349 : vector<16xf32>
        %get3A_351 = arith.constant 2 : i32
        %get3A_352 = arith.index_cast %get3A_351 : i32 to index
        %get3A_353 = arith.index_cast %scan3A_337 : i32 to index
        %get3A_354 = arith.constant 0 : index
        %get3A_355 = tpu.vector_load %arg9[%get3A_352, %get3A_353, %get3A_354] {strides = array<i32>} : memref<5x128x64xf32, #tpu.memory_space<vmem>>, vector<1x1x16xf32>,
        %get3A_356 = vector.shape_cast %get3A_355 : vector<1x1x16xf32> to vector<16xf32>
        %add3A_357 = arith.addf %add3A_350, %get3A_356 : vector<16xf32>
        %get3A_358 = arith.constant 3 : i32
        %get3A_359 = arith.index_cast %get3A_358 : i32 to index
        %get3A_360 = arith.index_cast %scan3A_337 : i32 to index
        %get3A_361 = arith.constant 0 : index
        %get3A_362 = tpu.vector_load %arg9[%get3A_359, %get3A_360, %get3A_361] {strides = array<i32>} : memref<5x128x64xf32, #tpu.memory_space<vmem>>, vector<1x1x16xf32>,
        %get3A_363 = vector.shape_cast %get3A_362 : vector<1x1x16xf32> to vector<16xf32>
        %add3A_364 = arith.addf %add3A_357, %get3A_363 : vector<16xf32>
        %get3A_365 = arith.constant 4 : i32
        %get3A_366 = arith.index_cast %get3A_365 : i32 to index
        %get3A_367 = arith.index_cast %scan3A_337 : i32 to index
        %get3A_368 = arith.constant 0 : index
        %get3A_369 = tpu.vector_load %arg9[%get3A_366, %get3A_367, %get3A_368] {strides = array<i32>} : memref<5x128x64xf32, #tpu.memory_space<vmem>>, vector<1x1x16xf32>,
        %get3A_370 = vector.shape_cast %get3A_369 : vector<1x1x16xf32> to vector<16xf32>
        %add3A_371 = arith.addf %add3A_364, %get3A_370 : vector<16xf32>
        %swap3A = arith.index_cast %scan3A_337 : i32 to index
        %swap3A_372 = arith.constant 0 : index
        %swap3A_373 = tpu.vector_load %arg10[%swap3A, %swap3A_372] {strides = array<i32>} : memref<128x64xf32, #tpu.memory_space<vmem>>, vector<1x16xf32>,
        %swap3A_374 = vector.shape_cast %swap3A_373 : vector<1x16xf32> to vector<16xf32>
        %swap3A_375 = vector.shape_cast %add3A_371 : vector<16xf32> to vector<1x16xf32>
        tpu.vector_store %arg10[%swap3A, %swap3A_372], %swap3A_375 {add = true, strides = array<i32>} : memref<128x64xf32, #tpu.memory_space<vmem>>, vector<1x16xf32>,
        %get3A_376 = arith.constant 0 : i32
        %get3A_377 = arith.index_cast %get3A_376 : i32 to index
        %get3A_378 = arith.index_cast %scan3A_337 : i32 to index
        %get3A_379 = arith.constant 16 : index
        %get3A_380 = tpu.vector_load %arg9[%get3A_377, %get3A_378, %get3A_379] {strides = array<i32>} : memref<5x128x64xf32, #tpu.memory_space<vmem>>, vector<1x1x16xf32>,
        %get3A_381 = vector.shape_cast %get3A_380 : vector<1x1x16xf32> to vector<16xf32>
        %get3A_382 = arith.constant 1 : i32
        %get3A_383 = arith.index_cast %get3A_382 : i32 to index
        %get3A_384 = arith.index_cast %scan3A_337 : i32 to index
        %get3A_385 = arith.constant 16 : index
        %get3A_386 = tpu.vector_load %arg9[%get3A_383, %get3A_384, %get3A_385] {strides = array<i32>} : memref<5x128x64xf32, #tpu.memory_space<vmem>>, vector<1x1x16xf32>,
        %get3A_387 = vector.shape_cast %get3A_386 : vector<1x1x16xf32> to vector<16xf32>
        %add3A_388 = arith.addf %get3A_381, %get3A_387 : vector<16xf32>
        %get3A_389 = arith.constant 2 : i32
        %get3A_390 = arith.index_cast %get3A_389 : i32 to index
        %get3A_391 = arith.index_cast %scan3A_337 : i32 to index
        %get3A_392 = arith.constant 16 : index
        %get3A_393 = tpu.vector_load %arg9[%get3A_390, %get3A_391, %get3A_392] {strides = array<i32>} : memref<5x128x64xf32, #tpu.memory_space<vmem>>, vector<1x1x16xf32>,
        %get3A_394 = vector.shape_cast %get3A_393 : vector<1x1x16xf32> to vector<16xf32>
        %add3A_395 = arith.addf %add3A_388, %get3A_394 : vector<16xf32>
        %get3A_396 = arith.constant 3 : i32
        %get3A_397 = arith.index_cast %get3A_396 : i32 to index
        %get3A_398 = arith.index_cast %scan3A_337 : i32 to index
        %get3A_399 = arith.constant 16 : index
        %get3A_400 = tpu.vector_load %arg9[%get3A_397, %get3A_398, %get3A_399] {strides = array<i32>} : memref<5x128x64xf32, #tpu.memory_space<vmem>>, vector<1x1x16xf32>,
        %get3A_401 = vector.shape_cast %get3A_400 : vector<1x1x16xf32> to vector<16xf32>
        %add3A_402 = arith.addf %add3A_395, %get3A_401 : vector<16xf32>
        %get3A_403 = arith.constant 4 : i32
        %get3A_404 = arith.index_cast %get3A_403 : i32 to index
        %get3A_405 = arith.index_cast %scan3A_337 : i32 to index
        %get3A_406 = arith.constant 16 : index
        %get3A_407 = tpu.vector_load %arg9[%get3A_404, %get3A_405, %get3A_406] {strides = array<i32>} : memref<5x128x64xf32, #tpu.memory_space<vmem>>, vector<1x1x16xf32>,
        %get3A_408 = vector.shape_cast %get3A_407 : vector<1x1x16xf32> to vector<16xf32>
        %add3A_409 = arith.addf %add3A_402, %get3A_408 : vector<16xf32>
        %swap3A_410 = arith.index_cast %scan3A_337 : i32 to index
        %swap3A_411 = arith.constant 16 : index
        %swap3A_412 = tpu.vector_load %arg10[%swap3A_410, %swap3A_411] {strides = array<i32>} : memref<128x64xf32, #tpu.memory_space<vmem>>, vector<1x16xf32>,
        %swap3A_413 = vector.shape_cast %swap3A_412 : vector<1x16xf32> to vector<16xf32>
        %swap3A_414 = vector.shape_cast %add3A_409 : vector<16xf32> to vector<1x16xf32>
        tpu.vector_store %arg10[%swap3A_410, %swap3A_411], %swap3A_414 {add = true, strides = array<i32>} : memref<128x64xf32, #tpu.memory_space<vmem>>, vector<1x16xf32>,
        %get3A_415 = arith.constant 0 : i32
        %get3A_416 = arith.index_cast %get3A_415 : i32 to index
        %get3A_417 = arith.index_cast %scan3A_337 : i32 to index
        %get3A_418 = arith.constant 32 : index
        %get3A_419 = tpu.vector_load %arg9[%get3A_416, %get3A_417, %get3A_418] {strides = array<i32>} : memref<5x128x64xf32, #tpu.memory_space<vmem>>, vector<1x1x16xf32>,
        %get3A_420 = vector.shape_cast %get3A_419 : vector<1x1x16xf32> to vector<16xf32>
        %get3A_421 = arith.constant 1 : i32
        %get3A_422 = arith.index_cast %get3A_421 : i32 to index
        %get3A_423 = arith.index_cast %scan3A_337 : i32 to index
        %get3A_424 = arith.constant 32 : index
        %get3A_425 = tpu.vector_load %arg9[%get3A_422, %get3A_423, %get3A_424] {strides = array<i32>} : memref<5x128x64xf32, #tpu.memory_space<vmem>>, vector<1x1x16xf32>,
        %get3A_426 = vector.shape_cast %get3A_425 : vector<1x1x16xf32> to vector<16xf32>
        %add3A_427 = arith.addf %get3A_420, %get3A_426 : vector<16xf32>
        %get3A_428 = arith.constant 2 : i32
        %get3A_429 = arith.index_cast %get3A_428 : i32 to index
        %get3A_430 = arith.index_cast %scan3A_337 : i32 to index
        %get3A_431 = arith.constant 32 : index
        %get3A_432 = tpu.vector_load %arg9[%get3A_429, %get3A_430, %get3A_431] {strides = array<i32>} : memref<5x128x64xf32, #tpu.memory_space<vmem>>, vector<1x1x16xf32>,
        %get3A_433 = vector.shape_cast %get3A_432 : vector<1x1x16xf32> to vector<16xf32>
        %add3A_434 = arith.addf %add3A_427, %get3A_433 : vector<16xf32>
        %get3A_435 = arith.constant 3 : i32
        %get3A_436 = arith.index_cast %get3A_435 : i32 to index
        %get3A_437 = arith.index_cast %scan3A_337 : i32 to index
        %get3A_438 = arith.constant 32 : index
        %get3A_439 = tpu.vector_load %arg9[%get3A_436, %get3A_437, %get3A_438] {strides = array<i32>} : memref<5x128x64xf32, #tpu.memory_space<vmem>>, vector<1x1x16xf32>,
        %get3A_440 = vector.shape_cast %get3A_439 : vector<1x1x16xf32> to vector<16xf32>
        %add3A_441 = arith.addf %add3A_434, %get3A_440 : vector<16xf32>
        %get3A_442 = arith.constant 4 : i32
        %get3A_443 = arith.index_cast %get3A_442 : i32 to index
        %get3A_444 = arith.index_cast %scan3A_337 : i32 to index
        %get3A_445 = arith.constant 32 : index
        %get3A_446 = tpu.vector_load %arg9[%get3A_443, %get3A_444, %get3A_445] {strides = array<i32>} : memref<5x128x64xf32, #tpu.memory_space<vmem>>, vector<1x1x16xf32>,
        %get3A_447 = vector.shape_cast %get3A_446 : vector<1x1x16xf32> to vector<16xf32>
        %add3A_448 = arith.addf %add3A_441, %get3A_447 : vector<16xf32>
        %swap3A_449 = arith.index_cast %scan3A_337 : i32 to index
        %swap3A_450 = arith.constant 32 : index
        %swap3A_451 = tpu.vector_load %arg10[%swap3A_449, %swap3A_450] {strides = array<i32>} : memref<128x64xf32, #tpu.memory_space<vmem>>, vector<1x16xf32>,
        %swap3A_452 = vector.shape_cast %swap3A_451 : vector<1x16xf32> to vector<16xf32>
        %swap3A_453 = vector.shape_cast %add3A_448 : vector<16xf32> to vector<1x16xf32>
        tpu.vector_store %arg10[%swap3A_449, %swap3A_450], %swap3A_453 {add = true, strides = array<i32>} : memref<128x64xf32, #tpu.memory_space<vmem>>, vector<1x16xf32>,
        %get3A_454 = arith.constant 0 : i32
        %get3A_455 = arith.index_cast %get3A_454 : i32 to index
        %get3A_456 = arith.index_cast %scan3A_337 : i32 to index
        %get3A_457 = arith.constant 48 : index
        %get3A_458 = tpu.vector_load %arg9[%get3A_455, %get3A_456, %get3A_457] {strides = array<i32>} : memref<5x128x64xf32, #tpu.memory_space<vmem>>, vector<1x1x16xf32>,
        %get3A_459 = vector.shape_cast %get3A_458 : vector<1x1x16xf32> to vector<16xf32>
        %get3A_460 = arith.constant 1 : i32
        %get3A_461 = arith.index_cast %get3A_460 : i32 to index
        %get3A_462 = arith.index_cast %scan3A_337 : i32 to index
        %get3A_463 = arith.constant 48 : index
        %get3A_464 = tpu.vector_load %arg9[%get3A_461, %get3A_462, %get3A_463] {strides = array<i32>} : memref<5x128x64xf32, #tpu.memory_space<vmem>>, vector<1x1x16xf32>,
        %get3A_465 = vector.shape_cast %get3A_464 : vector<1x1x16xf32> to vector<16xf32>
        %add3A_466 = arith.addf %get3A_459, %get3A_465 : vector<16xf32>
        %get3A_467 = arith.constant 2 : i32
        %get3A_468 = arith.index_cast %get3A_467 : i32 to index
        %get3A_469 = arith.index_cast %scan3A_337 : i32 to index
        %get3A_470 = arith.constant 48 : index
        %get3A_471 = tpu.vector_load %arg9[%get3A_468, %get3A_469, %get3A_470] {strides = array<i32>} : memref<5x128x64xf32, #tpu.memory_space<vmem>>, vector<1x1x16xf32>,
        %get3A_472 = vector.shape_cast %get3A_471 : vector<1x1x16xf32> to vector<16xf32>
        %add3A_473 = arith.addf %add3A_466, %get3A_472 : vector<16xf32>
        %get3A_474 = arith.constant 3 : i32
        %get3A_475 = arith.index_cast %get3A_474 : i32 to index
        %get3A_476 = arith.index_cast %scan3A_337 : i32 to index
        %get3A_477 = arith.constant 48 : index
        %get3A_478 = tpu.vector_load %arg9[%get3A_475, %get3A_476, %get3A_477] {strides = array<i32>} : memref<5x128x64xf32, #tpu.memory_space<vmem>>, vector<1x1x16xf32>,
        %get3A_479 = vector.shape_cast %get3A_478 : vector<1x1x16xf32> to vector<16xf32>
        %add3A_480 = arith.addf %add3A_473, %get3A_479 : vector<16xf32>
        %get3A_481 = arith.constant 4 : i32
        %get3A_482 = arith.index_cast %get3A_481 : i32 to index
        %get3A_483 = arith.index_cast %scan3A_337 : i32 to index
        %get3A_484 = arith.constant 48 : index
        %get3A_485 = tpu.vector_load %arg9[%get3A_482, %get3A_483, %get3A_484] {strides = array<i32>} : memref<5x128x64xf32, #tpu.memory_space<vmem>>, vector<1x1x16xf32>,
        %get3A_486 = vector.shape_cast %get3A_485 : vector<1x1x16xf32> to vector<16xf32>
        %add3A_487 = arith.addf %add3A_480, %get3A_486 : vector<16xf32>
        %swap3A_488 = arith.index_cast %scan3A_337 : i32 to index
        %swap3A_489 = arith.constant 48 : index
        %swap3A_490 = tpu.vector_load %arg10[%swap3A_488, %swap3A_489] {strides = array<i32>} : memref<128x64xf32, #tpu.memory_space<vmem>>, vector<1x16xf32>,
        %swap3A_491 = vector.shape_cast %swap3A_490 : vector<1x16xf32> to vector<16xf32>
        %swap3A_492 = vector.shape_cast %add3A_487 : vector<16xf32> to vector<1x16xf32>
        tpu.vector_store %arg10[%swap3A_488, %swap3A_489], %swap3A_492 {add = true, strides = array<i32>} : memref<128x64xf32, #tpu.memory_space<vmem>>, vector<1x16xf32>,
      }
      %scan3A_336 = arith.constant 128 : i32
    }
    %scan3A_87 = arith.constant 5 : i32
    %scan3A_88 = arith.constant 0 : i32
    %scan3A_89 = arith.constant 0 : i32
    %scan3A_90 = arith.constant 8 : i32
    %scan3A_91 = arith.addi %scan3A_89, %scan3A_90 : i32
    %scan3A_92 = arith.constant 1 : i32
    scf.for %scan3A_94 = %scan3A_89 to %scan3A_91 step %scan3A_92  : i32 {
      %mul3A_95 = arith.constant 16 : i32
      %mul3A_96 = arith.muli %scan3A_94, %mul3A_95 : i32
      %add3A_97 = arith.constant 0 : i32
      %add3A_98 = arith.addi %mul3A_96, %add3A_97 : i32
      %get3A_99 = arith.index_cast %add3A_98 : i32 to index
      %get3A_100 = arith.constant 0 : index
      %get3A_101 = tpu.vector_load %arg10[%get3A_99, %get3A_100] {strides = array<i32>} : memref<128x64xf32, #tpu.memory_space<vmem>>, vector<1x16xf32>,
      %get3A_102 = vector.shape_cast %get3A_101 : vector<1x16xf32> to vector<16xf32>
      %get3A_103 = arith.index_cast %add3A_98 : i32 to index
      %get3A_104 = arith.constant 16 : index
      %get3A_105 = tpu.vector_load %arg10[%get3A_103, %get3A_104] {strides = array<i32>} : memref<128x64xf32, #tpu.memory_space<vmem>>, vector<1x16xf32>,
      %get3A_106 = vector.shape_cast %get3A_105 : vector<1x16xf32> to vector<16xf32>
      %get3A_107 = arith.index_cast %add3A_98 : i32 to index
      %get3A_108 = arith.constant 32 : index
      %get3A_109 = tpu.vector_load %arg10[%get3A_107, %get3A_108] {strides = array<i32>} : memref<128x64xf32, #tpu.memory_space<vmem>>, vector<1x16xf32>,
      %get3A_110 = vector.shape_cast %get3A_109 : vector<1x16xf32> to vector<16xf32>
      %get3A_111 = arith.index_cast %add3A_98 : i32 to index
      %get3A_112 = arith.constant 48 : index
      %get3A_113 = tpu.vector_load %arg10[%get3A_111, %get3A_112] {strides = array<i32>} : memref<128x64xf32, #tpu.memory_space<vmem>>, vector<1x16xf32>,
      %get3A_114 = vector.shape_cast %get3A_113 : vector<1x16xf32> to vector<16xf32>
      %max3A = arith.constant 0.000000e+00 : f32
      %max3A_115 = vector.broadcast %max3A : f32 to vector<16xf32>
      %max3A_116 = arith.maximumf %get3A_102, %max3A_115 : vector<16xf32>
      %mul3A_117 = arith.mulf %max3A_116, %get3A_4 : vector<16xf32>
      %max3A_118 = arith.constant 0.000000e+00 : f32
      %max3A_119 = vector.broadcast %max3A_118 : f32 to vector<16xf32>
      %max3A_120 = arith.maximumf %get3A_106, %max3A_119 : vector<16xf32>
      %mul3A_121 = arith.mulf %max3A_120, %get3A_7 : vector<16xf32>
      %add3A_122 = arith.addf %mul3A_117, %mul3A_121 : vector<16xf32>
      %max3A_123 = arith.constant 0.000000e+00 : f32
      %max3A_124 = vector.broadcast %max3A_123 : f32 to vector<16xf32>
      %max3A_125 = arith.maximumf %get3A_110, %max3A_124 : vector<16xf32>
      %mul3A_126 = arith.mulf %max3A_125, %get3A_10 : vector<16xf32>
      %add3A_127 = arith.addf %add3A_122, %mul3A_126 : vector<16xf32>
      %max3A_128 = arith.constant 0.000000e+00 : f32
      %max3A_129 = vector.broadcast %max3A_128 : f32 to vector<16xf32>
      %max3A_130 = arith.maximumf %get3A_114, %max3A_129 : vector<16xf32>
      %mul3A_131 = arith.mulf %max3A_130, %get3A_13 : vector<16xf32>
      %add3A_132 = arith.addf %add3A_127, %mul3A_131 : vector<16xf32>
      %xor3A = arith.constant 8 : i32
      %xor3A_133 = vector.broadcast %xor3A : i32 to vector<16xi32>
      %xor3A_134 = arith.xori %iota3A, %xor3A_133 : vector<16xi32>
      %lt3A = arith.constant 0 : i32
      %lt3A_135 = vector.broadcast %lt3A : i32 to vector<16xi32>
      %lt3A_136 = arith.cmpi slt, %xor3A_134, %lt3A_135 : vector<16xi32>
      %add3A_137 = arith.constant 16 : i32
      %add3A_138 = vector.broadcast %add3A_137 : i32 to vector<16xi32>
      %add3A_139 = arith.addi %xor3A_134, %add3A_138 : vector<16xi32>
      %select_n3A = arith.select %lt3A_136, %add3A_139, %xor3A_134 : vector<16xi1>, vector<16xi32>
      %broadcast_in_dim3A_140 = vector.shape_cast %select_n3A : vector<16xi32> to vector<16x1xi32>
      %gather3A = vector.shape_cast %broadcast_in_dim3A_140 : vector<16x1xi32> to vector<16xi32>
      %gather3A_141 = tpu.dynamic_gather %add3A_132[%gather3A] in [0] : vector<16xf32>, vector<16xi32> -> vector<16xf32>
      %add3A_142 = arith.addf %add3A_132, %gather3A_141 : vector<16xf32>
      %xor3A_143 = arith.constant 4 : i32
      %xor3A_144 = vector.broadcast %xor3A_143 : i32 to vector<16xi32>
      %xor3A_145 = arith.xori %iota3A, %xor3A_144 : vector<16xi32>
      %lt3A_146 = arith.constant 0 : i32
      %lt3A_147 = vector.broadcast %lt3A_146 : i32 to vector<16xi32>
      %lt3A_148 = arith.cmpi slt, %xor3A_145, %lt3A_147 : vector<16xi32>
      %add3A_149 = arith.constant 16 : i32
      %add3A_150 = vector.broadcast %add3A_149 : i32 to vector<16xi32>
      %add3A_151 = arith.addi %xor3A_145, %add3A_150 : vector<16xi32>
      %select_n3A_152 = arith.select %lt3A_148, %add3A_151, %xor3A_145 : vector<16xi1>, vector<16xi32>
      %broadcast_in_dim3A_153 = vector.shape_cast %select_n3A_152 : vector<16xi32> to vector<16x1xi32>
      %gather3A_154 = vector.shape_cast %broadcast_in_dim3A_153 : vector<16x1xi32> to vector<16xi32>
      %gather3A_155 = tpu.dynamic_gather %add3A_142[%gather3A_154] in [0] : vector<16xf32>, vector<16xi32> -> vector<16xf32>
      %add3A_156 = arith.addf %add3A_142, %gather3A_155 : vector<16xf32>
      %xor3A_157 = arith.constant 2 : i32
      %xor3A_158 = vector.broadcast %xor3A_157 : i32 to vector<16xi32>
      %xor3A_159 = arith.xori %iota3A, %xor3A_158 : vector<16xi32>
      %lt3A_160 = arith.constant 0 : i32
      %lt3A_161 = vector.broadcast %lt3A_160 : i32 to vector<16xi32>
      %lt3A_162 = arith.cmpi slt, %xor3A_159, %lt3A_161 : vector<16xi32>
      %add3A_163 = arith.constant 16 : i32
      %add3A_164 = vector.broadcast %add3A_163 : i32 to vector<16xi32>
      %add3A_165 = arith.addi %xor3A_159, %add3A_164 : vector<16xi32>
      %select_n3A_166 = arith.select %lt3A_162, %add3A_165, %xor3A_159 : vector<16xi1>, vector<16xi32>
      %broadcast_in_dim3A_167 = vector.shape_cast %select_n3A_166 : vector<16xi32> to vector<16x1xi32>
      %gather3A_168 = vector.shape_cast %broadcast_in_dim3A_167 : vector<16x1xi32> to vector<16xi32>
      %gather3A_169 = tpu.dynamic_gather %add3A_156[%gather3A_168] in [0] : vector<16xf32>, vector<16xi32> -> vector<16xf32>
      %add3A_170 = arith.addf %add3A_156, %gather3A_169 : vector<16xf32>
      %xor3A_171 = arith.constant 1 : i32
      %xor3A_172 = vector.broadcast %xor3A_171 : i32 to vector<16xi32>
      %xor3A_173 = arith.xori %iota3A, %xor3A_172 : vector<16xi32>
      %lt3A_174 = arith.constant 0 : i32
      %lt3A_175 = vector.broadcast %lt3A_174 : i32 to vector<16xi32>
      %lt3A_176 = arith.cmpi slt, %xor3A_173, %lt3A_175 : vector<16xi32>
      %add3A_177 = arith.constant 16 : i32
      %add3A_178 = vector.broadcast %add3A_177 : i32 to vector<16xi32>
      %add3A_179 = arith.addi %xor3A_173, %add3A_178 : vector<16xi32>
      %select_n3A_180 = arith.select %lt3A_176, %add3A_179, %xor3A_173 : vector<16xi1>, vector<16xi32>
      %broadcast_in_dim3A_181 = vector.shape_cast %select_n3A_180 : vector<16xi32> to vector<16x1xi32>
      %gather3A_182 = vector.shape_cast %broadcast_in_dim3A_181 : vector<16x1xi32> to vector<16xi32>
      %gather3A_183 = tpu.dynamic_gather %add3A_170[%gather3A_182] in [0] : vector<16xf32>, vector<16xi32> -> vector<16xf32>
      %add3A_184 = arith.addf %add3A_170, %gather3A_183 : vector<16xf32>
      %add3A_185 = arith.addf %add3A_184, %get3A_16 : vector<16xf32>
      %eq3A = arith.constant 0 : i32
      %eq3A_186 = vector.broadcast %eq3A : i32 to vector<16xi32>
      %eq3A_187 = arith.cmpi eq, %iota3A, %eq3A_186 : vector<16xi32>
      %select_n3A_188 = arith.select %eq3A_187, %add3A_185, %broadcast_in_dim3A_17 : vector<16xi1>, vector<16xf32>
      %mul3A_189 = arith.constant 16 : i32
      %mul3A_190 = arith.muli %scan3A_94, %mul3A_189 : i32
      %add3A_191 = arith.constant 1 : i32
      %add3A_192 = arith.addi %mul3A_190, %add3A_191 : i32
      %get3A_193 = arith.index_cast %add3A_192 : i32 to index
      %get3A_194 = arith.constant 0 : index
      %get3A_195 = tpu.vector_load %arg10[%get3A_193, %get3A_194] {strides = array<i32>} : memref<128x64xf32, #tpu.memory_space<vmem>>, vector<1x16xf32>,
      %get3A_196 = vector.shape_cast %get3A_195 : vector<1x16xf32> to vector<16xf32>
      %get3A_197 = arith.index_cast %add3A_192 : i32 to index
      %get3A_198 = arith.constant 16 : index
      %get3A_199 = tpu.vector_load %arg10[%get3A_197, %get3A_198] {strides = array<i32>} : memref<128x64xf32, #tpu.memory_space<vmem>>, vector<1x16xf32>,
      %get3A_200 = vector.shape_cast %get3A_199 : vector<1x16xf32> to vector<16xf32>
      %get3A_201 = arith.index_cast %add3A_192 : i32 to index
      %get3A_202 = arith.constant 32 : index
      %get3A_203 = tpu.vector_load %arg10[%get3A_201, %get3A_202] {strides = array<i32>} : memref<128x64xf32, #tpu.memory_space<vmem>>, vector<1x16xf32>,
      %get3A_204 = vector.shape_cast %get3A_203 : vector<1x16xf32> to vector<16xf32>
      %get3A_205 = arith.index_cast %add3A_192 : i32 to index
      %get3A_206 = arith.constant 48 : index
      %get3A_207 = tpu.vector_load %arg10[%get3A_205, %get3A_206] {strides = array<i32>} : memref<128x64xf32, #tpu.memory_space<vmem>>, vector<1x16xf32>,
      %get3A_208 = vector.shape_cast %get3A_207 : vector<1x16xf32> to vector<16xf32>
      %max3A_209 = arith.constant 0.000000e+00 : f32
      %max3A_210 = vector.broadcast %max3A_209 : f32 to vector<16xf32>
      %max3A_211 = arith.maximumf %get3A_196, %max3A_210 : vector<16xf32>
      %mul3A_212 = arith.mulf %max3A_211, %get3A_4 : vector<16xf32>
      %max3A_213 = arith.constant 0.000000e+00 : f32
      %max3A_214 = vector.broadcast %max3A_213 : f32 to vector<16xf32>
      %max3A_215 = arith.maximumf %get3A_200, %max3A_214 : vector<16xf32>
      %mul3A_216 = arith.mulf %max3A_215, %get3A_7 : vector<16xf32>
      %add3A_217 = arith.addf %mul3A_212, %mul3A_216 : vector<16xf32>
      %max3A_218 = arith.constant 0.000000e+00 : f32
      %max3A_219 = vector.broadcast %max3A_218 : f32 to vector<16xf32>
      %max3A_220 = arith.maximumf %get3A_204, %max3A_219 : vector<16xf32>
      %mul3A_221 = arith.mulf %max3A_220, %get3A_10 : vector<16xf32>
      %add3A_222 = arith.addf %add3A_217, %mul3A_221 : vector<16xf32>
      %max3A_223 = arith.constant 0.000000e+00 : f32
      %max3A_224 = vector.broadcast %max3A_223 : f32 to vector<16xf32>
      %max3A_225 = arith.maximumf %get3A_208, %max3A_224 : vector<16xf32>
      %mul3A_226 = arith.mulf %max3A_225, %get3A_13 : vector<16xf32>
      %add3A_227 = arith.addf %add3A_222, %mul3A_226 : vector<16xf32>
      %xor3A_228 = arith.constant 8 : i32
      %xor3A_229 = vector.broadcast %xor3A_228 : i32 to vector<16xi32>
      %xor3A_230 = arith.xori %iota3A, %xor3A_229 : vector<16xi32>
      %lt3A_231 = arith.constant 0 : i32
      %lt3A_232 = vector.broadcast %lt3A_231 : i32 to vector<16xi32>
      %lt3A_233 = arith.cmpi slt, %xor3A_230, %lt3A_232 : vector<16xi32>
      %add3A_234 = arith.constant 16 : i32
      %add3A_235 = vector.broadcast %add3A_234 : i32 to vector<16xi32>
      %add3A_236 = arith.addi %xor3A_230, %add3A_235 : vector<16xi32>
      %select_n3A_237 = arith.select %lt3A_233, %add3A_236, %xor3A_230 : vector<16xi1>, vector<16xi32>
      %broadcast_in_dim3A_238 = vector.shape_cast %select_n3A_237 : vector<16xi32> to vector<16x1xi32>
      %gather3A_239 = vector.shape_cast %broadcast_in_dim3A_238 : vector<16x1xi32> to vector<16xi32>
      %gather3A_240 = tpu.dynamic_gather %add3A_227[%gather3A_239] in [0] : vector<16xf32>, vector<16xi32> -> vector<16xf32>
      %add3A_241 = arith.addf %add3A_227, %gather3A_240 : vector<16xf32>
      %xor3A_242 = arith.constant 4 : i32
      %xor3A_243 = vector.broadcast %xor3A_242 : i32 to vector<16xi32>
      %xor3A_244 = arith.xori %iota3A, %xor3A_243 : vector<16xi32>
      %lt3A_245 = arith.constant 0 : i32
      %lt3A_246 = vector.broadcast %lt3A_245 : i32 to vector<16xi32>
      %lt3A_247 = arith.cmpi slt, %xor3A_244, %lt3A_246 : vector<16xi32>
      %add3A_248 = arith.constant 16 : i32
      %add3A_249 = vector.broadcast %add3A_248 : i32 to vector<16xi32>
      %add3A_250 = arith.addi %xor3A_244, %add3A_249 : vector<16xi32>
      %select_n3A_251 = arith.select %lt3A_247, %add3A_250, %xor3A_244 : vector<16xi1>, vector<16xi32>
      %broadcast_in_dim3A_252 = vector.shape_cast %select_n3A_251 : vector<16xi32> to vector<16x1xi32>
      %gather3A_253 = vector.shape_cast %broadcast_in_dim3A_252 : vector<16x1xi32> to vector<16xi32>
      %gather3A_254 = tpu.dynamic_gather %add3A_241[%gather3A_253] in [0] : vector<16xf32>, vector<16xi32> -> vector<16xf32>
      %add3A_255 = arith.addf %add3A_241, %gather3A_254 : vector<16xf32>
      %xor3A_256 = arith.constant 2 : i32
      %xor3A_257 = vector.broadcast %xor3A_256 : i32 to vector<16xi32>
      %xor3A_258 = arith.xori %iota3A, %xor3A_257 : vector<16xi32>
      %lt3A_259 = arith.constant 0 : i32
      %lt3A_260 = vector.broadcast %lt3A_259 : i32 to vector<16xi32>
      %lt3A_261 = arith.cmpi slt, %xor3A_258, %lt3A_260 : vector<16xi32>
      %add3A_262 = arith.constant 16 : i32
      %add3A_263 = vector.broadcast %add3A_262 : i32 to vector<16xi32>
      %add3A_264 = arith.addi %xor3A_258, %add3A_263 : vector<16xi32>
      %select_n3A_265 = arith.select %lt3A_261, %add3A_264, %xor3A_258 : vector<16xi1>, vector<16xi32>
      %broadcast_in_dim3A_266 = vector.shape_cast %select_n3A_265 : vector<16xi32> to vector<16x1xi32>
      %gather3A_267 = vector.shape_cast %broadcast_in_dim3A_266 : vector<16x1xi32> to vector<16xi32>
      %gather3A_268 = tpu.dynamic_gather %add3A_255[%gather3A_267] in [0] : vector<16xf32>, vector<16xi32> -> vector<16xf32>
      %add3A_269 = arith.addf %add3A_255, %gather3A_268 : vector<16xf32>
      %xor3A_270 = arith.constant 1 : i32
      %xor3A_271 = vector.broadcast %xor3A_270 : i32 to vector<16xi32>
      %xor3A_272 = arith.xori %iota3A, %xor3A_271 : vector<16xi32>
      %lt3A_273 = arith.constant 0 : i32
      %lt3A_274 = vector.broadcast %lt3A_273 : i32 to vector<16xi32>
      %lt3A_275 = arith.cmpi slt, %xor3A_272, %lt3A_274 : vector<16xi32>
      %add3A_276 = arith.constant 16 : i32
      %add3A_277 = vector.broadcast %add3A_276 : i32 to vector<16xi32>
      %add3A_278 = arith.addi %xor3A_272, %add3A_277 : vector<16xi32>
      %select_n3A_279 = arith.select %lt3A_275, %add3A_278, %xor3A_272 : vector<16xi1>, vector<16xi32>
      %broadcast_in_dim3A_280 = vector.shape_cast %select_n3A_279 : vector<16xi32> to vector<16x1xi32>
      %gather3A_281 = vector.shape_cast %broadcast_in_dim3A_280 : vector<16x1xi32> to vector<16xi32>
      %gather3A_282 = tpu.dynamic_gather %add3A_269[%gather3A_281] in [0] : vector<16xf32>, vector<16xi32> -> vector<16xf32>
      %add3A_283 = arith.addf %add3A_269, %gather3A_282 : vector<16xf32>
      %add3A_284 = arith.addf %add3A_283, %get3A_16 : vector<16xf32>
      %eq3A_285 = arith.constant 1 : i32
      %eq3A_286 = vector.broadcast %eq3A_285 : i32 to vector<16xi32>
      %eq3A_287 = arith.cmpi eq, %iota3A, %eq3A_286 : vector<16xi32>
      %select_n3A_288 = arith.select %eq3A_287, %add3A_284, %select_n3A_188 : vector<16xi1>, vector<16xf32>
      %mul3A_289 = arith.constant 16 : i32
      %mul3A_290 = arith.muli %scan3A_94, %mul3A_289 : i32
      %add3A_291 = arith.constant 2 : i32
      %add3A_292 = arith.addi %mul3A_290, %add3A_291 : i32
      %get3A_293 = arith.index_cast %add3A_292 : i32 to index
      %get3A_294 = arith.constant 0 : index
      %get3A_295 = tpu.vector_load %arg10[%get3A_293, %get3A_294] {strides = array<i32>} : memref<128x64xf32, #tpu.memory_space<vmem>>, vector<1x16xf32>,
      %get3A_296 = vector.shape_cast %get3A_295 : vector<1x16xf32> to vector<16xf32>
      %get3A_297 = arith.index_cast %add3A_292 : i32 to index
      %get3A_298 = arith.constant 16 : index
      %get3A_299 = tpu.vector_load %arg10[%get3A_297, %get3A_298] {strides = array<i32>} : memref<128x64xf32, #tpu.memory_space<vmem>>, vector<1x16xf32>,
      %get3A_300 = vector.shape_cast %get3A_299 : vector<1x16xf32> to vector<16xf32>
      %get3A_301 = arith.index_cast %add3A_292 : i32 to index
      %get3A_302 = arith.constant 32 : index
      %get3A_303 = tpu.vector_load %arg10[%get3A_301, %get3A_302] {strides = array<i32>} : memref<128x64xf32, #tpu.memory_space<vmem>>, vector<1x16xf32>,
      %get3A_304 = vector.shape_cast %get3A_303 : vector<1x16xf32> to vector<16xf32>
      %get3A_305 = arith.index_cast %add3A_292 : i32 to index
      %get3A_306 = arith.constant 48 : index
      %get3A_307 = tpu.vector_load %arg10[%get3A_305, %get3A_306] {strides = array<i32>} : memref<128x64xf32, #tpu.memory_space<vmem>>, vector<1x16xf32>,
      %get3A_308 = vector.shape_cast %get3A_307 : vector<1x16xf32> to vector<16xf32>
      %max3A_309 = arith.constant 0.000000e+00 : f32
      %max3A_310 = vector.broadcast %max3A_309 : f32 to vector<16xf32>
      %max3A_311 = arith.maximumf %get3A_296, %max3A_310 : vector<16xf32>
      %mul3A_312 = arith.mulf %max3A_311, %get3A_4 : vector<16xf32>
      %max3A_313 = arith.constant 0.000000e+00 : f32
      %max3A_314 = vector.broadcast %max3A_313 : f32 to vector<16xf32>
      %max3A_315 = arith.maximumf %get3A_300, %max3A_314 : vector<16xf32>
      %mul3A_316 = arith.mulf %max3A_315, %get3A_7 : vector<16xf32>
      %add3A_317 = arith.addf %mul3A_312, %mul3A_316 : vector<16xf32>
      %max3A_318 = arith.constant 0.000000e+00 : f32
      %max3A_319 = vector.broadcast %max3A_318 : f32 to vector<16xf32>
      %max3A_320 = arith.maximumf %get3A_304, %max3A_319 : vector<16xf32>
      %mul3A_321 = arith.mulf %max3A_320, %get3A_10 : vector<16xf32>
      %add3A_322 = arith.addf %add3A_317, %mul3A_321 : vector<16xf32>
      %max3A_323 = arith.constant 0.000000e+00 : f32
      %max3A_324 = vector.broadcast %max3A_323 : f32 to vector<16xf32>
      %max3A_325 = arith.maximumf %get3A_308, %max3A_324 : vector<16xf32>
      %mul3A_326 = arith.mulf %max3A_325, %get3A_13 : vector<16xf32>
      %add3A_327 = arith.addf %add3A_322, %mul3A_326 : vector<16xf32>
      %xor3A_328 = arith.constant 8 : i32
      %xor3A_329 = vector.broadcast %xor3A_328 : i32 to vector<16xi32>
      %xor3A_330 = arith.xori %iota3A, %xor3A_329 : vector<16xi32>
      %lt3A_331 = arith.constant 0 : i32
      %lt3A_332 = vector.broadcast %lt3A_331 : i32 to vector<16xi32>
      %lt3A_333 = arith.cmpi slt, %xor3A_330, %lt3A_332 : vector<16xi32>
      %add3A_334 = arith.constant 16 : i32
      %add3A_335 = vector.broadcast %add3A_334 : i32 to vector<16xi32>
      %add3A_336 = arith.addi %xor3A_330, %add3A_335 : vector<16xi32>
      %select_n3A_337 = arith.select %lt3A_333, %add3A_336, %xor3A_330 : vector<16xi1>, vector<16xi32>
      %broadcast_in_dim3A_338 = vector.shape_cast %select_n3A_337 : vector<16xi32> to vector<16x1xi32>
      %gather3A_339 = vector.shape_cast %broadcast_in_dim3A_338 : vector<16x1xi32> to vector<16xi32>
      %gather3A_340 = tpu.dynamic_gather %add3A_327[%gather3A_339] in [0] : vector<16xf32>, vector<16xi32> -> vector<16xf32>
      %add3A_341 = arith.addf %add3A_327, %gather3A_340 : vector<16xf32>
      %xor3A_342 = arith.constant 4 : i32
      %xor3A_343 = vector.broadcast %xor3A_342 : i32 to vector<16xi32>
      %xor3A_344 = arith.xori %iota3A, %xor3A_343 : vector<16xi32>
      %lt3A_345 = arith.constant 0 : i32
      %lt3A_346 = vector.broadcast %lt3A_345 : i32 to vector<16xi32>
      %lt3A_347 = arith.cmpi slt, %xor3A_344, %lt3A_346 : vector<16xi32>
      %add3A_348 = arith.constant 16 : i32
      %add3A_349 = vector.broadcast %add3A_348 : i32 to vector<16xi32>
      %add3A_350 = arith.addi %xor3A_344, %add3A_349 : vector<16xi32>
      %select_n3A_351 = arith.select %lt3A_347, %add3A_350, %xor3A_344 : vector<16xi1>, vector<16xi32>
      %broadcast_in_dim3A_352 = vector.shape_cast %select_n3A_351 : vector<16xi32> to vector<16x1xi32>
      %gather3A_353 = vector.shape_cast %broadcast_in_dim3A_352 : vector<16x1xi32> to vector<16xi32>
      %gather3A_354 = tpu.dynamic_gather %add3A_341[%gather3A_353] in [0] : vector<16xf32>, vector<16xi32> -> vector<16xf32>
      %add3A_355 = arith.addf %add3A_341, %gather3A_354 : vector<16xf32>
      %xor3A_356 = arith.constant 2 : i32
      %xor3A_357 = vector.broadcast %xor3A_356 : i32 to vector<16xi32>
      %xor3A_358 = arith.xori %iota3A, %xor3A_357 : vector<16xi32>
      %lt3A_359 = arith.constant 0 : i32
      %lt3A_360 = vector.broadcast %lt3A_359 : i32 to vector<16xi32>
      %lt3A_361 = arith.cmpi slt, %xor3A_358, %lt3A_360 : vector<16xi32>
      %add3A_362 = arith.constant 16 : i32
      %add3A_363 = vector.broadcast %add3A_362 : i32 to vector<16xi32>
      %add3A_364 = arith.addi %xor3A_358, %add3A_363 : vector<16xi32>
      %select_n3A_365 = arith.select %lt3A_361, %add3A_364, %xor3A_358 : vector<16xi1>, vector<16xi32>
      %broadcast_in_dim3A_366 = vector.shape_cast %select_n3A_365 : vector<16xi32> to vector<16x1xi32>
      %gather3A_367 = vector.shape_cast %broadcast_in_dim3A_366 : vector<16x1xi32> to vector<16xi32>
      %gather3A_368 = tpu.dynamic_gather %add3A_355[%gather3A_367] in [0] : vector<16xf32>, vector<16xi32> -> vector<16xf32>
      %add3A_369 = arith.addf %add3A_355, %gather3A_368 : vector<16xf32>
      %xor3A_370 = arith.constant 1 : i32
      %xor3A_371 = vector.broadcast %xor3A_370 : i32 to vector<16xi32>
      %xor3A_372 = arith.xori %iota3A, %xor3A_371 : vector<16xi32>
      %lt3A_373 = arith.constant 0 : i32
      %lt3A_374 = vector.broadcast %lt3A_373 : i32 to vector<16xi32>
      %lt3A_375 = arith.cmpi slt, %xor3A_372, %lt3A_374 : vector<16xi32>
      %add3A_376 = arith.constant 16 : i32
      %add3A_377 = vector.broadcast %add3A_376 : i32 to vector<16xi32>
      %add3A_378 = arith.addi %xor3A_372, %add3A_377 : vector<16xi32>
      %select_n3A_379 = arith.select %lt3A_375, %add3A_378, %xor3A_372 : vector<16xi1>, vector<16xi32>
      %broadcast_in_dim3A_380 = vector.shape_cast %select_n3A_379 : vector<16xi32> to vector<16x1xi32>
      %gather3A_381 = vector.shape_cast %broadcast_in_dim3A_380 : vector<16x1xi32> to vector<16xi32>
      %gather3A_382 = tpu.dynamic_gather %add3A_369[%gather3A_381] in [0] : vector<16xf32>, vector<16xi32> -> vector<16xf32>
      %add3A_383 = arith.addf %add3A_369, %gather3A_382 : vector<16xf32>
      %add3A_384 = arith.addf %add3A_383, %get3A_16 : vector<16xf32>
      %eq3A_385 = arith.constant 2 : i32
      %eq3A_386 = vector.broadcast %eq3A_385 : i32 to vector<16xi32>
      %eq3A_387 = arith.cmpi eq, %iota3A, %eq3A_386 : vector<16xi32>
      %select_n3A_388 = arith.select %eq3A_387, %add3A_384, %select_n3A_288 : vector<16xi1>, vector<16xf32>
      %mul3A_389 = arith.constant 16 : i32
      %mul3A_390 = arith.muli %scan3A_94, %mul3A_389 : i32
      %add3A_391 = arith.constant 3 : i32
      %add3A_392 = arith.addi %mul3A_390, %add3A_391 : i32
      %get3A_393 = arith.index_cast %add3A_392 : i32 to index
      %get3A_394 = arith.constant 0 : index
      %get3A_395 = tpu.vector_load %arg10[%get3A_393, %get3A_394] {strides = array<i32>} : memref<128x64xf32, #tpu.memory_space<vmem>>, vector<1x16xf32>,
      %get3A_396 = vector.shape_cast %get3A_395 : vector<1x16xf32> to vector<16xf32>
      %get3A_397 = arith.index_cast %add3A_392 : i32 to index
      %get3A_398 = arith.constant 16 : index
      %get3A_399 = tpu.vector_load %arg10[%get3A_397, %get3A_398] {strides = array<i32>} : memref<128x64xf32, #tpu.memory_space<vmem>>, vector<1x16xf32>,
      %get3A_400 = vector.shape_cast %get3A_399 : vector<1x16xf32> to vector<16xf32>
      %get3A_401 = arith.index_cast %add3A_392 : i32 to index
      %get3A_402 = arith.constant 32 : index
      %get3A_403 = tpu.vector_load %arg10[%get3A_401, %get3A_402] {strides = array<i32>} : memref<128x64xf32, #tpu.memory_space<vmem>>, vector<1x16xf32>,
      %get3A_404 = vector.shape_cast %get3A_403 : vector<1x16xf32> to vector<16xf32>
      %get3A_405 = arith.index_cast %add3A_392 : i32 to index
      %get3A_406 = arith.constant 48 : index
      %get3A_407 = tpu.vector_load %arg10[%get3A_405, %get3A_406] {strides = array<i32>} : memref<128x64xf32, #tpu.memory_space<vmem>>, vector<1x16xf32>,
      %get3A_408 = vector.shape_cast %get3A_407 : vector<1x16xf32> to vector<16xf32>
      %max3A_409 = arith.constant 0.000000e+00 : f32
      %max3A_410 = vector.broadcast %max3A_409 : f32 to vector<16xf32>
      %max3A_411 = arith.maximumf %get3A_396, %max3A_410 : vector<16xf32>
      %mul3A_412 = arith.mulf %max3A_411, %get3A_4 : vector<16xf32>
      %max3A_413 = arith.constant 0.000000e+00 : f32
      %max3A_414 = vector.broadcast %max3A_413 : f32 to vector<16xf32>
      %max3A_415 = arith.maximumf %get3A_400, %max3A_414 : vector<16xf32>
      %mul3A_416 = arith.mulf %max3A_415, %get3A_7 : vector<16xf32>
      %add3A_417 = arith.addf %mul3A_412, %mul3A_416 : vector<16xf32>
      %max3A_418 = arith.constant 0.000000e+00 : f32
      %max3A_419 = vector.broadcast %max3A_418 : f32 to vector<16xf32>
      %max3A_420 = arith.maximumf %get3A_404, %max3A_419 : vector<16xf32>
      %mul3A_421 = arith.mulf %max3A_420, %get3A_10 : vector<16xf32>
      %add3A_422 = arith.addf %add3A_417, %mul3A_421 : vector<16xf32>
      %max3A_423 = arith.constant 0.000000e+00 : f32
      %max3A_424 = vector.broadcast %max3A_423 : f32 to vector<16xf32>
      %max3A_425 = arith.maximumf %get3A_408, %max3A_424 : vector<16xf32>
      %mul3A_426 = arith.mulf %max3A_425, %get3A_13 : vector<16xf32>
      %add3A_427 = arith.addf %add3A_422, %mul3A_426 : vector<16xf32>
      %xor3A_428 = arith.constant 8 : i32
      %xor3A_429 = vector.broadcast %xor3A_428 : i32 to vector<16xi32>
      %xor3A_430 = arith.xori %iota3A, %xor3A_429 : vector<16xi32>
      %lt3A_431 = arith.constant 0 : i32
      %lt3A_432 = vector.broadcast %lt3A_431 : i32 to vector<16xi32>
      %lt3A_433 = arith.cmpi slt, %xor3A_430, %lt3A_432 : vector<16xi32>
      %add3A_434 = arith.constant 16 : i32
      %add3A_435 = vector.broadcast %add3A_434 : i32 to vector<16xi32>
      %add3A_436 = arith.addi %xor3A_430, %add3A_435 : vector<16xi32>
      %select_n3A_437 = arith.select %lt3A_433, %add3A_436, %xor3A_430 : vector<16xi1>, vector<16xi32>
      %broadcast_in_dim3A_438 = vector.shape_cast %select_n3A_437 : vector<16xi32> to vector<16x1xi32>
      %gather3A_439 = vector.shape_cast %broadcast_in_dim3A_438 : vector<16x1xi32> to vector<16xi32>
      %gather3A_440 = tpu.dynamic_gather %add3A_427[%gather3A_439] in [0] : vector<16xf32>, vector<16xi32> -> vector<16xf32>
      %add3A_441 = arith.addf %add3A_427, %gather3A_440 : vector<16xf32>
      %xor3A_442 = arith.constant 4 : i32
      %xor3A_443 = vector.broadcast %xor3A_442 : i32 to vector<16xi32>
      %xor3A_444 = arith.xori %iota3A, %xor3A_443 : vector<16xi32>
      %lt3A_445 = arith.constant 0 : i32
      %lt3A_446 = vector.broadcast %lt3A_445 : i32 to vector<16xi32>
      %lt3A_447 = arith.cmpi slt, %xor3A_444, %lt3A_446 : vector<16xi32>
      %add3A_448 = arith.constant 16 : i32
      %add3A_449 = vector.broadcast %add3A_448 : i32 to vector<16xi32>
      %add3A_450 = arith.addi %xor3A_444, %add3A_449 : vector<16xi32>
      %select_n3A_451 = arith.select %lt3A_447, %add3A_450, %xor3A_444 : vector<16xi1>, vector<16xi32>
      %broadcast_in_dim3A_452 = vector.shape_cast %select_n3A_451 : vector<16xi32> to vector<16x1xi32>
      %gather3A_453 = vector.shape_cast %broadcast_in_dim3A_452 : vector<16x1xi32> to vector<16xi32>
      %gather3A_454 = tpu.dynamic_gather %add3A_441[%gather3A_453] in [0] : vector<16xf32>, vector<16xi32> -> vector<16xf32>
      %add3A_455 = arith.addf %add3A_441, %gather3A_454 : vector<16xf32>
      %xor3A_456 = arith.constant 2 : i32
      %xor3A_457 = vector.broadcast %xor3A_456 : i32 to vector<16xi32>
      %xor3A_458 = arith.xori %iota3A, %xor3A_457 : vector<16xi32>
      %lt3A_459 = arith.constant 0 : i32
      %lt3A_460 = vector.broadcast %lt3A_459 : i32 to vector<16xi32>
      %lt3A_461 = arith.cmpi slt, %xor3A_458, %lt3A_460 : vector<16xi32>
      %add3A_462 = arith.constant 16 : i32
      %add3A_463 = vector.broadcast %add3A_462 : i32 to vector<16xi32>
      %add3A_464 = arith.addi %xor3A_458, %add3A_463 : vector<16xi32>
      %select_n3A_465 = arith.select %lt3A_461, %add3A_464, %xor3A_458 : vector<16xi1>, vector<16xi32>
      %broadcast_in_dim3A_466 = vector.shape_cast %select_n3A_465 : vector<16xi32> to vector<16x1xi32>
      %gather3A_467 = vector.shape_cast %broadcast_in_dim3A_466 : vector<16x1xi32> to vector<16xi32>
      %gather3A_468 = tpu.dynamic_gather %add3A_455[%gather3A_467] in [0] : vector<16xf32>, vector<16xi32> -> vector<16xf32>
      %add3A_469 = arith.addf %add3A_455, %gather3A_468 : vector<16xf32>
      %xor3A_470 = arith.constant 1 : i32
      %xor3A_471 = vector.broadcast %xor3A_470 : i32 to vector<16xi32>
      %xor3A_472 = arith.xori %iota3A, %xor3A_471 : vector<16xi32>
      %lt3A_473 = arith.constant 0 : i32
      %lt3A_474 = vector.broadcast %lt3A_473 : i32 to vector<16xi32>
      %lt3A_475 = arith.cmpi slt, %xor3A_472, %lt3A_474 : vector<16xi32>
      %add3A_476 = arith.constant 16 : i32
      %add3A_477 = vector.broadcast %add3A_476 : i32 to vector<16xi32>
      %add3A_478 = arith.addi %xor3A_472, %add3A_477 : vector<16xi32>
      %select_n3A_479 = arith.select %lt3A_475, %add3A_478, %xor3A_472 : vector<16xi1>, vector<16xi32>
      %broadcast_in_dim3A_480 = vector.shape_cast %select_n3A_479 : vector<16xi32> to vector<16x1xi32>
      %gather3A_481 = vector.shape_cast %broadcast_in_dim3A_480 : vector<16x1xi32> to vector<16xi32>
      %gather3A_482 = tpu.dynamic_gather %add3A_469[%gather3A_481] in [0] : vector<16xf32>, vector<16xi32> -> vector<16xf32>
      %add3A_483 = arith.addf %add3A_469, %gather3A_482 : vector<16xf32>
      %add3A_484 = arith.addf %add3A_483, %get3A_16 : vector<16xf32>
      %eq3A_485 = arith.constant 3 : i32
      %eq3A_486 = vector.broadcast %eq3A_485 : i32 to vector<16xi32>
      %eq3A_487 = arith.cmpi eq, %iota3A, %eq3A_486 : vector<16xi32>
      %select_n3A_488 = arith.select %eq3A_487, %add3A_484, %select_n3A_388 : vector<16xi1>, vector<16xf32>
      %mul3A_489 = arith.constant 16 : i32
      %mul3A_490 = arith.muli %scan3A_94, %mul3A_489 : i32
      %add3A_491 = arith.constant 4 : i32
      %add3A_492 = arith.addi %mul3A_490, %add3A_491 : i32
      %get3A_493 = arith.index_cast %add3A_492 : i32 to index
      %get3A_494 = arith.constant 0 : index
      %get3A_495 = tpu.vector_load %arg10[%get3A_493, %get3A_494] {strides = array<i32>} : memref<128x64xf32, #tpu.memory_space<vmem>>, vector<1x16xf32>,
      %get3A_496 = vector.shape_cast %get3A_495 : vector<1x16xf32> to vector<16xf32>
      %get3A_497 = arith.index_cast %add3A_492 : i32 to index
      %get3A_498 = arith.constant 16 : index
      %get3A_499 = tpu.vector_load %arg10[%get3A_497, %get3A_498] {strides = array<i32>} : memref<128x64xf32, #tpu.memory_space<vmem>>, vector<1x16xf32>,
      %get3A_500 = vector.shape_cast %get3A_499 : vector<1x16xf32> to vector<16xf32>
      %get3A_501 = arith.index_cast %add3A_492 : i32 to index
      %get3A_502 = arith.constant 32 : index
      %get3A_503 = tpu.vector_load %arg10[%get3A_501, %get3A_502] {strides = array<i32>} : memref<128x64xf32, #tpu.memory_space<vmem>>, vector<1x16xf32>,
      %get3A_504 = vector.shape_cast %get3A_503 : vector<1x16xf32> to vector<16xf32>
      %get3A_505 = arith.index_cast %add3A_492 : i32 to index
      %get3A_506 = arith.constant 48 : index
      %get3A_507 = tpu.vector_load %arg10[%get3A_505, %get3A_506] {strides = array<i32>} : memref<128x64xf32, #tpu.memory_space<vmem>>, vector<1x16xf32>,
      %get3A_508 = vector.shape_cast %get3A_507 : vector<1x16xf32> to vector<16xf32>
      %max3A_509 = arith.constant 0.000000e+00 : f32
      %max3A_510 = vector.broadcast %max3A_509 : f32 to vector<16xf32>
      %max3A_511 = arith.maximumf %get3A_496, %max3A_510 : vector<16xf32>
      %mul3A_512 = arith.mulf %max3A_511, %get3A_4 : vector<16xf32>
      %max3A_513 = arith.constant 0.000000e+00 : f32
      %max3A_514 = vector.broadcast %max3A_513 : f32 to vector<16xf32>
      %max3A_515 = arith.maximumf %get3A_500, %max3A_514 : vector<16xf32>
      %mul3A_516 = arith.mulf %max3A_515, %get3A_7 : vector<16xf32>
      %add3A_517 = arith.addf %mul3A_512, %mul3A_516 : vector<16xf32>
      %max3A_518 = arith.constant 0.000000e+00 : f32
      %max3A_519 = vector.broadcast %max3A_518 : f32 to vector<16xf32>
      %max3A_520 = arith.maximumf %get3A_504, %max3A_519 : vector<16xf32>
      %mul3A_521 = arith.mulf %max3A_520, %get3A_10 : vector<16xf32>
      %add3A_522 = arith.addf %add3A_517, %mul3A_521 : vector<16xf32>
      %max3A_523 = arith.constant 0.000000e+00 : f32
      %max3A_524 = vector.broadcast %max3A_523 : f32 to vector<16xf32>
      %max3A_525 = arith.maximumf %get3A_508, %max3A_524 : vector<16xf32>
      %mul3A_526 = arith.mulf %max3A_525, %get3A_13 : vector<16xf32>
      %add3A_527 = arith.addf %add3A_522, %mul3A_526 : vector<16xf32>
      %xor3A_528 = arith.constant 8 : i32
      %xor3A_529 = vector.broadcast %xor3A_528 : i32 to vector<16xi32>
      %xor3A_530 = arith.xori %iota3A, %xor3A_529 : vector<16xi32>
      %lt3A_531 = arith.constant 0 : i32
      %lt3A_532 = vector.broadcast %lt3A_531 : i32 to vector<16xi32>
      %lt3A_533 = arith.cmpi slt, %xor3A_530, %lt3A_532 : vector<16xi32>
      %add3A_534 = arith.constant 16 : i32
      %add3A_535 = vector.broadcast %add3A_534 : i32 to vector<16xi32>
      %add3A_536 = arith.addi %xor3A_530, %add3A_535 : vector<16xi32>
      %select_n3A_537 = arith.select %lt3A_533, %add3A_536, %xor3A_530 : vector<16xi1>, vector<16xi32>
      %broadcast_in_dim3A_538 = vector.shape_cast %select_n3A_537 : vector<16xi32> to vector<16x1xi32>
      %gather3A_539 = vector.shape_cast %broadcast_in_dim3A_538 : vector<16x1xi32> to vector<16xi32>
      %gather3A_540 = tpu.dynamic_gather %add3A_527[%gather3A_539] in [0] : vector<16xf32>, vector<16xi32> -> vector<16xf32>
      %add3A_541 = arith.addf %add3A_527, %gather3A_540 : vector<16xf32>
      %xor3A_542 = arith.constant 4 : i32
      %xor3A_543 = vector.broadcast %xor3A_542 : i32 to vector<16xi32>
      %xor3A_544 = arith.xori %iota3A, %xor3A_543 : vector<16xi32>
      %lt3A_545 = arith.constant 0 : i32
      %lt3A_546 = vector.broadcast %lt3A_545 : i32 to vector<16xi32>
      %lt3A_547 = arith.cmpi slt, %xor3A_544, %lt3A_546 : vector<16xi32>
      %add3A_548 = arith.constant 16 : i32
      %add3A_549 = vector.broadcast %add3A_548 : i32 to vector<16xi32>
      %add3A_550 = arith.addi %xor3A_544, %add3A_549 : vector<16xi32>
      %select_n3A_551 = arith.select %lt3A_547, %add3A_550, %xor3A_544 : vector<16xi1>, vector<16xi32>
      %broadcast_in_dim3A_552 = vector.shape_cast %select_n3A_551 : vector<16xi32> to vector<16x1xi32>
      %gather3A_553 = vector.shape_cast %broadcast_in_dim3A_552 : vector<16x1xi32> to vector<16xi32>
      %gather3A_554 = tpu.dynamic_gather %add3A_541[%gather3A_553] in [0] : vector<16xf32>, vector<16xi32> -> vector<16xf32>
      %add3A_555 = arith.addf %add3A_541, %gather3A_554 : vector<16xf32>
      %xor3A_556 = arith.constant 2 : i32
      %xor3A_557 = vector.broadcast %xor3A_556 : i32 to vector<16xi32>
      %xor3A_558 = arith.xori %iota3A, %xor3A_557 : vector<16xi32>
      %lt3A_559 = arith.constant 0 : i32
      %lt3A_560 = vector.broadcast %lt3A_559 : i32 to vector<16xi32>
      %lt3A_561 = arith.cmpi slt, %xor3A_558, %lt3A_560 : vector<16xi32>
      %add3A_562 = arith.constant 16 : i32
      %add3A_563 = vector.broadcast %add3A_562 : i32 to vector<16xi32>
      %add3A_564 = arith.addi %xor3A_558, %add3A_563 : vector<16xi32>
      %select_n3A_565 = arith.select %lt3A_561, %add3A_564, %xor3A_558 : vector<16xi1>, vector<16xi32>
      %broadcast_in_dim3A_566 = vector.shape_cast %select_n3A_565 : vector<16xi32> to vector<16x1xi32>
      %gather3A_567 = vector.shape_cast %broadcast_in_dim3A_566 : vector<16x1xi32> to vector<16xi32>
      %gather3A_568 = tpu.dynamic_gather %add3A_555[%gather3A_567] in [0] : vector<16xf32>, vector<16xi32> -> vector<16xf32>
      %add3A_569 = arith.addf %add3A_555, %gather3A_568 : vector<16xf32>
      %xor3A_570 = arith.constant 1 : i32
      %xor3A_571 = vector.broadcast %xor3A_570 : i32 to vector<16xi32>
      %xor3A_572 = arith.xori %iota3A, %xor3A_571 : vector<16xi32>
      %lt3A_573 = arith.constant 0 : i32
      %lt3A_574 = vector.broadcast %lt3A_573 : i32 to vector<16xi32>
      %lt3A_575 = arith.cmpi slt, %xor3A_572, %lt3A_574 : vector<16xi32>
      %add3A_576 = arith.constant 16 : i32
      %add3A_577 = vector.broadcast %add3A_576 : i32 to vector<16xi32>
      %add3A_578 = arith.addi %xor3A_572, %add3A_577 : vector<16xi32>
      %select_n3A_579 = arith.select %lt3A_575, %add3A_578, %xor3A_572 : vector<16xi1>, vector<16xi32>
      %broadcast_in_dim3A_580 = vector.shape_cast %select_n3A_579 : vector<16xi32> to vector<16x1xi32>
      %gather3A_581 = vector.shape_cast %broadcast_in_dim3A_580 : vector<16x1xi32> to vector<16xi32>
      %gather3A_582 = tpu.dynamic_gather %add3A_569[%gather3A_581] in [0] : vector<16xf32>, vector<16xi32> -> vector<16xf32>
      %add3A_583 = arith.addf %add3A_569, %gather3A_582 : vector<16xf32>
      %add3A_584 = arith.addf %add3A_583, %get3A_16 : vector<16xf32>
      %eq3A_585 = arith.constant 4 : i32
      %eq3A_586 = vector.broadcast %eq3A_585 : i32 to vector<16xi32>
      %eq3A_587 = arith.cmpi eq, %iota3A, %eq3A_586 : vector<16xi32>
      %select_n3A_588 = arith.select %eq3A_587, %add3A_584, %select_n3A_488 : vector<16xi1>, vector<16xf32>
      %mul3A_589 = arith.constant 16 : i32
      %mul3A_590 = arith.muli %scan3A_94, %mul3A_589 : i32
      %add3A_591 = arith.constant 5 : i32
      %add3A_592 = arith.addi %mul3A_590, %add3A_591 : i32
      %get3A_593 = arith.index_cast %add3A_592 : i32 to index
      %get3A_594 = arith.constant 0 : index
      %get3A_595 = tpu.vector_load %arg10[%get3A_593, %get3A_594] {strides = array<i32>} : memref<128x64xf32, #tpu.memory_space<vmem>>, vector<1x16xf32>,
      %get3A_596 = vector.shape_cast %get3A_595 : vector<1x16xf32> to vector<16xf32>
      %get3A_597 = arith.index_cast %add3A_592 : i32 to index
      %get3A_598 = arith.constant 16 : index
      %get3A_599 = tpu.vector_load %arg10[%get3A_597, %get3A_598] {strides = array<i32>} : memref<128x64xf32, #tpu.memory_space<vmem>>, vector<1x16xf32>,
      %get3A_600 = vector.shape_cast %get3A_599 : vector<1x16xf32> to vector<16xf32>
      %get3A_601 = arith.index_cast %add3A_592 : i32 to index
      %get3A_602 = arith.constant 32 : index
      %get3A_603 = tpu.vector_load %arg10[%get3A_601, %get3A_602] {strides = array<i32>} : memref<128x64xf32, #tpu.memory_space<vmem>>, vector<1x16xf32>,
      %get3A_604 = vector.shape_cast %get3A_603 : vector<1x16xf32> to vector<16xf32>
      %get3A_605 = arith.index_cast %add3A_592 : i32 to index
      %get3A_606 = arith.constant 48 : index
      %get3A_607 = tpu.vector_load %arg10[%get3A_605, %get3A_606] {strides = array<i32>} : memref<128x64xf32, #tpu.memory_space<vmem>>, vector<1x16xf32>,
      %get3A_608 = vector.shape_cast %get3A_607 : vector<1x16xf32> to vector<16xf32>
      %max3A_609 = arith.constant 0.000000e+00 : f32
      %max3A_610 = vector.broadcast %max3A_609 : f32 to vector<16xf32>
      %max3A_611 = arith.maximumf %get3A_596, %max3A_610 : vector<16xf32>
      %mul3A_612 = arith.mulf %max3A_611, %get3A_4 : vector<16xf32>
      %max3A_613 = arith.constant 0.000000e+00 : f32
      %max3A_614 = vector.broadcast %max3A_613 : f32 to vector<16xf32>
      %max3A_615 = arith.maximumf %get3A_600, %max3A_614 : vector<16xf32>
      %mul3A_616 = arith.mulf %max3A_615, %get3A_7 : vector<16xf32>
      %add3A_617 = arith.addf %mul3A_612, %mul3A_616 : vector<16xf32>
      %max3A_618 = arith.constant 0.000000e+00 : f32
      %max3A_619 = vector.broadcast %max3A_618 : f32 to vector<16xf32>
      %max3A_620 = arith.maximumf %get3A_604, %max3A_619 : vector<16xf32>
      %mul3A_621 = arith.mulf %max3A_620, %get3A_10 : vector<16xf32>
      %add3A_622 = arith.addf %add3A_617, %mul3A_621 : vector<16xf32>
      %max3A_623 = arith.constant 0.000000e+00 : f32
      %max3A_624 = vector.broadcast %max3A_623 : f32 to vector<16xf32>
      %max3A_625 = arith.maximumf %get3A_608, %max3A_624 : vector<16xf32>
      %mul3A_626 = arith.mulf %max3A_625, %get3A_13 : vector<16xf32>
      %add3A_627 = arith.addf %add3A_622, %mul3A_626 : vector<16xf32>
      %xor3A_628 = arith.constant 8 : i32
      %xor3A_629 = vector.broadcast %xor3A_628 : i32 to vector<16xi32>
      %xor3A_630 = arith.xori %iota3A, %xor3A_629 : vector<16xi32>
      %lt3A_631 = arith.constant 0 : i32
      %lt3A_632 = vector.broadcast %lt3A_631 : i32 to vector<16xi32>
      %lt3A_633 = arith.cmpi slt, %xor3A_630, %lt3A_632 : vector<16xi32>
      %add3A_634 = arith.constant 16 : i32
      %add3A_635 = vector.broadcast %add3A_634 : i32 to vector<16xi32>
      %add3A_636 = arith.addi %xor3A_630, %add3A_635 : vector<16xi32>
      %select_n3A_637 = arith.select %lt3A_633, %add3A_636, %xor3A_630 : vector<16xi1>, vector<16xi32>
      %broadcast_in_dim3A_638 = vector.shape_cast %select_n3A_637 : vector<16xi32> to vector<16x1xi32>
      %gather3A_639 = vector.shape_cast %broadcast_in_dim3A_638 : vector<16x1xi32> to vector<16xi32>
      %gather3A_640 = tpu.dynamic_gather %add3A_627[%gather3A_639] in [0] : vector<16xf32>, vector<16xi32> -> vector<16xf32>
      %add3A_641 = arith.addf %add3A_627, %gather3A_640 : vector<16xf32>
      %xor3A_642 = arith.constant 4 : i32
      %xor3A_643 = vector.broadcast %xor3A_642 : i32 to vector<16xi32>
      %xor3A_644 = arith.xori %iota3A, %xor3A_643 : vector<16xi32>
      %lt3A_645 = arith.constant 0 : i32
      %lt3A_646 = vector.broadcast %lt3A_645 : i32 to vector<16xi32>
      %lt3A_647 = arith.cmpi slt, %xor3A_644, %lt3A_646 : vector<16xi32>
      %add3A_648 = arith.constant 16 : i32
      %add3A_649 = vector.broadcast %add3A_648 : i32 to vector<16xi32>
      %add3A_650 = arith.addi %xor3A_644, %add3A_649 : vector<16xi32>
      %select_n3A_651 = arith.select %lt3A_647, %add3A_650, %xor3A_644 : vector<16xi1>, vector<16xi32>
      %broadcast_in_dim3A_652 = vector.shape_cast %select_n3A_651 : vector<16xi32> to vector<16x1xi32>
      %gather3A_653 = vector.shape_cast %broadcast_in_dim3A_652 : vector<16x1xi32> to vector<16xi32>
      %gather3A_654 = tpu.dynamic_gather %add3A_641[%gather3A_653] in [0] : vector<16xf32>, vector<16xi32> -> vector<16xf32>
      %add3A_655 = arith.addf %add3A_641, %gather3A_654 : vector<16xf32>
      %xor3A_656 = arith.constant 2 : i32
      %xor3A_657 = vector.broadcast %xor3A_656 : i32 to vector<16xi32>
      %xor3A_658 = arith.xori %iota3A, %xor3A_657 : vector<16xi32>
      %lt3A_659 = arith.constant 0 : i32
      %lt3A_660 = vector.broadcast %lt3A_659 : i32 to vector<16xi32>
      %lt3A_661 = arith.cmpi slt, %xor3A_658, %lt3A_660 : vector<16xi32>
      %add3A_662 = arith.constant 16 : i32
      %add3A_663 = vector.broadcast %add3A_662 : i32 to vector<16xi32>
      %add3A_664 = arith.addi %xor3A_658, %add3A_663 : vector<16xi32>
      %select_n3A_665 = arith.select %lt3A_661, %add3A_664, %xor3A_658 : vector<16xi1>, vector<16xi32>
      %broadcast_in_dim3A_666 = vector.shape_cast %select_n3A_665 : vector<16xi32> to vector<16x1xi32>
      %gather3A_667 = vector.shape_cast %broadcast_in_dim3A_666 : vector<16x1xi32> to vector<16xi32>
      %gather3A_668 = tpu.dynamic_gather %add3A_655[%gather3A_667] in [0] : vector<16xf32>, vector<16xi32> -> vector<16xf32>
      %add3A_669 = arith.addf %add3A_655, %gather3A_668 : vector<16xf32>
      %xor3A_670 = arith.constant 1 : i32
      %xor3A_671 = vector.broadcast %xor3A_670 : i32 to vector<16xi32>
      %xor3A_672 = arith.xori %iota3A, %xor3A_671 : vector<16xi32>
      %lt3A_673 = arith.constant 0 : i32
      %lt3A_674 = vector.broadcast %lt3A_673 : i32 to vector<16xi32>
      %lt3A_675 = arith.cmpi slt, %xor3A_672, %lt3A_674 : vector<16xi32>
      %add3A_676 = arith.constant 16 : i32
      %add3A_677 = vector.broadcast %add3A_676 : i32 to vector<16xi32>
      %add3A_678 = arith.addi %xor3A_672, %add3A_677 : vector<16xi32>
      %select_n3A_679 = arith.select %lt3A_675, %add3A_678, %xor3A_672 : vector<16xi1>, vector<16xi32>
      %broadcast_in_dim3A_680 = vector.shape_cast %select_n3A_679 : vector<16xi32> to vector<16x1xi32>
      %gather3A_681 = vector.shape_cast %broadcast_in_dim3A_680 : vector<16x1xi32> to vector<16xi32>
      %gather3A_682 = tpu.dynamic_gather %add3A_669[%gather3A_681] in [0] : vector<16xf32>, vector<16xi32> -> vector<16xf32>
      %add3A_683 = arith.addf %add3A_669, %gather3A_682 : vector<16xf32>
      %add3A_684 = arith.addf %add3A_683, %get3A_16 : vector<16xf32>
      %eq3A_685 = arith.constant 5 : i32
      %eq3A_686 = vector.broadcast %eq3A_685 : i32 to vector<16xi32>
      %eq3A_687 = arith.cmpi eq, %iota3A, %eq3A_686 : vector<16xi32>
      %select_n3A_688 = arith.select %eq3A_687, %add3A_684, %select_n3A_588 : vector<16xi1>, vector<16xf32>
      %mul3A_689 = arith.constant 16 : i32
      %mul3A_690 = arith.muli %scan3A_94, %mul3A_689 : i32
      %add3A_691 = arith.constant 6 : i32
      %add3A_692 = arith.addi %mul3A_690, %add3A_691 : i32
      %get3A_693 = arith.index_cast %add3A_692 : i32 to index
      %get3A_694 = arith.constant 0 : index
      %get3A_695 = tpu.vector_load %arg10[%get3A_693, %get3A_694] {strides = array<i32>} : memref<128x64xf32, #tpu.memory_space<vmem>>, vector<1x16xf32>,
      %get3A_696 = vector.shape_cast %get3A_695 : vector<1x16xf32> to vector<16xf32>
      %get3A_697 = arith.index_cast %add3A_692 : i32 to index
      %get3A_698 = arith.constant 16 : index
      %get3A_699 = tpu.vector_load %arg10[%get3A_697, %get3A_698] {strides = array<i32>} : memref<128x64xf32, #tpu.memory_space<vmem>>, vector<1x16xf32>,
      %get3A_700 = vector.shape_cast %get3A_699 : vector<1x16xf32> to vector<16xf32>
      %get3A_701 = arith.index_cast %add3A_692 : i32 to index
      %get3A_702 = arith.constant 32 : index
      %get3A_703 = tpu.vector_load %arg10[%get3A_701, %get3A_702] {strides = array<i32>} : memref<128x64xf32, #tpu.memory_space<vmem>>, vector<1x16xf32>,
      %get3A_704 = vector.shape_cast %get3A_703 : vector<1x16xf32> to vector<16xf32>
      %get3A_705 = arith.index_cast %add3A_692 : i32 to index
      %get3A_706 = arith.constant 48 : index
      %get3A_707 = tpu.vector_load %arg10[%get3A_705, %get3A_706] {strides = array<i32>} : memref<128x64xf32, #tpu.memory_space<vmem>>, vector<1x16xf32>,
      %get3A_708 = vector.shape_cast %get3A_707 : vector<1x16xf32> to vector<16xf32>
      %max3A_709 = arith.constant 0.000000e+00 : f32
      %max3A_710 = vector.broadcast %max3A_709 : f32 to vector<16xf32>
      %max3A_711 = arith.maximumf %get3A_696, %max3A_710 : vector<16xf32>
      %mul3A_712 = arith.mulf %max3A_711, %get3A_4 : vector<16xf32>
      %max3A_713 = arith.constant 0.000000e+00 : f32
      %max3A_714 = vector.broadcast %max3A_713 : f32 to vector<16xf32>
      %max3A_715 = arith.maximumf %get3A_700, %max3A_714 : vector<16xf32>
      %mul3A_716 = arith.mulf %max3A_715, %get3A_7 : vector<16xf32>
      %add3A_717 = arith.addf %mul3A_712, %mul3A_716 : vector<16xf32>
      %max3A_718 = arith.constant 0.000000e+00 : f32
      %max3A_719 = vector.broadcast %max3A_718 : f32 to vector<16xf32>
      %max3A_720 = arith.maximumf %get3A_704, %max3A_719 : vector<16xf32>
      %mul3A_721 = arith.mulf %max3A_720, %get3A_10 : vector<16xf32>
      %add3A_722 = arith.addf %add3A_717, %mul3A_721 : vector<16xf32>
      %max3A_723 = arith.constant 0.000000e+00 : f32
      %max3A_724 = vector.broadcast %max3A_723 : f32 to vector<16xf32>
      %max3A_725 = arith.maximumf %get3A_708, %max3A_724 : vector<16xf32>
      %mul3A_726 = arith.mulf %max3A_725, %get3A_13 : vector<16xf32>
      %add3A_727 = arith.addf %add3A_722, %mul3A_726 : vector<16xf32>
      %xor3A_728 = arith.constant 8 : i32
      %xor3A_729 = vector.broadcast %xor3A_728 : i32 to vector<16xi32>
      %xor3A_730 = arith.xori %iota3A, %xor3A_729 : vector<16xi32>
      %lt3A_731 = arith.constant 0 : i32
      %lt3A_732 = vector.broadcast %lt3A_731 : i32 to vector<16xi32>
      %lt3A_733 = arith.cmpi slt, %xor3A_730, %lt3A_732 : vector<16xi32>
      %add3A_734 = arith.constant 16 : i32
      %add3A_735 = vector.broadcast %add3A_734 : i32 to vector<16xi32>
      %add3A_736 = arith.addi %xor3A_730, %add3A_735 : vector<16xi32>
      %select_n3A_737 = arith.select %lt3A_733, %add3A_736, %xor3A_730 : vector<16xi1>, vector<16xi32>
      %broadcast_in_dim3A_738 = vector.shape_cast %select_n3A_737 : vector<16xi32> to vector<16x1xi32>
      %gather3A_739 = vector.shape_cast %broadcast_in_dim3A_738 : vector<16x1xi32> to vector<16xi32>
      %gather3A_740 = tpu.dynamic_gather %add3A_727[%gather3A_739] in [0] : vector<16xf32>, vector<16xi32> -> vector<16xf32>
      %add3A_741 = arith.addf %add3A_727, %gather3A_740 : vector<16xf32>
      %xor3A_742 = arith.constant 4 : i32
      %xor3A_743 = vector.broadcast %xor3A_742 : i32 to vector<16xi32>
      %xor3A_744 = arith.xori %iota3A, %xor3A_743 : vector<16xi32>
      %lt3A_745 = arith.constant 0 : i32
      %lt3A_746 = vector.broadcast %lt3A_745 : i32 to vector<16xi32>
      %lt3A_747 = arith.cmpi slt, %xor3A_744, %lt3A_746 : vector<16xi32>
      %add3A_748 = arith.constant 16 : i32
      %add3A_749 = vector.broadcast %add3A_748 : i32 to vector<16xi32>
      %add3A_750 = arith.addi %xor3A_744, %add3A_749 : vector<16xi32>
      %select_n3A_751 = arith.select %lt3A_747, %add3A_750, %xor3A_744 : vector<16xi1>, vector<16xi32>
      %broadcast_in_dim3A_752 = vector.shape_cast %select_n3A_751 : vector<16xi32> to vector<16x1xi32>
      %gather3A_753 = vector.shape_cast %broadcast_in_dim3A_752 : vector<16x1xi32> to vector<16xi32>
      %gather3A_754 = tpu.dynamic_gather %add3A_741[%gather3A_753] in [0] : vector<16xf32>, vector<16xi32> -> vector<16xf32>
      %add3A_755 = arith.addf %add3A_741, %gather3A_754 : vector<16xf32>
      %xor3A_756 = arith.constant 2 : i32
      %xor3A_757 = vector.broadcast %xor3A_756 : i32 to vector<16xi32>
      %xor3A_758 = arith.xori %iota3A, %xor3A_757 : vector<16xi32>
      %lt3A_759 = arith.constant 0 : i32
      %lt3A_760 = vector.broadcast %lt3A_759 : i32 to vector<16xi32>
      %lt3A_761 = arith.cmpi slt, %xor3A_758, %lt3A_760 : vector<16xi32>
      %add3A_762 = arith.constant 16 : i32
      %add3A_763 = vector.broadcast %add3A_762 : i32 to vector<16xi32>
      %add3A_764 = arith.addi %xor3A_758, %add3A_763 : vector<16xi32>
      %select_n3A_765 = arith.select %lt3A_761, %add3A_764, %xor3A_758 : vector<16xi1>, vector<16xi32>
      %broadcast_in_dim3A_766 = vector.shape_cast %select_n3A_765 : vector<16xi32> to vector<16x1xi32>
      %gather3A_767 = vector.shape_cast %broadcast_in_dim3A_766 : vector<16x1xi32> to vector<16xi32>
      %gather3A_768 = tpu.dynamic_gather %add3A_755[%gather3A_767] in [0] : vector<16xf32>, vector<16xi32> -> vector<16xf32>
      %add3A_769 = arith.addf %add3A_755, %gather3A_768 : vector<16xf32>
      %xor3A_770 = arith.constant 1 : i32
      %xor3A_771 = vector.broadcast %xor3A_770 : i32 to vector<16xi32>
      %xor3A_772 = arith.xori %iota3A, %xor3A_771 : vector<16xi32>
      %lt3A_773 = arith.constant 0 : i32
      %lt3A_774 = vector.broadcast %lt3A_773 : i32 to vector<16xi32>
      %lt3A_775 = arith.cmpi slt, %xor3A_772, %lt3A_774 : vector<16xi32>
      %add3A_776 = arith.constant 16 : i32
      %add3A_777 = vector.broadcast %add3A_776 : i32 to vector<16xi32>
      %add3A_778 = arith.addi %xor3A_772, %add3A_777 : vector<16xi32>
      %select_n3A_779 = arith.select %lt3A_775, %add3A_778, %xor3A_772 : vector<16xi1>, vector<16xi32>
      %broadcast_in_dim3A_780 = vector.shape_cast %select_n3A_779 : vector<16xi32> to vector<16x1xi32>
      %gather3A_781 = vector.shape_cast %broadcast_in_dim3A_780 : vector<16x1xi32> to vector<16xi32>
      %gather3A_782 = tpu.dynamic_gather %add3A_769[%gather3A_781] in [0] : vector<16xf32>, vector<16xi32> -> vector<16xf32>
      %add3A_783 = arith.addf %add3A_769, %gather3A_782 : vector<16xf32>
      %add3A_784 = arith.addf %add3A_783, %get3A_16 : vector<16xf32>
      %eq3A_785 = arith.constant 6 : i32
      %eq3A_786 = vector.broadcast %eq3A_785 : i32 to vector<16xi32>
      %eq3A_787 = arith.cmpi eq, %iota3A, %eq3A_786 : vector<16xi32>
      %select_n3A_788 = arith.select %eq3A_787, %add3A_784, %select_n3A_688 : vector<16xi1>, vector<16xf32>
      %mul3A_789 = arith.constant 16 : i32
      %mul3A_790 = arith.muli %scan3A_94, %mul3A_789 : i32
      %add3A_791 = arith.constant 7 : i32
      %add3A_792 = arith.addi %mul3A_790, %add3A_791 : i32
      %get3A_793 = arith.index_cast %add3A_792 : i32 to index
      %get3A_794 = arith.constant 0 : index
      %get3A_795 = tpu.vector_load %arg10[%get3A_793, %get3A_794] {strides = array<i32>} : memref<128x64xf32, #tpu.memory_space<vmem>>, vector<1x16xf32>,
      %get3A_796 = vector.shape_cast %get3A_795 : vector<1x16xf32> to vector<16xf32>
      %get3A_797 = arith.index_cast %add3A_792 : i32 to index
      %get3A_798 = arith.constant 16 : index
      %get3A_799 = tpu.vector_load %arg10[%get3A_797, %get3A_798] {strides = array<i32>} : memref<128x64xf32, #tpu.memory_space<vmem>>, vector<1x16xf32>,
      %get3A_800 = vector.shape_cast %get3A_799 : vector<1x16xf32> to vector<16xf32>
      %get3A_801 = arith.index_cast %add3A_792 : i32 to index
      %get3A_802 = arith.constant 32 : index
      %get3A_803 = tpu.vector_load %arg10[%get3A_801, %get3A_802] {strides = array<i32>} : memref<128x64xf32, #tpu.memory_space<vmem>>, vector<1x16xf32>,
      %get3A_804 = vector.shape_cast %get3A_803 : vector<1x16xf32> to vector<16xf32>
      %get3A_805 = arith.index_cast %add3A_792 : i32 to index
      %get3A_806 = arith.constant 48 : index
      %get3A_807 = tpu.vector_load %arg10[%get3A_805, %get3A_806] {strides = array<i32>} : memref<128x64xf32, #tpu.memory_space<vmem>>, vector<1x16xf32>,
      %get3A_808 = vector.shape_cast %get3A_807 : vector<1x16xf32> to vector<16xf32>
      %max3A_809 = arith.constant 0.000000e+00 : f32
      %max3A_810 = vector.broadcast %max3A_809 : f32 to vector<16xf32>
      %max3A_811 = arith.maximumf %get3A_796, %max3A_810 : vector<16xf32>
      %mul3A_812 = arith.mulf %max3A_811, %get3A_4 : vector<16xf32>
      %max3A_813 = arith.constant 0.000000e+00 : f32
      %max3A_814 = vector.broadcast %max3A_813 : f32 to vector<16xf32>
      %max3A_815 = arith.maximumf %get3A_800, %max3A_814 : vector<16xf32>
      %mul3A_816 = arith.mulf %max3A_815, %get3A_7 : vector<16xf32>
      %add3A_817 = arith.addf %mul3A_812, %mul3A_816 : vector<16xf32>
      %max3A_818 = arith.constant 0.000000e+00 : f32
      %max3A_819 = vector.broadcast %max3A_818 : f32 to vector<16xf32>
      %max3A_820 = arith.maximumf %get3A_804, %max3A_819 : vector<16xf32>
      %mul3A_821 = arith.mulf %max3A_820, %get3A_10 : vector<16xf32>
      %add3A_822 = arith.addf %add3A_817, %mul3A_821 : vector<16xf32>
      %max3A_823 = arith.constant 0.000000e+00 : f32
      %max3A_824 = vector.broadcast %max3A_823 : f32 to vector<16xf32>
      %max3A_825 = arith.maximumf %get3A_808, %max3A_824 : vector<16xf32>
      %mul3A_826 = arith.mulf %max3A_825, %get3A_13 : vector<16xf32>
      %add3A_827 = arith.addf %add3A_822, %mul3A_826 : vector<16xf32>
      %xor3A_828 = arith.constant 8 : i32
      %xor3A_829 = vector.broadcast %xor3A_828 : i32 to vector<16xi32>
      %xor3A_830 = arith.xori %iota3A, %xor3A_829 : vector<16xi32>
      %lt3A_831 = arith.constant 0 : i32
      %lt3A_832 = vector.broadcast %lt3A_831 : i32 to vector<16xi32>
      %lt3A_833 = arith.cmpi slt, %xor3A_830, %lt3A_832 : vector<16xi32>
      %add3A_834 = arith.constant 16 : i32
      %add3A_835 = vector.broadcast %add3A_834 : i32 to vector<16xi32>
      %add3A_836 = arith.addi %xor3A_830, %add3A_835 : vector<16xi32>
      %select_n3A_837 = arith.select %lt3A_833, %add3A_836, %xor3A_830 : vector<16xi1>, vector<16xi32>
      %broadcast_in_dim3A_838 = vector.shape_cast %select_n3A_837 : vector<16xi32> to vector<16x1xi32>
      %gather3A_839 = vector.shape_cast %broadcast_in_dim3A_838 : vector<16x1xi32> to vector<16xi32>
      %gather3A_840 = tpu.dynamic_gather %add3A_827[%gather3A_839] in [0] : vector<16xf32>, vector<16xi32> -> vector<16xf32>
      %add3A_841 = arith.addf %add3A_827, %gather3A_840 : vector<16xf32>
      %xor3A_842 = arith.constant 4 : i32
      %xor3A_843 = vector.broadcast %xor3A_842 : i32 to vector<16xi32>
      %xor3A_844 = arith.xori %iota3A, %xor3A_843 : vector<16xi32>
      %lt3A_845 = arith.constant 0 : i32
      %lt3A_846 = vector.broadcast %lt3A_845 : i32 to vector<16xi32>
      %lt3A_847 = arith.cmpi slt, %xor3A_844, %lt3A_846 : vector<16xi32>
      %add3A_848 = arith.constant 16 : i32
      %add3A_849 = vector.broadcast %add3A_848 : i32 to vector<16xi32>
      %add3A_850 = arith.addi %xor3A_844, %add3A_849 : vector<16xi32>
      %select_n3A_851 = arith.select %lt3A_847, %add3A_850, %xor3A_844 : vector<16xi1>, vector<16xi32>
      %broadcast_in_dim3A_852 = vector.shape_cast %select_n3A_851 : vector<16xi32> to vector<16x1xi32>
      %gather3A_853 = vector.shape_cast %broadcast_in_dim3A_852 : vector<16x1xi32> to vector<16xi32>
      %gather3A_854 = tpu.dynamic_gather %add3A_841[%gather3A_853] in [0] : vector<16xf32>, vector<16xi32> -> vector<16xf32>
      %add3A_855 = arith.addf %add3A_841, %gather3A_854 : vector<16xf32>
      %xor3A_856 = arith.constant 2 : i32
      %xor3A_857 = vector.broadcast %xor3A_856 : i32 to vector<16xi32>
      %xor3A_858 = arith.xori %iota3A, %xor3A_857 : vector<16xi32>
      %lt3A_859 = arith.constant 0 : i32
      %lt3A_860 = vector.broadcast %lt3A_859 : i32 to vector<16xi32>
      %lt3A_861 = arith.cmpi slt, %xor3A_858, %lt3A_860 : vector<16xi32>
      %add3A_862 = arith.constant 16 : i32
      %add3A_863 = vector.broadcast %add3A_862 : i32 to vector<16xi32>
      %add3A_864 = arith.addi %xor3A_858, %add3A_863 : vector<16xi32>
      %select_n3A_865 = arith.select %lt3A_861, %add3A_864, %xor3A_858 : vector<16xi1>, vector<16xi32>
      %broadcast_in_dim3A_866 = vector.shape_cast %select_n3A_865 : vector<16xi32> to vector<16x1xi32>
      %gather3A_867 = vector.shape_cast %broadcast_in_dim3A_866 : vector<16x1xi32> to vector<16xi32>
      %gather3A_868 = tpu.dynamic_gather %add3A_855[%gather3A_867] in [0] : vector<16xf32>, vector<16xi32> -> vector<16xf32>
      %add3A_869 = arith.addf %add3A_855, %gather3A_868 : vector<16xf32>
      %xor3A_870 = arith.constant 1 : i32
      %xor3A_871 = vector.broadcast %xor3A_870 : i32 to vector<16xi32>
      %xor3A_872 = arith.xori %iota3A, %xor3A_871 : vector<16xi32>
      %lt3A_873 = arith.constant 0 : i32
      %lt3A_874 = vector.broadcast %lt3A_873 : i32 to vector<16xi32>
      %lt3A_875 = arith.cmpi slt, %xor3A_872, %lt3A_874 : vector<16xi32>
      %add3A_876 = arith.constant 16 : i32
      %add3A_877 = vector.broadcast %add3A_876 : i32 to vector<16xi32>
      %add3A_878 = arith.addi %xor3A_872, %add3A_877 : vector<16xi32>
      %select_n3A_879 = arith.select %lt3A_875, %add3A_878, %xor3A_872 : vector<16xi1>, vector<16xi32>
      %broadcast_in_dim3A_880 = vector.shape_cast %select_n3A_879 : vector<16xi32> to vector<16x1xi32>
      %gather3A_881 = vector.shape_cast %broadcast_in_dim3A_880 : vector<16x1xi32> to vector<16xi32>
      %gather3A_882 = tpu.dynamic_gather %add3A_869[%gather3A_881] in [0] : vector<16xf32>, vector<16xi32> -> vector<16xf32>
      %add3A_883 = arith.addf %add3A_869, %gather3A_882 : vector<16xf32>
      %add3A_884 = arith.addf %add3A_883, %get3A_16 : vector<16xf32>
      %eq3A_885 = arith.constant 7 : i32
      %eq3A_886 = vector.broadcast %eq3A_885 : i32 to vector<16xi32>
      %eq3A_887 = arith.cmpi eq, %iota3A, %eq3A_886 : vector<16xi32>
      %select_n3A_888 = arith.select %eq3A_887, %add3A_884, %select_n3A_788 : vector<16xi1>, vector<16xf32>
      %mul3A_889 = arith.constant 16 : i32
      %mul3A_890 = arith.muli %scan3A_94, %mul3A_889 : i32
      %add3A_891 = arith.constant 8 : i32
      %add3A_892 = arith.addi %mul3A_890, %add3A_891 : i32
      %get3A_893 = arith.index_cast %add3A_892 : i32 to index
      %get3A_894 = arith.constant 0 : index
      %get3A_895 = tpu.vector_load %arg10[%get3A_893, %get3A_894] {strides = array<i32>} : memref<128x64xf32, #tpu.memory_space<vmem>>, vector<1x16xf32>,
      %get3A_896 = vector.shape_cast %get3A_895 : vector<1x16xf32> to vector<16xf32>
      %get3A_897 = arith.index_cast %add3A_892 : i32 to index
      %get3A_898 = arith.constant 16 : index
      %get3A_899 = tpu.vector_load %arg10[%get3A_897, %get3A_898] {strides = array<i32>} : memref<128x64xf32, #tpu.memory_space<vmem>>, vector<1x16xf32>,
      %get3A_900 = vector.shape_cast %get3A_899 : vector<1x16xf32> to vector<16xf32>
      %get3A_901 = arith.index_cast %add3A_892 : i32 to index
      %get3A_902 = arith.constant 32 : index
      %get3A_903 = tpu.vector_load %arg10[%get3A_901, %get3A_902] {strides = array<i32>} : memref<128x64xf32, #tpu.memory_space<vmem>>, vector<1x16xf32>,
      %get3A_904 = vector.shape_cast %get3A_903 : vector<1x16xf32> to vector<16xf32>
      %get3A_905 = arith.index_cast %add3A_892 : i32 to index
      %get3A_906 = arith.constant 48 : index
      %get3A_907 = tpu.vector_load %arg10[%get3A_905, %get3A_906] {strides = array<i32>} : memref<128x64xf32, #tpu.memory_space<vmem>>, vector<1x16xf32>,
      %get3A_908 = vector.shape_cast %get3A_907 : vector<1x16xf32> to vector<16xf32>
      %max3A_909 = arith.constant 0.000000e+00 : f32
      %max3A_910 = vector.broadcast %max3A_909 : f32 to vector<16xf32>
      %max3A_911 = arith.maximumf %get3A_896, %max3A_910 : vector<16xf32>
      %mul3A_912 = arith.mulf %max3A_911, %get3A_4 : vector<16xf32>
      %max3A_913 = arith.constant 0.000000e+00 : f32
      %max3A_914 = vector.broadcast %max3A_913 : f32 to vector<16xf32>
      %max3A_915 = arith.maximumf %get3A_900, %max3A_914 : vector<16xf32>
      %mul3A_916 = arith.mulf %max3A_915, %get3A_7 : vector<16xf32>
      %add3A_917 = arith.addf %mul3A_912, %mul3A_916 : vector<16xf32>
      %max3A_918 = arith.constant 0.000000e+00 : f32
      %max3A_919 = vector.broadcast %max3A_918 : f32 to vector<16xf32>
      %max3A_920 = arith.maximumf %get3A_904, %max3A_919 : vector<16xf32>
      %mul3A_921 = arith.mulf %max3A_920, %get3A_10 : vector<16xf32>
      %add3A_922 = arith.addf %add3A_917, %mul3A_921 : vector<16xf32>
      %max3A_923 = arith.constant 0.000000e+00 : f32
      %max3A_924 = vector.broadcast %max3A_923 : f32 to vector<16xf32>
      %max3A_925 = arith.maximumf %get3A_908, %max3A_924 : vector<16xf32>
      %mul3A_926 = arith.mulf %max3A_925, %get3A_13 : vector<16xf32>
      %add3A_927 = arith.addf %add3A_922, %mul3A_926 : vector<16xf32>
      %xor3A_928 = arith.constant 8 : i32
      %xor3A_929 = vector.broadcast %xor3A_928 : i32 to vector<16xi32>
      %xor3A_930 = arith.xori %iota3A, %xor3A_929 : vector<16xi32>
      %lt3A_931 = arith.constant 0 : i32
      %lt3A_932 = vector.broadcast %lt3A_931 : i32 to vector<16xi32>
      %lt3A_933 = arith.cmpi slt, %xor3A_930, %lt3A_932 : vector<16xi32>
      %add3A_934 = arith.constant 16 : i32
      %add3A_935 = vector.broadcast %add3A_934 : i32 to vector<16xi32>
      %add3A_936 = arith.addi %xor3A_930, %add3A_935 : vector<16xi32>
      %select_n3A_937 = arith.select %lt3A_933, %add3A_936, %xor3A_930 : vector<16xi1>, vector<16xi32>
      %broadcast_in_dim3A_938 = vector.shape_cast %select_n3A_937 : vector<16xi32> to vector<16x1xi32>
      %gather3A_939 = vector.shape_cast %broadcast_in_dim3A_938 : vector<16x1xi32> to vector<16xi32>
      %gather3A_940 = tpu.dynamic_gather %add3A_927[%gather3A_939] in [0] : vector<16xf32>, vector<16xi32> -> vector<16xf32>
      %add3A_941 = arith.addf %add3A_927, %gather3A_940 : vector<16xf32>
      %xor3A_942 = arith.constant 4 : i32
      %xor3A_943 = vector.broadcast %xor3A_942 : i32 to vector<16xi32>
      %xor3A_944 = arith.xori %iota3A, %xor3A_943 : vector<16xi32>
      %lt3A_945 = arith.constant 0 : i32
      %lt3A_946 = vector.broadcast %lt3A_945 : i32 to vector<16xi32>
      %lt3A_947 = arith.cmpi slt, %xor3A_944, %lt3A_946 : vector<16xi32>
      %add3A_948 = arith.constant 16 : i32
      %add3A_949 = vector.broadcast %add3A_948 : i32 to vector<16xi32>
      %add3A_950 = arith.addi %xor3A_944, %add3A_949 : vector<16xi32>
      %select_n3A_951 = arith.select %lt3A_947, %add3A_950, %xor3A_944 : vector<16xi1>, vector<16xi32>
      %broadcast_in_dim3A_952 = vector.shape_cast %select_n3A_951 : vector<16xi32> to vector<16x1xi32>
      %gather3A_953 = vector.shape_cast %broadcast_in_dim3A_952 : vector<16x1xi32> to vector<16xi32>
      %gather3A_954 = tpu.dynamic_gather %add3A_941[%gather3A_953] in [0] : vector<16xf32>, vector<16xi32> -> vector<16xf32>
      %add3A_955 = arith.addf %add3A_941, %gather3A_954 : vector<16xf32>
      %xor3A_956 = arith.constant 2 : i32
      %xor3A_957 = vector.broadcast %xor3A_956 : i32 to vector<16xi32>
      %xor3A_958 = arith.xori %iota3A, %xor3A_957 : vector<16xi32>
      %lt3A_959 = arith.constant 0 : i32
      %lt3A_960 = vector.broadcast %lt3A_959 : i32 to vector<16xi32>
      %lt3A_961 = arith.cmpi slt, %xor3A_958, %lt3A_960 : vector<16xi32>
      %add3A_962 = arith.constant 16 : i32
      %add3A_963 = vector.broadcast %add3A_962 : i32 to vector<16xi32>
      %add3A_964 = arith.addi %xor3A_958, %add3A_963 : vector<16xi32>
      %select_n3A_965 = arith.select %lt3A_961, %add3A_964, %xor3A_958 : vector<16xi1>, vector<16xi32>
      %broadcast_in_dim3A_966 = vector.shape_cast %select_n3A_965 : vector<16xi32> to vector<16x1xi32>
      %gather3A_967 = vector.shape_cast %broadcast_in_dim3A_966 : vector<16x1xi32> to vector<16xi32>
      %gather3A_968 = tpu.dynamic_gather %add3A_955[%gather3A_967] in [0] : vector<16xf32>, vector<16xi32> -> vector<16xf32>
      %add3A_969 = arith.addf %add3A_955, %gather3A_968 : vector<16xf32>
      %xor3A_970 = arith.constant 1 : i32
      %xor3A_971 = vector.broadcast %xor3A_970 : i32 to vector<16xi32>
      %xor3A_972 = arith.xori %iota3A, %xor3A_971 : vector<16xi32>
      %lt3A_973 = arith.constant 0 : i32
      %lt3A_974 = vector.broadcast %lt3A_973 : i32 to vector<16xi32>
      %lt3A_975 = arith.cmpi slt, %xor3A_972, %lt3A_974 : vector<16xi32>
      %add3A_976 = arith.constant 16 : i32
      %add3A_977 = vector.broadcast %add3A_976 : i32 to vector<16xi32>
      %add3A_978 = arith.addi %xor3A_972, %add3A_977 : vector<16xi32>
      %select_n3A_979 = arith.select %lt3A_975, %add3A_978, %xor3A_972 : vector<16xi1>, vector<16xi32>
      %broadcast_in_dim3A_980 = vector.shape_cast %select_n3A_979 : vector<16xi32> to vector<16x1xi32>
      %gather3A_981 = vector.shape_cast %broadcast_in_dim3A_980 : vector<16x1xi32> to vector<16xi32>
      %gather3A_982 = tpu.dynamic_gather %add3A_969[%gather3A_981] in [0] : vector<16xf32>, vector<16xi32> -> vector<16xf32>
      %add3A_983 = arith.addf %add3A_969, %gather3A_982 : vector<16xf32>
      %add3A_984 = arith.addf %add3A_983, %get3A_16 : vector<16xf32>
      %eq3A_985 = arith.constant 8 : i32
      %eq3A_986 = vector.broadcast %eq3A_985 : i32 to vector<16xi32>
      %eq3A_987 = arith.cmpi eq, %iota3A, %eq3A_986 : vector<16xi32>
      %select_n3A_988 = arith.select %eq3A_987, %add3A_984, %select_n3A_888 : vector<16xi1>, vector<16xf32>
      %mul3A_989 = arith.constant 16 : i32
      %mul3A_990 = arith.muli %scan3A_94, %mul3A_989 : i32
      %add3A_991 = arith.constant 9 : i32
      %add3A_992 = arith.addi %mul3A_990, %add3A_991 : i32
      %get3A_993 = arith.index_cast %add3A_992 : i32 to index
      %get3A_994 = arith.constant 0 : index
      %get3A_995 = tpu.vector_load %arg10[%get3A_993, %get3A_994] {strides = array<i32>} : memref<128x64xf32, #tpu.memory_space<vmem>>, vector<1x16xf32>,
      %get3A_996 = vector.shape_cast %get3A_995 : vector<1x16xf32> to vector<16xf32>
      %get3A_997 = arith.index_cast %add3A_992 : i32 to index
      %get3A_998 = arith.constant 16 : index
      %get3A_999 = tpu.vector_load %arg10[%get3A_997, %get3A_998] {strides = array<i32>} : memref<128x64xf32, #tpu.memory_space<vmem>>, vector<1x16xf32>,
      %get3A_1000 = vector.shape_cast %get3A_999 : vector<1x16xf32> to vector<16xf32>
      %get3A_1001 = arith.index_cast %add3A_992 : i32 to index
      %get3A_1002 = arith.constant 32 : index
      %get3A_1003 = tpu.vector_load %arg10[%get3A_1001, %get3A_1002] {strides = array<i32>} : memref<128x64xf32, #tpu.memory_space<vmem>>, vector<1x16xf32>,
      %get3A_1004 = vector.shape_cast %get3A_1003 : vector<1x16xf32> to vector<16xf32>
      %get3A_1005 = arith.index_cast %add3A_992 : i32 to index
      %get3A_1006 = arith.constant 48 : index
      %get3A_1007 = tpu.vector_load %arg10[%get3A_1005, %get3A_1006] {strides = array<i32>} : memref<128x64xf32, #tpu.memory_space<vmem>>, vector<1x16xf32>,
      %get3A_1008 = vector.shape_cast %get3A_1007 : vector<1x16xf32> to vector<16xf32>
      %max3A_1009 = arith.constant 0.000000e+00 : f32
      %max3A_1010 = vector.broadcast %max3A_1009 : f32 to vector<16xf32>
      %max3A_1011 = arith.maximumf %get3A_996, %max3A_1010 : vector<16xf32>
      %mul3A_1012 = arith.mulf %max3A_1011, %get3A_4 : vector<16xf32>
      %max3A_1013 = arith.constant 0.000000e+00 : f32
      %max3A_1014 = vector.broadcast %max3A_1013 : f32 to vector<16xf32>
      %max3A_1015 = arith.maximumf %get3A_1000, %max3A_1014 : vector<16xf32>
      %mul3A_1016 = arith.mulf %max3A_1015, %get3A_7 : vector<16xf32>
      %add3A_1017 = arith.addf %mul3A_1012, %mul3A_1016 : vector<16xf32>
      %max3A_1018 = arith.constant 0.000000e+00 : f32
      %max3A_1019 = vector.broadcast %max3A_1018 : f32 to vector<16xf32>
      %max3A_1020 = arith.maximumf %get3A_1004, %max3A_1019 : vector<16xf32>
      %mul3A_1021 = arith.mulf %max3A_1020, %get3A_10 : vector<16xf32>
      %add3A_1022 = arith.addf %add3A_1017, %mul3A_1021 : vector<16xf32>
      %max3A_1023 = arith.constant 0.000000e+00 : f32
      %max3A_1024 = vector.broadcast %max3A_1023 : f32 to vector<16xf32>
      %max3A_1025 = arith.maximumf %get3A_1008, %max3A_1024 : vector<16xf32>
      %mul3A_1026 = arith.mulf %max3A_1025, %get3A_13 : vector<16xf32>
      %add3A_1027 = arith.addf %add3A_1022, %mul3A_1026 : vector<16xf32>
      %xor3A_1028 = arith.constant 8 : i32
      %xor3A_1029 = vector.broadcast %xor3A_1028 : i32 to vector<16xi32>
      %xor3A_1030 = arith.xori %iota3A, %xor3A_1029 : vector<16xi32>
      %lt3A_1031 = arith.constant 0 : i32
      %lt3A_1032 = vector.broadcast %lt3A_1031 : i32 to vector<16xi32>
      %lt3A_1033 = arith.cmpi slt, %xor3A_1030, %lt3A_1032 : vector<16xi32>
      %add3A_1034 = arith.constant 16 : i32
      %add3A_1035 = vector.broadcast %add3A_1034 : i32 to vector<16xi32>
      %add3A_1036 = arith.addi %xor3A_1030, %add3A_1035 : vector<16xi32>
      %select_n3A_1037 = arith.select %lt3A_1033, %add3A_1036, %xor3A_1030 : vector<16xi1>, vector<16xi32>
      %broadcast_in_dim3A_1038 = vector.shape_cast %select_n3A_1037 : vector<16xi32> to vector<16x1xi32>
      %gather3A_1039 = vector.shape_cast %broadcast_in_dim3A_1038 : vector<16x1xi32> to vector<16xi32>
      %gather3A_1040 = tpu.dynamic_gather %add3A_1027[%gather3A_1039] in [0] : vector<16xf32>, vector<16xi32> -> vector<16xf32>
      %add3A_1041 = arith.addf %add3A_1027, %gather3A_1040 : vector<16xf32>
      %xor3A_1042 = arith.constant 4 : i32
      %xor3A_1043 = vector.broadcast %xor3A_1042 : i32 to vector<16xi32>
      %xor3A_1044 = arith.xori %iota3A, %xor3A_1043 : vector<16xi32>
      %lt3A_1045 = arith.constant 0 : i32
      %lt3A_1046 = vector.broadcast %lt3A_1045 : i32 to vector<16xi32>
      %lt3A_1047 = arith.cmpi slt, %xor3A_1044, %lt3A_1046 : vector<16xi32>
      %add3A_1048 = arith.constant 16 : i32
      %add3A_1049 = vector.broadcast %add3A_1048 : i32 to vector<16xi32>
      %add3A_1050 = arith.addi %xor3A_1044, %add3A_1049 : vector<16xi32>
      %select_n3A_1051 = arith.select %lt3A_1047, %add3A_1050, %xor3A_1044 : vector<16xi1>, vector<16xi32>
      %broadcast_in_dim3A_1052 = vector.shape_cast %select_n3A_1051 : vector<16xi32> to vector<16x1xi32>
      %gather3A_1053 = vector.shape_cast %broadcast_in_dim3A_1052 : vector<16x1xi32> to vector<16xi32>
      %gather3A_1054 = tpu.dynamic_gather %add3A_1041[%gather3A_1053] in [0] : vector<16xf32>, vector<16xi32> -> vector<16xf32>
      %add3A_1055 = arith.addf %add3A_1041, %gather3A_1054 : vector<16xf32>
      %xor3A_1056 = arith.constant 2 : i32
      %xor3A_1057 = vector.broadcast %xor3A_1056 : i32 to vector<16xi32>
      %xor3A_1058 = arith.xori %iota3A, %xor3A_1057 : vector<16xi32>
      %lt3A_1059 = arith.constant 0 : i32
      %lt3A_1060 = vector.broadcast %lt3A_1059 : i32 to vector<16xi32>
      %lt3A_1061 = arith.cmpi slt, %xor3A_1058, %lt3A_1060 : vector<16xi32>
      %add3A_1062 = arith.constant 16 : i32
      %add3A_1063 = vector.broadcast %add3A_1062 : i32 to vector<16xi32>
      %add3A_1064 = arith.addi %xor3A_1058, %add3A_1063 : vector<16xi32>
      %select_n3A_1065 = arith.select %lt3A_1061, %add3A_1064, %xor3A_1058 : vector<16xi1>, vector<16xi32>
      %broadcast_in_dim3A_1066 = vector.shape_cast %select_n3A_1065 : vector<16xi32> to vector<16x1xi32>
      %gather3A_1067 = vector.shape_cast %broadcast_in_dim3A_1066 : vector<16x1xi32> to vector<16xi32>
      %gather3A_1068 = tpu.dynamic_gather %add3A_1055[%gather3A_1067] in [0] : vector<16xf32>, vector<16xi32> -> vector<16xf32>
      %add3A_1069 = arith.addf %add3A_1055, %gather3A_1068 : vector<16xf32>
      %xor3A_1070 = arith.constant 1 : i32
      %xor3A_1071 = vector.broadcast %xor3A_1070 : i32 to vector<16xi32>
      %xor3A_1072 = arith.xori %iota3A, %xor3A_1071 : vector<16xi32>
      %lt3A_1073 = arith.constant 0 : i32
      %lt3A_1074 = vector.broadcast %lt3A_1073 : i32 to vector<16xi32>
      %lt3A_1075 = arith.cmpi slt, %xor3A_1072, %lt3A_1074 : vector<16xi32>
      %add3A_1076 = arith.constant 16 : i32
      %add3A_1077 = vector.broadcast %add3A_1076 : i32 to vector<16xi32>
      %add3A_1078 = arith.addi %xor3A_1072, %add3A_1077 : vector<16xi32>
      %select_n3A_1079 = arith.select %lt3A_1075, %add3A_1078, %xor3A_1072 : vector<16xi1>, vector<16xi32>
      %broadcast_in_dim3A_1080 = vector.shape_cast %select_n3A_1079 : vector<16xi32> to vector<16x1xi32>
      %gather3A_1081 = vector.shape_cast %broadcast_in_dim3A_1080 : vector<16x1xi32> to vector<16xi32>
      %gather3A_1082 = tpu.dynamic_gather %add3A_1069[%gather3A_1081] in [0] : vector<16xf32>, vector<16xi32> -> vector<16xf32>
      %add3A_1083 = arith.addf %add3A_1069, %gather3A_1082 : vector<16xf32>
      %add3A_1084 = arith.addf %add3A_1083, %get3A_16 : vector<16xf32>
      %eq3A_1085 = arith.constant 9 : i32
      %eq3A_1086 = vector.broadcast %eq3A_1085 : i32 to vector<16xi32>
      %eq3A_1087 = arith.cmpi eq, %iota3A, %eq3A_1086 : vector<16xi32>
      %select_n3A_1088 = arith.select %eq3A_1087, %add3A_1084, %select_n3A_988 : vector<16xi1>, vector<16xf32>
      %mul3A_1089 = arith.constant 16 : i32
      %mul3A_1090 = arith.muli %scan3A_94, %mul3A_1089 : i32
      %add3A_1091 = arith.constant 10 : i32
      %add3A_1092 = arith.addi %mul3A_1090, %add3A_1091 : i32
      %get3A_1093 = arith.index_cast %add3A_1092 : i32 to index
      %get3A_1094 = arith.constant 0 : index
      %get3A_1095 = tpu.vector_load %arg10[%get3A_1093, %get3A_1094] {strides = array<i32>} : memref<128x64xf32, #tpu.memory_space<vmem>>, vector<1x16xf32>,
      %get3A_1096 = vector.shape_cast %get3A_1095 : vector<1x16xf32> to vector<16xf32>
      %get3A_1097 = arith.index_cast %add3A_1092 : i32 to index
      %get3A_1098 = arith.constant 16 : index
      %get3A_1099 = tpu.vector_load %arg10[%get3A_1097, %get3A_1098] {strides = array<i32>} : memref<128x64xf32, #tpu.memory_space<vmem>>, vector<1x16xf32>,
      %get3A_1100 = vector.shape_cast %get3A_1099 : vector<1x16xf32> to vector<16xf32>
      %get3A_1101 = arith.index_cast %add3A_1092 : i32 to index
      %get3A_1102 = arith.constant 32 : index
      %get3A_1103 = tpu.vector_load %arg10[%get3A_1101, %get3A_1102] {strides = array<i32>} : memref<128x64xf32, #tpu.memory_space<vmem>>, vector<1x16xf32>,
      %get3A_1104 = vector.shape_cast %get3A_1103 : vector<1x16xf32> to vector<16xf32>
      %get3A_1105 = arith.index_cast %add3A_1092 : i32 to index
      %get3A_1106 = arith.constant 48 : index
      %get3A_1107 = tpu.vector_load %arg10[%get3A_1105, %get3A_1106] {strides = array<i32>} : memref<128x64xf32, #tpu.memory_space<vmem>>, vector<1x16xf32>,
      %get3A_1108 = vector.shape_cast %get3A_1107 : vector<1x16xf32> to vector<16xf32>
      %max3A_1109 = arith.constant 0.000000e+00 : f32
      %max3A_1110 = vector.broadcast %max3A_1109 : f32 to vector<16xf32>
      %max3A_1111 = arith.maximumf %get3A_1096, %max3A_1110 : vector<16xf32>
      %mul3A_1112 = arith.mulf %max3A_1111, %get3A_4 : vector<16xf32>
      %max3A_1113 = arith.constant 0.000000e+00 : f32
      %max3A_1114 = vector.broadcast %max3A_1113 : f32 to vector<16xf32>
      %max3A_1115 = arith.maximumf %get3A_1100, %max3A_1114 : vector<16xf32>
      %mul3A_1116 = arith.mulf %max3A_1115, %get3A_7 : vector<16xf32>
      %add3A_1117 = arith.addf %mul3A_1112, %mul3A_1116 : vector<16xf32>
      %max3A_1118 = arith.constant 0.000000e+00 : f32
      %max3A_1119 = vector.broadcast %max3A_1118 : f32 to vector<16xf32>
      %max3A_1120 = arith.maximumf %get3A_1104, %max3A_1119 : vector<16xf32>
      %mul3A_1121 = arith.mulf %max3A_1120, %get3A_10 : vector<16xf32>
      %add3A_1122 = arith.addf %add3A_1117, %mul3A_1121 : vector<16xf32>
      %max3A_1123 = arith.constant 0.000000e+00 : f32
      %max3A_1124 = vector.broadcast %max3A_1123 : f32 to vector<16xf32>
      %max3A_1125 = arith.maximumf %get3A_1108, %max3A_1124 : vector<16xf32>
      %mul3A_1126 = arith.mulf %max3A_1125, %get3A_13 : vector<16xf32>
      %add3A_1127 = arith.addf %add3A_1122, %mul3A_1126 : vector<16xf32>
      %xor3A_1128 = arith.constant 8 : i32
      %xor3A_1129 = vector.broadcast %xor3A_1128 : i32 to vector<16xi32>
      %xor3A_1130 = arith.xori %iota3A, %xor3A_1129 : vector<16xi32>
      %lt3A_1131 = arith.constant 0 : i32
      %lt3A_1132 = vector.broadcast %lt3A_1131 : i32 to vector<16xi32>
      %lt3A_1133 = arith.cmpi slt, %xor3A_1130, %lt3A_1132 : vector<16xi32>
      %add3A_1134 = arith.constant 16 : i32
      %add3A_1135 = vector.broadcast %add3A_1134 : i32 to vector<16xi32>
      %add3A_1136 = arith.addi %xor3A_1130, %add3A_1135 : vector<16xi32>
      %select_n3A_1137 = arith.select %lt3A_1133, %add3A_1136, %xor3A_1130 : vector<16xi1>, vector<16xi32>
      %broadcast_in_dim3A_1138 = vector.shape_cast %select_n3A_1137 : vector<16xi32> to vector<16x1xi32>
      %gather3A_1139 = vector.shape_cast %broadcast_in_dim3A_1138 : vector<16x1xi32> to vector<16xi32>
      %gather3A_1140 = tpu.dynamic_gather %add3A_1127[%gather3A_1139] in [0] : vector<16xf32>, vector<16xi32> -> vector<16xf32>
      %add3A_1141 = arith.addf %add3A_1127, %gather3A_1140 : vector<16xf32>
      %xor3A_1142 = arith.constant 4 : i32
      %xor3A_1143 = vector.broadcast %xor3A_1142 : i32 to vector<16xi32>
      %xor3A_1144 = arith.xori %iota3A, %xor3A_1143 : vector<16xi32>
      %lt3A_1145 = arith.constant 0 : i32
      %lt3A_1146 = vector.broadcast %lt3A_1145 : i32 to vector<16xi32>
      %lt3A_1147 = arith.cmpi slt, %xor3A_1144, %lt3A_1146 : vector<16xi32>
      %add3A_1148 = arith.constant 16 : i32
      %add3A_1149 = vector.broadcast %add3A_1148 : i32 to vector<16xi32>
      %add3A_1150 = arith.addi %xor3A_1144, %add3A_1149 : vector<16xi32>
      %select_n3A_1151 = arith.select %lt3A_1147, %add3A_1150, %xor3A_1144 : vector<16xi1>, vector<16xi32>
      %broadcast_in_dim3A_1152 = vector.shape_cast %select_n3A_1151 : vector<16xi32> to vector<16x1xi32>
      %gather3A_1153 = vector.shape_cast %broadcast_in_dim3A_1152 : vector<16x1xi32> to vector<16xi32>
      %gather3A_1154 = tpu.dynamic_gather %add3A_1141[%gather3A_1153] in [0] : vector<16xf32>, vector<16xi32> -> vector<16xf32>
      %add3A_1155 = arith.addf %add3A_1141, %gather3A_1154 : vector<16xf32>
      %xor3A_1156 = arith.constant 2 : i32
      %xor3A_1157 = vector.broadcast %xor3A_1156 : i32 to vector<16xi32>
      %xor3A_1158 = arith.xori %iota3A, %xor3A_1157 : vector<16xi32>
      %lt3A_1159 = arith.constant 0 : i32
      %lt3A_1160 = vector.broadcast %lt3A_1159 : i32 to vector<16xi32>
      %lt3A_1161 = arith.cmpi slt, %xor3A_1158, %lt3A_1160 : vector<16xi32>
      %add3A_1162 = arith.constant 16 : i32
      %add3A_1163 = vector.broadcast %add3A_1162 : i32 to vector<16xi32>
      %add3A_1164 = arith.addi %xor3A_1158, %add3A_1163 : vector<16xi32>
      %select_n3A_1165 = arith.select %lt3A_1161, %add3A_1164, %xor3A_1158 : vector<16xi1>, vector<16xi32>
      %broadcast_in_dim3A_1166 = vector.shape_cast %select_n3A_1165 : vector<16xi32> to vector<16x1xi32>
      %gather3A_1167 = vector.shape_cast %broadcast_in_dim3A_1166 : vector<16x1xi32> to vector<16xi32>
      %gather3A_1168 = tpu.dynamic_gather %add3A_1155[%gather3A_1167] in [0] : vector<16xf32>, vector<16xi32> -> vector<16xf32>
      %add3A_1169 = arith.addf %add3A_1155, %gather3A_1168 : vector<16xf32>
      %xor3A_1170 = arith.constant 1 : i32
      %xor3A_1171 = vector.broadcast %xor3A_1170 : i32 to vector<16xi32>
      %xor3A_1172 = arith.xori %iota3A, %xor3A_1171 : vector<16xi32>
      %lt3A_1173 = arith.constant 0 : i32
      %lt3A_1174 = vector.broadcast %lt3A_1173 : i32 to vector<16xi32>
      %lt3A_1175 = arith.cmpi slt, %xor3A_1172, %lt3A_1174 : vector<16xi32>
      %add3A_1176 = arith.constant 16 : i32
      %add3A_1177 = vector.broadcast %add3A_1176 : i32 to vector<16xi32>
      %add3A_1178 = arith.addi %xor3A_1172, %add3A_1177 : vector<16xi32>
      %select_n3A_1179 = arith.select %lt3A_1175, %add3A_1178, %xor3A_1172 : vector<16xi1>, vector<16xi32>
      %broadcast_in_dim3A_1180 = vector.shape_cast %select_n3A_1179 : vector<16xi32> to vector<16x1xi32>
      %gather3A_1181 = vector.shape_cast %broadcast_in_dim3A_1180 : vector<16x1xi32> to vector<16xi32>
      %gather3A_1182 = tpu.dynamic_gather %add3A_1169[%gather3A_1181] in [0] : vector<16xf32>, vector<16xi32> -> vector<16xf32>
      %add3A_1183 = arith.addf %add3A_1169, %gather3A_1182 : vector<16xf32>
      %add3A_1184 = arith.addf %add3A_1183, %get3A_16 : vector<16xf32>
      %eq3A_1185 = arith.constant 10 : i32
      %eq3A_1186 = vector.broadcast %eq3A_1185 : i32 to vector<16xi32>
      %eq3A_1187 = arith.cmpi eq, %iota3A, %eq3A_1186 : vector<16xi32>
      %select_n3A_1188 = arith.select %eq3A_1187, %add3A_1184, %select_n3A_1088 : vector<16xi1>, vector<16xf32>
      %mul3A_1189 = arith.constant 16 : i32
      %mul3A_1190 = arith.muli %scan3A_94, %mul3A_1189 : i32
      %add3A_1191 = arith.constant 11 : i32
      %add3A_1192 = arith.addi %mul3A_1190, %add3A_1191 : i32
      %get3A_1193 = arith.index_cast %add3A_1192 : i32 to index
      %get3A_1194 = arith.constant 0 : index
      %get3A_1195 = tpu.vector_load %arg10[%get3A_1193, %get3A_1194] {strides = array<i32>} : memref<128x64xf32, #tpu.memory_space<vmem>>, vector<1x16xf32>,
      %get3A_1196 = vector.shape_cast %get3A_1195 : vector<1x16xf32> to vector<16xf32>
      %get3A_1197 = arith.index_cast %add3A_1192 : i32 to index
      %get3A_1198 = arith.constant 16 : index
      %get3A_1199 = tpu.vector_load %arg10[%get3A_1197, %get3A_1198] {strides = array<i32>} : memref<128x64xf32, #tpu.memory_space<vmem>>, vector<1x16xf32>,
      %get3A_1200 = vector.shape_cast %get3A_1199 : vector<1x16xf32> to vector<16xf32>
      %get3A_1201 = arith.index_cast %add3A_1192 : i32 to index
      %get3A_1202 = arith.constant 32 : index
      %get3A_1203 = tpu.vector_load %arg10[%get3A_1201, %get3A_1202] {strides = array<i32>} : memref<128x64xf32, #tpu.memory_space<vmem>>, vector<1x16xf32>,
      %get3A_1204 = vector.shape_cast %get3A_1203 : vector<1x16xf32> to vector<16xf32>
      %get3A_1205 = arith.index_cast %add3A_1192 : i32 to index
      %get3A_1206 = arith.constant 48 : index
      %get3A_1207 = tpu.vector_load %arg10[%get3A_1205, %get3A_1206] {strides = array<i32>} : memref<128x64xf32, #tpu.memory_space<vmem>>, vector<1x16xf32>,
      %get3A_1208 = vector.shape_cast %get3A_1207 : vector<1x16xf32> to vector<16xf32>
      %max3A_1209 = arith.constant 0.000000e+00 : f32
      %max3A_1210 = vector.broadcast %max3A_1209 : f32 to vector<16xf32>
      %max3A_1211 = arith.maximumf %get3A_1196, %max3A_1210 : vector<16xf32>
      %mul3A_1212 = arith.mulf %max3A_1211, %get3A_4 : vector<16xf32>
      %max3A_1213 = arith.constant 0.000000e+00 : f32
      %max3A_1214 = vector.broadcast %max3A_1213 : f32 to vector<16xf32>
      %max3A_1215 = arith.maximumf %get3A_1200, %max3A_1214 : vector<16xf32>
      %mul3A_1216 = arith.mulf %max3A_1215, %get3A_7 : vector<16xf32>
      %add3A_1217 = arith.addf %mul3A_1212, %mul3A_1216 : vector<16xf32>
      %max3A_1218 = arith.constant 0.000000e+00 : f32
      %max3A_1219 = vector.broadcast %max3A_1218 : f32 to vector<16xf32>
      %max3A_1220 = arith.maximumf %get3A_1204, %max3A_1219 : vector<16xf32>
      %mul3A_1221 = arith.mulf %max3A_1220, %get3A_10 : vector<16xf32>
      %add3A_1222 = arith.addf %add3A_1217, %mul3A_1221 : vector<16xf32>
      %max3A_1223 = arith.constant 0.000000e+00 : f32
      %max3A_1224 = vector.broadcast %max3A_1223 : f32 to vector<16xf32>
      %max3A_1225 = arith.maximumf %get3A_1208, %max3A_1224 : vector<16xf32>
      %mul3A_1226 = arith.mulf %max3A_1225, %get3A_13 : vector<16xf32>
      %add3A_1227 = arith.addf %add3A_1222, %mul3A_1226 : vector<16xf32>
      %xor3A_1228 = arith.constant 8 : i32
      %xor3A_1229 = vector.broadcast %xor3A_1228 : i32 to vector<16xi32>
      %xor3A_1230 = arith.xori %iota3A, %xor3A_1229 : vector<16xi32>
      %lt3A_1231 = arith.constant 0 : i32
      %lt3A_1232 = vector.broadcast %lt3A_1231 : i32 to vector<16xi32>
      %lt3A_1233 = arith.cmpi slt, %xor3A_1230, %lt3A_1232 : vector<16xi32>
      %add3A_1234 = arith.constant 16 : i32
      %add3A_1235 = vector.broadcast %add3A_1234 : i32 to vector<16xi32>
      %add3A_1236 = arith.addi %xor3A_1230, %add3A_1235 : vector<16xi32>
      %select_n3A_1237 = arith.select %lt3A_1233, %add3A_1236, %xor3A_1230 : vector<16xi1>, vector<16xi32>
      %broadcast_in_dim3A_1238 = vector.shape_cast %select_n3A_1237 : vector<16xi32> to vector<16x1xi32>
      %gather3A_1239 = vector.shape_cast %broadcast_in_dim3A_1238 : vector<16x1xi32> to vector<16xi32>
      %gather3A_1240 = tpu.dynamic_gather %add3A_1227[%gather3A_1239] in [0] : vector<16xf32>, vector<16xi32> -> vector<16xf32>
      %add3A_1241 = arith.addf %add3A_1227, %gather3A_1240 : vector<16xf32>
      %xor3A_1242 = arith.constant 4 : i32
      %xor3A_1243 = vector.broadcast %xor3A_1242 : i32 to vector<16xi32>
      %xor3A_1244 = arith.xori %iota3A, %xor3A_1243 : vector<16xi32>
      %lt3A_1245 = arith.constant 0 : i32
      %lt3A_1246 = vector.broadcast %lt3A_1245 : i32 to vector<16xi32>
      %lt3A_1247 = arith.cmpi slt, %xor3A_1244, %lt3A_1246 : vector<16xi32>
      %add3A_1248 = arith.constant 16 : i32
      %add3A_1249 = vector.broadcast %add3A_1248 : i32 to vector<16xi32>
      %add3A_1250 = arith.addi %xor3A_1244, %add3A_1249 : vector<16xi32>
      %select_n3A_1251 = arith.select %lt3A_1247, %add3A_1250, %xor3A_1244 : vector<16xi1>, vector<16xi32>
      %broadcast_in_dim3A_1252 = vector.shape_cast %select_n3A_1251 : vector<16xi32> to vector<16x1xi32>
      %gather3A_1253 = vector.shape_cast %broadcast_in_dim3A_1252 : vector<16x1xi32> to vector<16xi32>
      %gather3A_1254 = tpu.dynamic_gather %add3A_1241[%gather3A_1253] in [0] : vector<16xf32>, vector<16xi32> -> vector<16xf32>
      %add3A_1255 = arith.addf %add3A_1241, %gather3A_1254 : vector<16xf32>
      %xor3A_1256 = arith.constant 2 : i32
      %xor3A_1257 = vector.broadcast %xor3A_1256 : i32 to vector<16xi32>
      %xor3A_1258 = arith.xori %iota3A, %xor3A_1257 : vector<16xi32>
      %lt3A_1259 = arith.constant 0 : i32
      %lt3A_1260 = vector.broadcast %lt3A_1259 : i32 to vector<16xi32>
      %lt3A_1261 = arith.cmpi slt, %xor3A_1258, %lt3A_1260 : vector<16xi32>
      %add3A_1262 = arith.constant 16 : i32
      %add3A_1263 = vector.broadcast %add3A_1262 : i32 to vector<16xi32>
      %add3A_1264 = arith.addi %xor3A_1258, %add3A_1263 : vector<16xi32>
      %select_n3A_1265 = arith.select %lt3A_1261, %add3A_1264, %xor3A_1258 : vector<16xi1>, vector<16xi32>
      %broadcast_in_dim3A_1266 = vector.shape_cast %select_n3A_1265 : vector<16xi32> to vector<16x1xi32>
      %gather3A_1267 = vector.shape_cast %broadcast_in_dim3A_1266 : vector<16x1xi32> to vector<16xi32>
      %gather3A_1268 = tpu.dynamic_gather %add3A_1255[%gather3A_1267] in [0] : vector<16xf32>, vector<16xi32> -> vector<16xf32>
      %add3A_1269 = arith.addf %add3A_1255, %gather3A_1268 : vector<16xf32>
      %xor3A_1270 = arith.constant 1 : i32
      %xor3A_1271 = vector.broadcast %xor3A_1270 : i32 to vector<16xi32>
      %xor3A_1272 = arith.xori %iota3A, %xor3A_1271 : vector<16xi32>
      %lt3A_1273 = arith.constant 0 : i32
      %lt3A_1274 = vector.broadcast %lt3A_1273 : i32 to vector<16xi32>
      %lt3A_1275 = arith.cmpi slt, %xor3A_1272, %lt3A_1274 : vector<16xi32>
      %add3A_1276 = arith.constant 16 : i32
      %add3A_1277 = vector.broadcast %add3A_1276 : i32 to vector<16xi32>
      %add3A_1278 = arith.addi %xor3A_1272, %add3A_1277 : vector<16xi32>
      %select_n3A_1279 = arith.select %lt3A_1275, %add3A_1278, %xor3A_1272 : vector<16xi1>, vector<16xi32>
      %broadcast_in_dim3A_1280 = vector.shape_cast %select_n3A_1279 : vector<16xi32> to vector<16x1xi32>
      %gather3A_1281 = vector.shape_cast %broadcast_in_dim3A_1280 : vector<16x1xi32> to vector<16xi32>
      %gather3A_1282 = tpu.dynamic_gather %add3A_1269[%gather3A_1281] in [0] : vector<16xf32>, vector<16xi32> -> vector<16xf32>
      %add3A_1283 = arith.addf %add3A_1269, %gather3A_1282 : vector<16xf32>
      %add3A_1284 = arith.addf %add3A_1283, %get3A_16 : vector<16xf32>
      %eq3A_1285 = arith.constant 11 : i32
      %eq3A_1286 = vector.broadcast %eq3A_1285 : i32 to vector<16xi32>
      %eq3A_1287 = arith.cmpi eq, %iota3A, %eq3A_1286 : vector<16xi32>
      %select_n3A_1288 = arith.select %eq3A_1287, %add3A_1284, %select_n3A_1188 : vector<16xi1>, vector<16xf32>
      %mul3A_1289 = arith.constant 16 : i32
      %mul3A_1290 = arith.muli %scan3A_94, %mul3A_1289 : i32
      %add3A_1291 = arith.constant 12 : i32
      %add3A_1292 = arith.addi %mul3A_1290, %add3A_1291 : i32
      %get3A_1293 = arith.index_cast %add3A_1292 : i32 to index
      %get3A_1294 = arith.constant 0 : index
      %get3A_1295 = tpu.vector_load %arg10[%get3A_1293, %get3A_1294] {strides = array<i32>} : memref<128x64xf32, #tpu.memory_space<vmem>>, vector<1x16xf32>,
      %get3A_1296 = vector.shape_cast %get3A_1295 : vector<1x16xf32> to vector<16xf32>
      %get3A_1297 = arith.index_cast %add3A_1292 : i32 to index
      %get3A_1298 = arith.constant 16 : index
      %get3A_1299 = tpu.vector_load %arg10[%get3A_1297, %get3A_1298] {strides = array<i32>} : memref<128x64xf32, #tpu.memory_space<vmem>>, vector<1x16xf32>,
      %get3A_1300 = vector.shape_cast %get3A_1299 : vector<1x16xf32> to vector<16xf32>
      %get3A_1301 = arith.index_cast %add3A_1292 : i32 to index
      %get3A_1302 = arith.constant 32 : index
      %get3A_1303 = tpu.vector_load %arg10[%get3A_1301, %get3A_1302] {strides = array<i32>} : memref<128x64xf32, #tpu.memory_space<vmem>>, vector<1x16xf32>,
      %get3A_1304 = vector.shape_cast %get3A_1303 : vector<1x16xf32> to vector<16xf32>
      %get3A_1305 = arith.index_cast %add3A_1292 : i32 to index
      %get3A_1306 = arith.constant 48 : index
      %get3A_1307 = tpu.vector_load %arg10[%get3A_1305, %get3A_1306] {strides = array<i32>} : memref<128x64xf32, #tpu.memory_space<vmem>>, vector<1x16xf32>,
      %get3A_1308 = vector.shape_cast %get3A_1307 : vector<1x16xf32> to vector<16xf32>
      %max3A_1309 = arith.constant 0.000000e+00 : f32
      %max3A_1310 = vector.broadcast %max3A_1309 : f32 to vector<16xf32>
      %max3A_1311 = arith.maximumf %get3A_1296, %max3A_1310 : vector<16xf32>
      %mul3A_1312 = arith.mulf %max3A_1311, %get3A_4 : vector<16xf32>
      %max3A_1313 = arith.constant 0.000000e+00 : f32
      %max3A_1314 = vector.broadcast %max3A_1313 : f32 to vector<16xf32>
      %max3A_1315 = arith.maximumf %get3A_1300, %max3A_1314 : vector<16xf32>
      %mul3A_1316 = arith.mulf %max3A_1315, %get3A_7 : vector<16xf32>
      %add3A_1317 = arith.addf %mul3A_1312, %mul3A_1316 : vector<16xf32>
      %max3A_1318 = arith.constant 0.000000e+00 : f32
      %max3A_1319 = vector.broadcast %max3A_1318 : f32 to vector<16xf32>
      %max3A_1320 = arith.maximumf %get3A_1304, %max3A_1319 : vector<16xf32>
      %mul3A_1321 = arith.mulf %max3A_1320, %get3A_10 : vector<16xf32>
      %add3A_1322 = arith.addf %add3A_1317, %mul3A_1321 : vector<16xf32>
      %max3A_1323 = arith.constant 0.000000e+00 : f32
      %max3A_1324 = vector.broadcast %max3A_1323 : f32 to vector<16xf32>
      %max3A_1325 = arith.maximumf %get3A_1308, %max3A_1324 : vector<16xf32>
      %mul3A_1326 = arith.mulf %max3A_1325, %get3A_13 : vector<16xf32>
      %add3A_1327 = arith.addf %add3A_1322, %mul3A_1326 : vector<16xf32>
      %xor3A_1328 = arith.constant 8 : i32
      %xor3A_1329 = vector.broadcast %xor3A_1328 : i32 to vector<16xi32>
      %xor3A_1330 = arith.xori %iota3A, %xor3A_1329 : vector<16xi32>
      %lt3A_1331 = arith.constant 0 : i32
      %lt3A_1332 = vector.broadcast %lt3A_1331 : i32 to vector<16xi32>
      %lt3A_1333 = arith.cmpi slt, %xor3A_1330, %lt3A_1332 : vector<16xi32>
      %add3A_1334 = arith.constant 16 : i32
      %add3A_1335 = vector.broadcast %add3A_1334 : i32 to vector<16xi32>
      %add3A_1336 = arith.addi %xor3A_1330, %add3A_1335 : vector<16xi32>
      %select_n3A_1337 = arith.select %lt3A_1333, %add3A_1336, %xor3A_1330 : vector<16xi1>, vector<16xi32>
      %broadcast_in_dim3A_1338 = vector.shape_cast %select_n3A_1337 : vector<16xi32> to vector<16x1xi32>
      %gather3A_1339 = vector.shape_cast %broadcast_in_dim3A_1338 : vector<16x1xi32> to vector<16xi32>
      %gather3A_1340 = tpu.dynamic_gather %add3A_1327[%gather3A_1339] in [0] : vector<16xf32>, vector<16xi32> -> vector<16xf32>
      %add3A_1341 = arith.addf %add3A_1327, %gather3A_1340 : vector<16xf32>
      %xor3A_1342 = arith.constant 4 : i32
      %xor3A_1343 = vector.broadcast %xor3A_1342 : i32 to vector<16xi32>
      %xor3A_1344 = arith.xori %iota3A, %xor3A_1343 : vector<16xi32>
      %lt3A_1345 = arith.constant 0 : i32
      %lt3A_1346 = vector.broadcast %lt3A_1345 : i32 to vector<16xi32>
      %lt3A_1347 = arith.cmpi slt, %xor3A_1344, %lt3A_1346 : vector<16xi32>
      %add3A_1348 = arith.constant 16 : i32
      %add3A_1349 = vector.broadcast %add3A_1348 : i32 to vector<16xi32>
      %add3A_1350 = arith.addi %xor3A_1344, %add3A_1349 : vector<16xi32>
      %select_n3A_1351 = arith.select %lt3A_1347, %add3A_1350, %xor3A_1344 : vector<16xi1>, vector<16xi32>
      %broadcast_in_dim3A_1352 = vector.shape_cast %select_n3A_1351 : vector<16xi32> to vector<16x1xi32>
      %gather3A_1353 = vector.shape_cast %broadcast_in_dim3A_1352 : vector<16x1xi32> to vector<16xi32>
      %gather3A_1354 = tpu.dynamic_gather %add3A_1341[%gather3A_1353] in [0] : vector<16xf32>, vector<16xi32> -> vector<16xf32>
      %add3A_1355 = arith.addf %add3A_1341, %gather3A_1354 : vector<16xf32>
      %xor3A_1356 = arith.constant 2 : i32
      %xor3A_1357 = vector.broadcast %xor3A_1356 : i32 to vector<16xi32>
      %xor3A_1358 = arith.xori %iota3A, %xor3A_1357 : vector<16xi32>
      %lt3A_1359 = arith.constant 0 : i32
      %lt3A_1360 = vector.broadcast %lt3A_1359 : i32 to vector<16xi32>
      %lt3A_1361 = arith.cmpi slt, %xor3A_1358, %lt3A_1360 : vector<16xi32>
      %add3A_1362 = arith.constant 16 : i32
      %add3A_1363 = vector.broadcast %add3A_1362 : i32 to vector<16xi32>
      %add3A_1364 = arith.addi %xor3A_1358, %add3A_1363 : vector<16xi32>
      %select_n3A_1365 = arith.select %lt3A_1361, %add3A_1364, %xor3A_1358 : vector<16xi1>, vector<16xi32>
      %broadcast_in_dim3A_1366 = vector.shape_cast %select_n3A_1365 : vector<16xi32> to vector<16x1xi32>
      %gather3A_1367 = vector.shape_cast %broadcast_in_dim3A_1366 : vector<16x1xi32> to vector<16xi32>
      %gather3A_1368 = tpu.dynamic_gather %add3A_1355[%gather3A_1367] in [0] : vector<16xf32>, vector<16xi32> -> vector<16xf32>
      %add3A_1369 = arith.addf %add3A_1355, %gather3A_1368 : vector<16xf32>
      %xor3A_1370 = arith.constant 1 : i32
      %xor3A_1371 = vector.broadcast %xor3A_1370 : i32 to vector<16xi32>
      %xor3A_1372 = arith.xori %iota3A, %xor3A_1371 : vector<16xi32>
      %lt3A_1373 = arith.constant 0 : i32
      %lt3A_1374 = vector.broadcast %lt3A_1373 : i32 to vector<16xi32>
      %lt3A_1375 = arith.cmpi slt, %xor3A_1372, %lt3A_1374 : vector<16xi32>
      %add3A_1376 = arith.constant 16 : i32
      %add3A_1377 = vector.broadcast %add3A_1376 : i32 to vector<16xi32>
      %add3A_1378 = arith.addi %xor3A_1372, %add3A_1377 : vector<16xi32>
      %select_n3A_1379 = arith.select %lt3A_1375, %add3A_1378, %xor3A_1372 : vector<16xi1>, vector<16xi32>
      %broadcast_in_dim3A_1380 = vector.shape_cast %select_n3A_1379 : vector<16xi32> to vector<16x1xi32>
      %gather3A_1381 = vector.shape_cast %broadcast_in_dim3A_1380 : vector<16x1xi32> to vector<16xi32>
      %gather3A_1382 = tpu.dynamic_gather %add3A_1369[%gather3A_1381] in [0] : vector<16xf32>, vector<16xi32> -> vector<16xf32>
      %add3A_1383 = arith.addf %add3A_1369, %gather3A_1382 : vector<16xf32>
      %add3A_1384 = arith.addf %add3A_1383, %get3A_16 : vector<16xf32>
      %eq3A_1385 = arith.constant 12 : i32
      %eq3A_1386 = vector.broadcast %eq3A_1385 : i32 to vector<16xi32>
      %eq3A_1387 = arith.cmpi eq, %iota3A, %eq3A_1386 : vector<16xi32>
      %select_n3A_1388 = arith.select %eq3A_1387, %add3A_1384, %select_n3A_1288 : vector<16xi1>, vector<16xf32>
      %mul3A_1389 = arith.constant 16 : i32
      %mul3A_1390 = arith.muli %scan3A_94, %mul3A_1389 : i32
      %add3A_1391 = arith.constant 13 : i32
      %add3A_1392 = arith.addi %mul3A_1390, %add3A_1391 : i32
      %get3A_1393 = arith.index_cast %add3A_1392 : i32 to index
      %get3A_1394 = arith.constant 0 : index
      %get3A_1395 = tpu.vector_load %arg10[%get3A_1393, %get3A_1394] {strides = array<i32>} : memref<128x64xf32, #tpu.memory_space<vmem>>, vector<1x16xf32>,
      %get3A_1396 = vector.shape_cast %get3A_1395 : vector<1x16xf32> to vector<16xf32>
      %get3A_1397 = arith.index_cast %add3A_1392 : i32 to index
      %get3A_1398 = arith.constant 16 : index
      %get3A_1399 = tpu.vector_load %arg10[%get3A_1397, %get3A_1398] {strides = array<i32>} : memref<128x64xf32, #tpu.memory_space<vmem>>, vector<1x16xf32>,
      %get3A_1400 = vector.shape_cast %get3A_1399 : vector<1x16xf32> to vector<16xf32>
      %get3A_1401 = arith.index_cast %add3A_1392 : i32 to index
      %get3A_1402 = arith.constant 32 : index
      %get3A_1403 = tpu.vector_load %arg10[%get3A_1401, %get3A_1402] {strides = array<i32>} : memref<128x64xf32, #tpu.memory_space<vmem>>, vector<1x16xf32>,
      %get3A_1404 = vector.shape_cast %get3A_1403 : vector<1x16xf32> to vector<16xf32>
      %get3A_1405 = arith.index_cast %add3A_1392 : i32 to index
      %get3A_1406 = arith.constant 48 : index
      %get3A_1407 = tpu.vector_load %arg10[%get3A_1405, %get3A_1406] {strides = array<i32>} : memref<128x64xf32, #tpu.memory_space<vmem>>, vector<1x16xf32>,
      %get3A_1408 = vector.shape_cast %get3A_1407 : vector<1x16xf32> to vector<16xf32>
      %max3A_1409 = arith.constant 0.000000e+00 : f32
      %max3A_1410 = vector.broadcast %max3A_1409 : f32 to vector<16xf32>
      %max3A_1411 = arith.maximumf %get3A_1396, %max3A_1410 : vector<16xf32>
      %mul3A_1412 = arith.mulf %max3A_1411, %get3A_4 : vector<16xf32>
      %max3A_1413 = arith.constant 0.000000e+00 : f32
      %max3A_1414 = vector.broadcast %max3A_1413 : f32 to vector<16xf32>
      %max3A_1415 = arith.maximumf %get3A_1400, %max3A_1414 : vector<16xf32>
      %mul3A_1416 = arith.mulf %max3A_1415, %get3A_7 : vector<16xf32>
      %add3A_1417 = arith.addf %mul3A_1412, %mul3A_1416 : vector<16xf32>
      %max3A_1418 = arith.constant 0.000000e+00 : f32
      %max3A_1419 = vector.broadcast %max3A_1418 : f32 to vector<16xf32>
      %max3A_1420 = arith.maximumf %get3A_1404, %max3A_1419 : vector<16xf32>
      %mul3A_1421 = arith.mulf %max3A_1420, %get3A_10 : vector<16xf32>
      %add3A_1422 = arith.addf %add3A_1417, %mul3A_1421 : vector<16xf32>
      %max3A_1423 = arith.constant 0.000000e+00 : f32
      %max3A_1424 = vector.broadcast %max3A_1423 : f32 to vector<16xf32>
      %max3A_1425 = arith.maximumf %get3A_1408, %max3A_1424 : vector<16xf32>
      %mul3A_1426 = arith.mulf %max3A_1425, %get3A_13 : vector<16xf32>
      %add3A_1427 = arith.addf %add3A_1422, %mul3A_1426 : vector<16xf32>
      %xor3A_1428 = arith.constant 8 : i32
      %xor3A_1429 = vector.broadcast %xor3A_1428 : i32 to vector<16xi32>
      %xor3A_1430 = arith.xori %iota3A, %xor3A_1429 : vector<16xi32>
      %lt3A_1431 = arith.constant 0 : i32
      %lt3A_1432 = vector.broadcast %lt3A_1431 : i32 to vector<16xi32>
      %lt3A_1433 = arith.cmpi slt, %xor3A_1430, %lt3A_1432 : vector<16xi32>
      %add3A_1434 = arith.constant 16 : i32
      %add3A_1435 = vector.broadcast %add3A_1434 : i32 to vector<16xi32>
      %add3A_1436 = arith.addi %xor3A_1430, %add3A_1435 : vector<16xi32>
      %select_n3A_1437 = arith.select %lt3A_1433, %add3A_1436, %xor3A_1430 : vector<16xi1>, vector<16xi32>
      %broadcast_in_dim3A_1438 = vector.shape_cast %select_n3A_1437 : vector<16xi32> to vector<16x1xi32>
      %gather3A_1439 = vector.shape_cast %broadcast_in_dim3A_1438 : vector<16x1xi32> to vector<16xi32>
      %gather3A_1440 = tpu.dynamic_gather %add3A_1427[%gather3A_1439] in [0] : vector<16xf32>, vector<16xi32> -> vector<16xf32>
      %add3A_1441 = arith.addf %add3A_1427, %gather3A_1440 : vector<16xf32>
      %xor3A_1442 = arith.constant 4 : i32
      %xor3A_1443 = vector.broadcast %xor3A_1442 : i32 to vector<16xi32>
      %xor3A_1444 = arith.xori %iota3A, %xor3A_1443 : vector<16xi32>
      %lt3A_1445 = arith.constant 0 : i32
      %lt3A_1446 = vector.broadcast %lt3A_1445 : i32 to vector<16xi32>
      %lt3A_1447 = arith.cmpi slt, %xor3A_1444, %lt3A_1446 : vector<16xi32>
      %add3A_1448 = arith.constant 16 : i32
      %add3A_1449 = vector.broadcast %add3A_1448 : i32 to vector<16xi32>
      %add3A_1450 = arith.addi %xor3A_1444, %add3A_1449 : vector<16xi32>
      %select_n3A_1451 = arith.select %lt3A_1447, %add3A_1450, %xor3A_1444 : vector<16xi1>, vector<16xi32>
      %broadcast_in_dim3A_1452 = vector.shape_cast %select_n3A_1451 : vector<16xi32> to vector<16x1xi32>
      %gather3A_1453 = vector.shape_cast %broadcast_in_dim3A_1452 : vector<16x1xi32> to vector<16xi32>
      %gather3A_1454 = tpu.dynamic_gather %add3A_1441[%gather3A_1453] in [0] : vector<16xf32>, vector<16xi32> -> vector<16xf32>
      %add3A_1455 = arith.addf %add3A_1441, %gather3A_1454 : vector<16xf32>
      %xor3A_1456 = arith.constant 2 : i32
      %xor3A_1457 = vector.broadcast %xor3A_1456 : i32 to vector<16xi32>
      %xor3A_1458 = arith.xori %iota3A, %xor3A_1457 : vector<16xi32>
      %lt3A_1459 = arith.constant 0 : i32
      %lt3A_1460 = vector.broadcast %lt3A_1459 : i32 to vector<16xi32>
      %lt3A_1461 = arith.cmpi slt, %xor3A_1458, %lt3A_1460 : vector<16xi32>
      %add3A_1462 = arith.constant 16 : i32
      %add3A_1463 = vector.broadcast %add3A_1462 : i32 to vector<16xi32>
      %add3A_1464 = arith.addi %xor3A_1458, %add3A_1463 : vector<16xi32>
      %select_n3A_1465 = arith.select %lt3A_1461, %add3A_1464, %xor3A_1458 : vector<16xi1>, vector<16xi32>
      %broadcast_in_dim3A_1466 = vector.shape_cast %select_n3A_1465 : vector<16xi32> to vector<16x1xi32>
      %gather3A_1467 = vector.shape_cast %broadcast_in_dim3A_1466 : vector<16x1xi32> to vector<16xi32>
      %gather3A_1468 = tpu.dynamic_gather %add3A_1455[%gather3A_1467] in [0] : vector<16xf32>, vector<16xi32> -> vector<16xf32>
      %add3A_1469 = arith.addf %add3A_1455, %gather3A_1468 : vector<16xf32>
      %xor3A_1470 = arith.constant 1 : i32
      %xor3A_1471 = vector.broadcast %xor3A_1470 : i32 to vector<16xi32>
      %xor3A_1472 = arith.xori %iota3A, %xor3A_1471 : vector<16xi32>
      %lt3A_1473 = arith.constant 0 : i32
      %lt3A_1474 = vector.broadcast %lt3A_1473 : i32 to vector<16xi32>
      %lt3A_1475 = arith.cmpi slt, %xor3A_1472, %lt3A_1474 : vector<16xi32>
      %add3A_1476 = arith.constant 16 : i32
      %add3A_1477 = vector.broadcast %add3A_1476 : i32 to vector<16xi32>
      %add3A_1478 = arith.addi %xor3A_1472, %add3A_1477 : vector<16xi32>
      %select_n3A_1479 = arith.select %lt3A_1475, %add3A_1478, %xor3A_1472 : vector<16xi1>, vector<16xi32>
      %broadcast_in_dim3A_1480 = vector.shape_cast %select_n3A_1479 : vector<16xi32> to vector<16x1xi32>
      %gather3A_1481 = vector.shape_cast %broadcast_in_dim3A_1480 : vector<16x1xi32> to vector<16xi32>
      %gather3A_1482 = tpu.dynamic_gather %add3A_1469[%gather3A_1481] in [0] : vector<16xf32>, vector<16xi32> -> vector<16xf32>
      %add3A_1483 = arith.addf %add3A_1469, %gather3A_1482 : vector<16xf32>
      %add3A_1484 = arith.addf %add3A_1483, %get3A_16 : vector<16xf32>
      %eq3A_1485 = arith.constant 13 : i32
      %eq3A_1486 = vector.broadcast %eq3A_1485 : i32 to vector<16xi32>
      %eq3A_1487 = arith.cmpi eq, %iota3A, %eq3A_1486 : vector<16xi32>
      %select_n3A_1488 = arith.select %eq3A_1487, %add3A_1484, %select_n3A_1388 : vector<16xi1>, vector<16xf32>
      %mul3A_1489 = arith.constant 16 : i32
      %mul3A_1490 = arith.muli %scan3A_94, %mul3A_1489 : i32
      %add3A_1491 = arith.constant 14 : i32
      %add3A_1492 = arith.addi %mul3A_1490, %add3A_1491 : i32
      %get3A_1493 = arith.index_cast %add3A_1492 : i32 to index
      %get3A_1494 = arith.constant 0 : index
      %get3A_1495 = tpu.vector_load %arg10[%get3A_1493, %get3A_1494] {strides = array<i32>} : memref<128x64xf32, #tpu.memory_space<vmem>>, vector<1x16xf32>,
      %get3A_1496 = vector.shape_cast %get3A_1495 : vector<1x16xf32> to vector<16xf32>
      %get3A_1497 = arith.index_cast %add3A_1492 : i32 to index
      %get3A_1498 = arith.constant 16 : index
      %get3A_1499 = tpu.vector_load %arg10[%get3A_1497, %get3A_1498] {strides = array<i32>} : memref<128x64xf32, #tpu.memory_space<vmem>>, vector<1x16xf32>,
      %get3A_1500 = vector.shape_cast %get3A_1499 : vector<1x16xf32> to vector<16xf32>
      %get3A_1501 = arith.index_cast %add3A_1492 : i32 to index
      %get3A_1502 = arith.constant 32 : index
      %get3A_1503 = tpu.vector_load %arg10[%get3A_1501, %get3A_1502] {strides = array<i32>} : memref<128x64xf32, #tpu.memory_space<vmem>>, vector<1x16xf32>,
      %get3A_1504 = vector.shape_cast %get3A_1503 : vector<1x16xf32> to vector<16xf32>
      %get3A_1505 = arith.index_cast %add3A_1492 : i32 to index
      %get3A_1506 = arith.constant 48 : index
      %get3A_1507 = tpu.vector_load %arg10[%get3A_1505, %get3A_1506] {strides = array<i32>} : memref<128x64xf32, #tpu.memory_space<vmem>>, vector<1x16xf32>,
      %get3A_1508 = vector.shape_cast %get3A_1507 : vector<1x16xf32> to vector<16xf32>
      %max3A_1509 = arith.constant 0.000000e+00 : f32
      %max3A_1510 = vector.broadcast %max3A_1509 : f32 to vector<16xf32>
      %max3A_1511 = arith.maximumf %get3A_1496, %max3A_1510 : vector<16xf32>
      %mul3A_1512 = arith.mulf %max3A_1511, %get3A_4 : vector<16xf32>
      %max3A_1513 = arith.constant 0.000000e+00 : f32
      %max3A_1514 = vector.broadcast %max3A_1513 : f32 to vector<16xf32>
      %max3A_1515 = arith.maximumf %get3A_1500, %max3A_1514 : vector<16xf32>
      %mul3A_1516 = arith.mulf %max3A_1515, %get3A_7 : vector<16xf32>
      %add3A_1517 = arith.addf %mul3A_1512, %mul3A_1516 : vector<16xf32>
      %max3A_1518 = arith.constant 0.000000e+00 : f32
      %max3A_1519 = vector.broadcast %max3A_1518 : f32 to vector<16xf32>
      %max3A_1520 = arith.maximumf %get3A_1504, %max3A_1519 : vector<16xf32>
      %mul3A_1521 = arith.mulf %max3A_1520, %get3A_10 : vector<16xf32>
      %add3A_1522 = arith.addf %add3A_1517, %mul3A_1521 : vector<16xf32>
      %max3A_1523 = arith.constant 0.000000e+00 : f32
      %max3A_1524 = vector.broadcast %max3A_1523 : f32 to vector<16xf32>
      %max3A_1525 = arith.maximumf %get3A_1508, %max3A_1524 : vector<16xf32>
      %mul3A_1526 = arith.mulf %max3A_1525, %get3A_13 : vector<16xf32>
      %add3A_1527 = arith.addf %add3A_1522, %mul3A_1526 : vector<16xf32>
      %xor3A_1528 = arith.constant 8 : i32
      %xor3A_1529 = vector.broadcast %xor3A_1528 : i32 to vector<16xi32>
      %xor3A_1530 = arith.xori %iota3A, %xor3A_1529 : vector<16xi32>
      %lt3A_1531 = arith.constant 0 : i32
      %lt3A_1532 = vector.broadcast %lt3A_1531 : i32 to vector<16xi32>
      %lt3A_1533 = arith.cmpi slt, %xor3A_1530, %lt3A_1532 : vector<16xi32>
      %add3A_1534 = arith.constant 16 : i32
      %add3A_1535 = vector.broadcast %add3A_1534 : i32 to vector<16xi32>
      %add3A_1536 = arith.addi %xor3A_1530, %add3A_1535 : vector<16xi32>
      %select_n3A_1537 = arith.select %lt3A_1533, %add3A_1536, %xor3A_1530 : vector<16xi1>, vector<16xi32>
      %broadcast_in_dim3A_1538 = vector.shape_cast %select_n3A_1537 : vector<16xi32> to vector<16x1xi32>
      %gather3A_1539 = vector.shape_cast %broadcast_in_dim3A_1538 : vector<16x1xi32> to vector<16xi32>
      %gather3A_1540 = tpu.dynamic_gather %add3A_1527[%gather3A_1539] in [0] : vector<16xf32>, vector<16xi32> -> vector<16xf32>
      %add3A_1541 = arith.addf %add3A_1527, %gather3A_1540 : vector<16xf32>
      %xor3A_1542 = arith.constant 4 : i32
      %xor3A_1543 = vector.broadcast %xor3A_1542 : i32 to vector<16xi32>
      %xor3A_1544 = arith.xori %iota3A, %xor3A_1543 : vector<16xi32>
      %lt3A_1545 = arith.constant 0 : i32
      %lt3A_1546 = vector.broadcast %lt3A_1545 : i32 to vector<16xi32>
      %lt3A_1547 = arith.cmpi slt, %xor3A_1544, %lt3A_1546 : vector<16xi32>
      %add3A_1548 = arith.constant 16 : i32
      %add3A_1549 = vector.broadcast %add3A_1548 : i32 to vector<16xi32>
      %add3A_1550 = arith.addi %xor3A_1544, %add3A_1549 : vector<16xi32>
      %select_n3A_1551 = arith.select %lt3A_1547, %add3A_1550, %xor3A_1544 : vector<16xi1>, vector<16xi32>
      %broadcast_in_dim3A_1552 = vector.shape_cast %select_n3A_1551 : vector<16xi32> to vector<16x1xi32>
      %gather3A_1553 = vector.shape_cast %broadcast_in_dim3A_1552 : vector<16x1xi32> to vector<16xi32>
      %gather3A_1554 = tpu.dynamic_gather %add3A_1541[%gather3A_1553] in [0] : vector<16xf32>, vector<16xi32> -> vector<16xf32>
      %add3A_1555 = arith.addf %add3A_1541, %gather3A_1554 : vector<16xf32>
      %xor3A_1556 = arith.constant 2 : i32
      %xor3A_1557 = vector.broadcast %xor3A_1556 : i32 to vector<16xi32>
      %xor3A_1558 = arith.xori %iota3A, %xor3A_1557 : vector<16xi32>
      %lt3A_1559 = arith.constant 0 : i32
      %lt3A_1560 = vector.broadcast %lt3A_1559 : i32 to vector<16xi32>
      %lt3A_1561 = arith.cmpi slt, %xor3A_1558, %lt3A_1560 : vector<16xi32>
      %add3A_1562 = arith.constant 16 : i32
      %add3A_1563 = vector.broadcast %add3A_1562 : i32 to vector<16xi32>
      %add3A_1564 = arith.addi %xor3A_1558, %add3A_1563 : vector<16xi32>
      %select_n3A_1565 = arith.select %lt3A_1561, %add3A_1564, %xor3A_1558 : vector<16xi1>, vector<16xi32>
      %broadcast_in_dim3A_1566 = vector.shape_cast %select_n3A_1565 : vector<16xi32> to vector<16x1xi32>
      %gather3A_1567 = vector.shape_cast %broadcast_in_dim3A_1566 : vector<16x1xi32> to vector<16xi32>
      %gather3A_1568 = tpu.dynamic_gather %add3A_1555[%gather3A_1567] in [0] : vector<16xf32>, vector<16xi32> -> vector<16xf32>
      %add3A_1569 = arith.addf %add3A_1555, %gather3A_1568 : vector<16xf32>
      %xor3A_1570 = arith.constant 1 : i32
      %xor3A_1571 = vector.broadcast %xor3A_1570 : i32 to vector<16xi32>
      %xor3A_1572 = arith.xori %iota3A, %xor3A_1571 : vector<16xi32>
      %lt3A_1573 = arith.constant 0 : i32
      %lt3A_1574 = vector.broadcast %lt3A_1573 : i32 to vector<16xi32>
      %lt3A_1575 = arith.cmpi slt, %xor3A_1572, %lt3A_1574 : vector<16xi32>
      %add3A_1576 = arith.constant 16 : i32
      %add3A_1577 = vector.broadcast %add3A_1576 : i32 to vector<16xi32>
      %add3A_1578 = arith.addi %xor3A_1572, %add3A_1577 : vector<16xi32>
      %select_n3A_1579 = arith.select %lt3A_1575, %add3A_1578, %xor3A_1572 : vector<16xi1>, vector<16xi32>
      %broadcast_in_dim3A_1580 = vector.shape_cast %select_n3A_1579 : vector<16xi32> to vector<16x1xi32>
      %gather3A_1581 = vector.shape_cast %broadcast_in_dim3A_1580 : vector<16x1xi32> to vector<16xi32>
      %gather3A_1582 = tpu.dynamic_gather %add3A_1569[%gather3A_1581] in [0] : vector<16xf32>, vector<16xi32> -> vector<16xf32>
      %add3A_1583 = arith.addf %add3A_1569, %gather3A_1582 : vector<16xf32>
      %add3A_1584 = arith.addf %add3A_1583, %get3A_16 : vector<16xf32>
      %eq3A_1585 = arith.constant 14 : i32
      %eq3A_1586 = vector.broadcast %eq3A_1585 : i32 to vector<16xi32>
      %eq3A_1587 = arith.cmpi eq, %iota3A, %eq3A_1586 : vector<16xi32>
      %select_n3A_1588 = arith.select %eq3A_1587, %add3A_1584, %select_n3A_1488 : vector<16xi1>, vector<16xf32>
      %mul3A_1589 = arith.constant 16 : i32
      %mul3A_1590 = arith.muli %scan3A_94, %mul3A_1589 : i32
      %add3A_1591 = arith.constant 15 : i32
      %add3A_1592 = arith.addi %mul3A_1590, %add3A_1591 : i32
      %get3A_1593 = arith.index_cast %add3A_1592 : i32 to index
      %get3A_1594 = arith.constant 0 : index
      %get3A_1595 = tpu.vector_load %arg10[%get3A_1593, %get3A_1594] {strides = array<i32>} : memref<128x64xf32, #tpu.memory_space<vmem>>, vector<1x16xf32>,
      %get3A_1596 = vector.shape_cast %get3A_1595 : vector<1x16xf32> to vector<16xf32>
      %get3A_1597 = arith.index_cast %add3A_1592 : i32 to index
      %get3A_1598 = arith.constant 16 : index
      %get3A_1599 = tpu.vector_load %arg10[%get3A_1597, %get3A_1598] {strides = array<i32>} : memref<128x64xf32, #tpu.memory_space<vmem>>, vector<1x16xf32>,
      %get3A_1600 = vector.shape_cast %get3A_1599 : vector<1x16xf32> to vector<16xf32>
      %get3A_1601 = arith.index_cast %add3A_1592 : i32 to index
      %get3A_1602 = arith.constant 32 : index
      %get3A_1603 = tpu.vector_load %arg10[%get3A_1601, %get3A_1602] {strides = array<i32>} : memref<128x64xf32, #tpu.memory_space<vmem>>, vector<1x16xf32>,
      %get3A_1604 = vector.shape_cast %get3A_1603 : vector<1x16xf32> to vector<16xf32>
      %get3A_1605 = arith.index_cast %add3A_1592 : i32 to index
      %get3A_1606 = arith.constant 48 : index
      %get3A_1607 = tpu.vector_load %arg10[%get3A_1605, %get3A_1606] {strides = array<i32>} : memref<128x64xf32, #tpu.memory_space<vmem>>, vector<1x16xf32>,
      %get3A_1608 = vector.shape_cast %get3A_1607 : vector<1x16xf32> to vector<16xf32>
      %max3A_1609 = arith.constant 0.000000e+00 : f32
      %max3A_1610 = vector.broadcast %max3A_1609 : f32 to vector<16xf32>
      %max3A_1611 = arith.maximumf %get3A_1596, %max3A_1610 : vector<16xf32>
      %mul3A_1612 = arith.mulf %max3A_1611, %get3A_4 : vector<16xf32>
      %max3A_1613 = arith.constant 0.000000e+00 : f32
      %max3A_1614 = vector.broadcast %max3A_1613 : f32 to vector<16xf32>
      %max3A_1615 = arith.maximumf %get3A_1600, %max3A_1614 : vector<16xf32>
      %mul3A_1616 = arith.mulf %max3A_1615, %get3A_7 : vector<16xf32>
      %add3A_1617 = arith.addf %mul3A_1612, %mul3A_1616 : vector<16xf32>
      %max3A_1618 = arith.constant 0.000000e+00 : f32
      %max3A_1619 = vector.broadcast %max3A_1618 : f32 to vector<16xf32>
      %max3A_1620 = arith.maximumf %get3A_1604, %max3A_1619 : vector<16xf32>
      %mul3A_1621 = arith.mulf %max3A_1620, %get3A_10 : vector<16xf32>
      %add3A_1622 = arith.addf %add3A_1617, %mul3A_1621 : vector<16xf32>
      %max3A_1623 = arith.constant 0.000000e+00 : f32
      %max3A_1624 = vector.broadcast %max3A_1623 : f32 to vector<16xf32>
      %max3A_1625 = arith.maximumf %get3A_1608, %max3A_1624 : vector<16xf32>
      %mul3A_1626 = arith.mulf %max3A_1625, %get3A_13 : vector<16xf32>
      %add3A_1627 = arith.addf %add3A_1622, %mul3A_1626 : vector<16xf32>
      %xor3A_1628 = arith.constant 8 : i32
      %xor3A_1629 = vector.broadcast %xor3A_1628 : i32 to vector<16xi32>
      %xor3A_1630 = arith.xori %iota3A, %xor3A_1629 : vector<16xi32>
      %lt3A_1631 = arith.constant 0 : i32
      %lt3A_1632 = vector.broadcast %lt3A_1631 : i32 to vector<16xi32>
      %lt3A_1633 = arith.cmpi slt, %xor3A_1630, %lt3A_1632 : vector<16xi32>
      %add3A_1634 = arith.constant 16 : i32
      %add3A_1635 = vector.broadcast %add3A_1634 : i32 to vector<16xi32>
      %add3A_1636 = arith.addi %xor3A_1630, %add3A_1635 : vector<16xi32>
      %select_n3A_1637 = arith.select %lt3A_1633, %add3A_1636, %xor3A_1630 : vector<16xi1>, vector<16xi32>
      %broadcast_in_dim3A_1638 = vector.shape_cast %select_n3A_1637 : vector<16xi32> to vector<16x1xi32>
      %gather3A_1639 = vector.shape_cast %broadcast_in_dim3A_1638 : vector<16x1xi32> to vector<16xi32>
      %gather3A_1640 = tpu.dynamic_gather %add3A_1627[%gather3A_1639] in [0] : vector<16xf32>, vector<16xi32> -> vector<16xf32>
      %add3A_1641 = arith.addf %add3A_1627, %gather3A_1640 : vector<16xf32>
      %xor3A_1642 = arith.constant 4 : i32
      %xor3A_1643 = vector.broadcast %xor3A_1642 : i32 to vector<16xi32>
      %xor3A_1644 = arith.xori %iota3A, %xor3A_1643 : vector<16xi32>
      %lt3A_1645 = arith.constant 0 : i32
      %lt3A_1646 = vector.broadcast %lt3A_1645 : i32 to vector<16xi32>
      %lt3A_1647 = arith.cmpi slt, %xor3A_1644, %lt3A_1646 : vector<16xi32>
      %add3A_1648 = arith.constant 16 : i32
      %add3A_1649 = vector.broadcast %add3A_1648 : i32 to vector<16xi32>
      %add3A_1650 = arith.addi %xor3A_1644, %add3A_1649 : vector<16xi32>
      %select_n3A_1651 = arith.select %lt3A_1647, %add3A_1650, %xor3A_1644 : vector<16xi1>, vector<16xi32>
      %broadcast_in_dim3A_1652 = vector.shape_cast %select_n3A_1651 : vector<16xi32> to vector<16x1xi32>
      %gather3A_1653 = vector.shape_cast %broadcast_in_dim3A_1652 : vector<16x1xi32> to vector<16xi32>
      %gather3A_1654 = tpu.dynamic_gather %add3A_1641[%gather3A_1653] in [0] : vector<16xf32>, vector<16xi32> -> vector<16xf32>
      %add3A_1655 = arith.addf %add3A_1641, %gather3A_1654 : vector<16xf32>
      %xor3A_1656 = arith.constant 2 : i32
      %xor3A_1657 = vector.broadcast %xor3A_1656 : i32 to vector<16xi32>
      %xor3A_1658 = arith.xori %iota3A, %xor3A_1657 : vector<16xi32>
      %lt3A_1659 = arith.constant 0 : i32
      %lt3A_1660 = vector.broadcast %lt3A_1659 : i32 to vector<16xi32>
      %lt3A_1661 = arith.cmpi slt, %xor3A_1658, %lt3A_1660 : vector<16xi32>
      %add3A_1662 = arith.constant 16 : i32
      %add3A_1663 = vector.broadcast %add3A_1662 : i32 to vector<16xi32>
      %add3A_1664 = arith.addi %xor3A_1658, %add3A_1663 : vector<16xi32>
      %select_n3A_1665 = arith.select %lt3A_1661, %add3A_1664, %xor3A_1658 : vector<16xi1>, vector<16xi32>
      %broadcast_in_dim3A_1666 = vector.shape_cast %select_n3A_1665 : vector<16xi32> to vector<16x1xi32>
      %gather3A_1667 = vector.shape_cast %broadcast_in_dim3A_1666 : vector<16x1xi32> to vector<16xi32>
      %gather3A_1668 = tpu.dynamic_gather %add3A_1655[%gather3A_1667] in [0] : vector<16xf32>, vector<16xi32> -> vector<16xf32>
      %add3A_1669 = arith.addf %add3A_1655, %gather3A_1668 : vector<16xf32>
      %xor3A_1670 = arith.constant 1 : i32
      %xor3A_1671 = vector.broadcast %xor3A_1670 : i32 to vector<16xi32>
      %xor3A_1672 = arith.xori %iota3A, %xor3A_1671 : vector<16xi32>
      %lt3A_1673 = arith.constant 0 : i32
      %lt3A_1674 = vector.broadcast %lt3A_1673 : i32 to vector<16xi32>
      %lt3A_1675 = arith.cmpi slt, %xor3A_1672, %lt3A_1674 : vector<16xi32>
      %add3A_1676 = arith.constant 16 : i32
      %add3A_1677 = vector.broadcast %add3A_1676 : i32 to vector<16xi32>
      %add3A_1678 = arith.addi %xor3A_1672, %add3A_1677 : vector<16xi32>
      %select_n3A_1679 = arith.select %lt3A_1675, %add3A_1678, %xor3A_1672 : vector<16xi1>, vector<16xi32>
      %broadcast_in_dim3A_1680 = vector.shape_cast %select_n3A_1679 : vector<16xi32> to vector<16x1xi32>
      %gather3A_1681 = vector.shape_cast %broadcast_in_dim3A_1680 : vector<16x1xi32> to vector<16xi32>
      %gather3A_1682 = tpu.dynamic_gather %add3A_1669[%gather3A_1681] in [0] : vector<16xf32>, vector<16xi32> -> vector<16xf32>
      %add3A_1683 = arith.addf %add3A_1669, %gather3A_1682 : vector<16xf32>
      %add3A_1684 = arith.addf %add3A_1683, %get3A_16 : vector<16xf32>
      %eq3A_1685 = arith.constant 15 : i32
      %eq3A_1686 = vector.broadcast %eq3A_1685 : i32 to vector<16xi32>
      %eq3A_1687 = arith.cmpi eq, %iota3A, %eq3A_1686 : vector<16xi32>
      %select_n3A_1688 = arith.select %eq3A_1687, %add3A_1684, %select_n3A_1588 : vector<16xi1>, vector<16xf32>
      %mul3A_1689 = arith.constant 16 : i32
      %mul3A_1690 = arith.muli %scan3A_94, %mul3A_1689 : i32
      %swap3A = arith.index_cast %mul3A_1690 : i32 to index
      %swap3A_1691 = tpu.vector_load %arg13[%swap3A] {strides = array<i32>} : memref<128xf32, #tpu.memory_space<vmem>>, vector<16xf32>,
      %swap3A_1692 = vector.shape_cast %swap3A_1691 : vector<16xf32> to vector<16xf32>
      %swap3A_1693 = vector.shape_cast %select_n3A_1688 : vector<16xf32> to vector<16xf32>
      tpu.vector_store %arg13[%swap3A], %swap3A_1693 {strides = array<i32>} : memref<128xf32, #tpu.memory_space<vmem>>, vector<16xf32>,
    }
    %scan3A_93 = arith.constant 8 : i32
    "tpu.region"() ({
      %run_scoped3A = tpu.sem_alloc : memref<!tpu.dma_semaphore, #tpu.memory_space<semaphore_mem>>
      %dma_start3A_94 = tpu.memref_slice %arg6[%mul3A_2] : memref<4096xf32, #tpu.memory_space<hbm>> -> memref<128xf32, #tpu.memory_space<hbm>>
      %dma_start3A_95 = tpu.memref_slice %arg6[%mul3A_2] : memref<4096xf32, #tpu.memory_space<hbm>> -> memref<128xf32, #tpu.memory_space<hbm>>
      tpu.enqueue_dma source(%arg13 : memref<128xf32, #tpu.memory_space<vmem>>) target(%dma_start3A_95 : memref<128xf32, #tpu.memory_space<hbm>>) target_semaphore(%run_scoped3A : memref<!tpu.dma_semaphore, #tpu.memory_space<semaphore_mem>>)
      %dma_wait3A = tpu.memref_slice %arg6[%mul3A_2] : memref<4096xf32, #tpu.memory_space<hbm>> -> memref<128xf32, #tpu.memory_space<hbm>>
      %dma_wait3A_96 = tpu.memref_slice %arg6[%mul3A_2] : memref<4096xf32, #tpu.memory_space<hbm>> -> memref<128xf32, #tpu.memory_space<hbm>>
      tpu.wait_dma2 semaphore(%run_scoped3A : memref<!tpu.dma_semaphore, #tpu.memory_space<semaphore_mem>>) src(%arg13 : memref<128xf32, #tpu.memory_space<vmem>>) dst(%dma_wait3A_96 : memref<128xf32, #tpu.memory_space<hbm>>)
      tpu.yield
    }) : () -> ()
    return
  }
}

</mosaic_0001>

<sc_bundles>
// kernel: kernel.3.cloned.1.call-start
scs
__scs_entry_jumppad:
0x0: {  	(pc) =	sbr.rel $0x88, $3  }
0x1: {  	(tag) =	ssettag $0x0;
	lr =	simm.s32 $0x1  }
0x2: {  	[smem:$0x3F9D] =	sst lr;
	_ =	strace $0xD0000000  }
0x3: {  	_ = 	snop  }
0x4: {  	_ = 	snop  }
0x5: {  	_ = 	snop  }
0x6: {  	_ = 	snop  }
0x7: {  	_ = 	snop  }
__scs_overlays_trampoline_lowered:
0x8: {  	[smem:$0x3FAC] =	sst s0  }
0x9: {  	[smem:$0x3FAD] =	sst s1  }
0xa: {  	[smem:$0x3FAE] =	sst s2  }
0xb: {  	[smem:$0x3FAF] =	sst s3  }
0xc: {  	[smem:$0x3FB0] =	sst s4  }
0xd: {  	[smem:$0x3FB1] =	sst s5  }
0xe: {  	[smem:$0x3FB2] =	sst s6  }
0xf: {  	[smem:$0x3FB3] =	sst s7  }
0x10: {  	[smem:$0x3FB4] =	sst s8  }
0x11: {  	[smem:$0x3FB5] =	sst s9;
	s0 =	simm.s32 @!p0 $0x0  }
0x12: {  	s1 =	sld [smem:$0x3F9B];
	s0 =	simm.s32 @p0 $0x1  }
0x13: {  	[smem:$0x3FB6] =	sst s0;
	s0 =	simm.s32 @!p1 $0x0  }
0x14: {  	s2 =	sld [smem:$0x3F9A];
	s0 =	simm.s32 @p1 $0x1  }
0x15: {  	[smem:$0x3FB7] =	sst s0;
	s0 =	simm.s32 @!p2 $0x0  }
0x16: {  	s3 =	sld [smem:$0x3FDB];
	s0 =	simm.s32 @p2 $0x1  }
0x17: {  	s4 =	simm.s32 $0x1BF5;
	[smem:$0x3FB9] =	sst s0  }
0x18: {  	s0 =	sld [smem:$0x3F9C];
	_ =	swait.ge [sflag:s4], $0x0  }
0x19: {  	s7 =	sld [smem:$0x3F9D]  }
0x1a: {  	s8 =	sadd.s32 $0xFFFFE003, lr  }
0x1b: {  	s9 =	sadd.s32 $0xFFFFFEF7, lr;
	s5 =	simm.s32 $0xFFFFFFFF;
	p2 =	slt.u32 s8, $0xFFFFF086  }
0x1c: {  	p1 =	slt.u32 s9, $0xF7A;
	s5 =	simm.s32 @!p2 $0x0  }
0x1d: {  	s5 =	simm.s32 @p1 $0x1;
	p0 =	seq.s32 s7, s2  }
0x1e: {  	s7 =	smul.u32 @!p0 $0xF7A, s2;
	p2 =	seq.s32 @!p0 s5, $0x0  }
0x1f: {  	s9 =	smul.u32 $0xF7A, s1;
	s8 =	simm.s32 @!p0 $0x1BF5;
	p2 =	por !p2, p0  }
0x20: {  	[sflag:s8] =	ssyncset.s32 @!p0 $0xFFFFF086;
	s6 =	sadd.s32 @!p0 s3, s7;
	s7 =	simm.s32 @!p0 $0x108  }
0x21: {  	s3 =	sadd.s32 s3, s9;
	s6 =	sadd.s32 @!p0 $0x88, s6;
	s7 =	simm.s32 @p2 $0x1082  }
0x22: {  	[simem:s7], [sflag:s8] =	dma.local @!p0 [hbm:s6], $0xF7A  }
0x23: {  	s9 =	sor.u32 $0xD0000000, s2;
	s6 =	simm.s32 $0x108;
	_ =	swait.ge @!p0 [sflag:s8], $0x0  }
0x24: {  	s3 =	sadd.s32 $0x88, s3;
	s6 =	simm.s32 @!p1 $0x1082;
	[sflag:s4] =	ssyncset.s32 $0xFFFFF086  }
0x25: {  	[simem:s6], [sflag:s4] =	dma.local [hbm:s3], $0xF7A  }
0x26: {  	[smem:$0x3F9D] =	sst s1;
	(tag) =	ssettag s2;
	_ =	strace s9  }
0x27: {  	s1 =	sld [smem:$0x3FAD]  }
0x28: {  	s2 =	sld [smem:$0x3FAE]  }
0x29: {  	s4 =	sld [smem:$0x3FB0]  }
0x2a: {  	p0 =	seq.s32 s5, $0x0;
	s5 =	sld [smem:$0x3FB1]  }
0x2b: {  	s6 =	sld [smem:$0x3FB2]  }
0x2c: {  	s7 =	sld [smem:$0x3FB3]  }
0x2d: {  	s3 =	simm.s32 $0x108;
	s8 =	sld [smem:$0x3FB4]  }
0x2e: {  	s3 =	simm.s32 @!p0 $0x1082;
	s9 =	sld [smem:$0x3FB5]  }
0x2f: {  	lr =	sadd.s32 s0, s3;
	s0 =	sld [smem:$0x3FAC]  }
0x30: {  	s3 =	sld [smem:$0x3FAF]  }
0x31: {  	[smem:$0x3FB8] =	sst s10  }
0x32: {  	s10 =	sld [smem:$0x3FB6];
	_ =	sdelay $0x3  }
0x33: {  	p0 =	seq.s32 s10, $0x1;
	s10 =	sld [smem:$0x3FB8];
	_ =	sdelay $0x3  }
0x34: {  	[smem:$0x3FB8] =	sst s10  }
0x35: {  	s10 =	sld [smem:$0x3FB7];
	_ =	sdelay $0x3  }
0x36: {  	p1 =	seq.s32 s10, $0x1;
	s10 =	sld [smem:$0x3FB8];
	_ =	sdelay $0x3  }
0x37: {  	[smem:$0x3FB8] =	sst s10  }
0x38: {  	s10 =	sld [smem:$0x3FB9]  }
0x39: {  	_ = 	snop;
	(pc) =	sbr.ind lr, $3  }
0x3a: {  	_ = 	snop  }
0x3b: {  	_ = 	snop  }
0x3c: {  	p2 =	seq.s32 s10, $0x1;
	s10 =	sld [smem:$0x3FB8]  }
0x3d: {  	_ =	shalt  }
0x3e: {  	_ =	shalt  }
0x3f: {  	_ =	shalt  }
0x40: {  	_ =	shalt  }
0x41: {  	_ =	shalt  }
0x42: {  	_ =	shalt  }
0x43: {  	_ =	shalt  }
0x44: {  	_ =	shalt  }
0x45: {  	_ =	shalt  }
0x46: {  	_ =	shalt  }
0x47: {  	_ =	shalt  }
0x48: {  	_ =	shalt  }
0x49: {  	_ =	shalt  }
0x4a: {  	_ =	shalt  }
0x4b: {  	_ =	shalt  }
0x4c: {  	_ =	shalt  }
0x4d: {  	_ =	shalt  }
0x4e: {  	_ =	shalt  }
0x4f: {  	_ =	shalt  }
0x50: {  	_ =	shalt  }
0x51: {  	_ =	shalt  }
0x52: {  	_ =	shalt  }
0x53: {  	_ =	shalt  }
0x54: {  	_ =	shalt  }
0x55: {  	_ =	shalt  }
0x56: {  	_ =	shalt  }
0x57: {  	_ =	shalt  }
0x58: {  	_ =	shalt  }
0x59: {  	_ =	shalt  }
0x5a: {  	_ =	shalt  }
0x5b: {  	_ =	shalt  }
0x5c: {  	_ =	shalt  }
0x5d: {  	_ =	shalt  }
0x5e: {  	_ =	shalt  }
0x5f: {  	_ =	shalt  }
0x60: {  	_ =	shalt  }
0x61: {  	_ =	shalt  }
0x62: {  	_ =	shalt  }
0x63: {  	_ =	shalt  }
0x64: {  	_ =	shalt  }
0x65: {  	_ =	shalt  }
0x66: {  	_ =	shalt  }
0x67: {  	_ =	shalt  }
0x68: {  	_ =	shalt  }
0x69: {  	_ =	shalt  }
0x6a: {  	_ =	shalt  }
0x6b: {  	_ =	shalt  }
0x6c: {  	_ =	shalt  }
0x6d: {  	_ =	shalt  }
0x6e: {  	_ =	shalt  }
0x6f: {  	_ =	shalt  }
0x70: {  	_ =	shalt  }
0x71: {  	_ =	shalt  }
0x72: {  	_ =	shalt  }
0x73: {  	_ =	shalt  }
0x74: {  	_ =	shalt  }
0x75: {  	_ =	shalt  }
0x76: {  	_ =	shalt  }
0x77: {  	_ =	shalt  }
0x78: {  	_ =	shalt  }
0x79: {  	_ =	shalt  }
0x7a: {  	_ =	shalt  }
0x7b: {  	_ =	shalt  }
0x7c: {  	_ =	shalt  }
0x7d: {  	_ =	shalt  }
0x7e: {  	_ =	shalt  }
0x7f: {  	_ =	shalt  }
0x80: {  	_ =	shalt  }
0x81: {  	_ =	shalt  }
0x82: {  	_ =	shalt  }
0x83: {  	_ =	shalt  }
0x84: {  	_ =	shalt  }
0x85: {  	_ =	shalt  }
0x86: {  	_ =	shalt  }
0x87: {  	_ =	shalt  }
.Lfunc_end0:
.L_simem_size_0:
called_computation_lowered:
.L_overlay_start_0:
0x88: {  	s2 =	sld [smem:$0x3FD9]  }
0x89: {  	s3 =	sld [smem:$0x3FFE];
	_ =	sdelay $0x1  }
0x8a: {  	s1 =	srdreg.scid  }
0x8b: {  	s0 =	sand.u32 $0x1, s1  }
0x8c: {  	s17 =	sshll.u32 s0, $0xA;
	s2 =	sadd.s32 s3, s2  }
0x8d: {  	s2 =	sadd.s32 s2, s17  }
0x8e: {  	[smem:$0x3FC4] =	sst s2  }
0x8f: {  	_ = 	snop  }
0x90: {  	s2 =	sld [smem:$0x3FC7]  }
0x91: {  	s18 =	sld [smem:$0x3FD0];
	(tm) =	ssettm $0x1  }
0x92: {  	s4 =	sld [smem:$0x3FFB];
	_ =	sdelay $0x3  }
0x93: {  	_ =	strace s4  }
0x94: {  	s4 =	sld [smem:$0x3FFC];
	_ =	sdelay $0x3  }
0x95: {  	_ =	strace s4  }
0x96: {  	s4 =	sld [smem:$0x3FFD];
	_ =	sdelay $0x3  }
0x97: {  	_ =	strace s4  }
0x98: {  	_ =	strace $0x8FFFFFFF  }
0x99: {  	s19 =	sld [smem:$0x3FDB];
	_ =	sdelay $0x1  }
0x9a: {  	s5 =	simm.s32 $_scs_section_size  }
0x9b: {  	s6 =	simm.s32 $_size__tile_overlayer_lowered;
	s7 =	simm.s32 $_tile_overlayer_lowered  }
0x9c: {  	s22 =	simm.s32 $0x1BFF;
	s21 =	sshll.u32 s7, $0x1;
	s4 =	sadd.s32 s5, s19  }
0x9d: {  	s8 =	simm.s32 $0x0;
	s20 =	sshll.u32 s6, $0x1;
	s6 =	sadd.s32 s21, s4  }
0x9e: {  	[timem:s8], [sflag:s22] =	dma.local [hbm:s6], s20  }
0x9f: {  	_ =	swait.ge [sflag:s22], s20  }
0xa0: {  	s5 =	ssub.s32 $0x0, s20;
	[sflag:s22] =	ssyncset.done $0x0  }
0xa1: {  	[sflag:s22] =	ssyncadd.s32 s5;
	_ =	sdelay $0x1  }
0xa2: {  	s23 =	simm.s32 $0x1B8B  }
0xa3: {  	_ =	swait.ge [sflag:s23], $0x1  }
0xa4: {  	[sflag:s23] =	ssyncset.done $0x0  }
0xa5: {  	s25 =	simm.s32 $0x1B8E;
	s24 =	sld [smem:$0x3FFE];
	[sflag:s23] =	ssyncadd.s32 $0xFFFFFFFF  }
0xa6: {  	s26 =	simm.s32 $execute0_lowered;
	[smem:$0x3FD2] =	sst s25  }
0xa7: {  	s6 =	sshll.u32 s26, $0x1;
	_ =	strace $0x80000046;
	[dreg:$0x1] =	wrdreg $0xFFFFFFFF  }
0xa8: {  	s28 =	simm.s32 $_size_execute0_lowered;
	s4 =	sadd.s32 s4, s6;
	[dreg:$0x0] =	wrdreg $0x0  }
0xa9: {  	s6 =	sshll.u32 s28, $0x1;
	[dreg:$0x2] =	wrdreg s4  }
0xaa: {  	[dreg:$0x3] =	wrdreg s6  }
0xab: {  	[dreg:$0x4] =	wrdreg $0xC0  }
0xac: {  	_ =	task [dreg:s8], $0x5FFFF  }
0xad: {  	[dreg:$0x1] =	wrdreg $0xFFFFFFFF  }
0xae: {  	[dreg:$0x0] =	wrdreg $0x60  }
0xaf: {  	[dreg:$0x2] =	wrdreg s24  }
0xb0: {  	[dreg:$0x3] =	wrdreg s2  }
0xb1: {  	[dreg:$0x4] =	wrdreg s18  }
0xb2: {  	[dreg:$0x5] =	wrdreg $0x9  }
0xb3: {  	_ =	task.clear_ibuf [dreg:s8], $0x6FFFF;
	_ =	strace $0x90000046  }
0xb4: {  	s29 =	simm.s32 $0x9;
	_ =	strace $0x80000048  }
0xb5: {  	_ =	swait.ge [sflag:s29], $0x1  }
0xb6: {  	[sflag:s29] =	ssyncadd.s32 $0xFFFFFFFF  }
0xb7: {  	_ =	strace $0x90000048  }
0xb8: {  	_ =	sfence  }
0xb9: {  	s30 =	sld [smem:$0x0];
	_ =	sdelay $0x2  }
0xba: {  	s31 =	sshll.u32 s1, $0xD;
	s1 =	sshrl.u32 s1, $0x2  }
0xbb: {  	s3 =	sand.u32 $0x4000, s31;
	s1 =	sadd.s32 s1, s30  }
0xbc: {  	s0 =	sor.u32 s3, s0;
	s1 =	sshll.u32 s1, $0x11  }
0xbd: {  	s0 =	sor.u32 s1, s0  }
0xbe: {  	s0 =	sadd.s32 $0x8F2B, s0  }
0xbf: {  	[sflag:s0] =	ssyncadd.remote.s32 $0x1  }
0xc0: {  	_ =	sfence.sel $0xFFFF  }
0xc1: {  	[dreg:$0x0] =	wrdreg $0xFFFFFFFF;
	(pc) =	sbr.abs _section_cstart, $3  }
0xc2: {  	[dreg:$0x1] =	wrdreg $0xFFFFFFFF  }
0xc3: {  	_ =	task.clear_ibuf [dreg:s8], $0x2FFFF;
	_ =	strace $0x9FFFFFFF  }
0xc4: {  	(tm) =	ssettm $0x7FFFFFFF  }
0xc5: {  	_ =	shalt  }
tec
execute0_lowered:
.L_overlay_start_1:
0x0: {  	(tag) =	ssettag $0x1  }
0x1: {  	v0 =	vimm.s32 $0xFEDCBA98;
	v1 =	vimm.s32 $0x76543210;
	v2 =	vimm.s32 $0xBA98FEDC  }
0x2: {  	v3 =	vimm.s32 $0x32107654;
	v4 =	vimm.s32 $0xDCFE98BA;
	v5 =	vimm.s32 $0x54761032  }
0x3: {  	s0 =	rddreg [dreg:$0x0];
	v6 =	vimm.s32 $0xEFCDAB89;
	v7 =	vimm.s32 $0x67452301;
	vm0 =	vmmov $0x1  }
0x4: {  	s1 =	rddreg [dreg:$0x2];
	s2 =	srdreg.scid;
	s3 =	simm.s32 $0x0;
	vm1 =	vmmov $0x3;
	vm2 =	vmmov $0x7;
	vm3 =	vmmov $0xf  }
0x5: {  	s4 =	stileid.u32;
	s9 =	simm.s32 $0x80;
	s11 =	simm.s32 $0x3;
	vm4 =	vmmov $0x1f;
	vm5 =	vmmov $0x3f;
	vm6 =	vmmov $0x7f  }
0x6: {  	s13 =	simm.s32 $0x17940;
	s14 =	simm.s32 $0x1900;
	s15 =	simm.s32 $0x3900;
	vm7 =	vmmov $0xff;
	vm8 =	vmmov $0x1ff;
	vm9 =	vmmov $0x3ff  }
0x7: {  	s16 =	simm.s32 $0x100;
	s17 =	simm.s32 $0x5900;
	s18 =	simm.s32 $0x180;
	vm10 =	vmmov $0x7ff;
	vm11 =	vmmov $0xfff;
	vm12 =	vmmov $0x1fff  }
0x8: {  	s19 =	simm.s32 $0x7900;
	s20 =	simm.s32 $0x200;
	s21 =	simm.s32 $0x9900;
	v0 =	vunpack.c.l.s4.s8 v0;
	v1 =	vunpack.c.l.s4.s8 v1;
	v2 =	vunpack.c.l.s4.s8 v2  }
0x9: {  	s22 =	simm.s32 $0xB900;
	s23 =	simm.s32 $0xD900;
	s24 =	simm.s32 $0xF900;
	v3 =	vunpack.c.l.s4.s8 v3;
	v4 =	vunpack.c.l.s4.s8 v4;
	v5 =	vunpack.c.l.s4.s8 v5  }
0xa: {  	s25 =	simm.s32 $0x11900;
	s28 =	simm.s32 $0x1;
	s29 =	simm.s32 $0x2;
	v6 =	vunpack.c.l.s4.s8 v6;
	v7 =	vunpack.c.l.s4.s8 v7;
	v0 =	vunpack.c.0.s8.s32 v0  }
0xb: {  	s30 =	simm.s32 $0x17950;
	s31 =	simm.s32 $0x0;
	s2 =	sand.u32 $0x1, s2;
	v2 =	vunpack.c.0.s8.s32 v2;
	v3 =	vunpack.c.0.s8.s32 v3;
	v4 =	vunpack.c.0.s8.s32 v4  }
0xc: {  	[smem:$0x7FF] =	sst s3;
	s4 =	sshll.u32 s4, $0x5;
	s5 =	sshll.u32 s2, $0x4;
	v5 =	vunpack.c.0.s8.s32 v5;
	v6 =	vunpack.c.0.s8.s32 v6;
	v7 =	vunpack.c.0.s8.s32 v7  }
0xd: {  	vm13 =	vmmov $0x3fff;
	_ =	strace $0x80000047;
	s2 =	ssub.s32 $0x2, s2;
	s7 =	sor.u32 s5, s4;
	v1 =	vunpack.c.0.s8.s32 v1;
	v2 =	vcombine.low v3, v2  }
0xe: {  	s4 =	sadd.s32 $0x6A00, s0;
	s8 =	sshrl.u32 s2, $0x1;
	s5 =	sadd.s32 $0xF42A00, s0;
	v3 =	vcombine.low v5, v4;
	v4 =	vand.u32 $0xF, v0;
	v5 =	vcombine.low v7, v6  }
0xf: {  	vm14 =	vmmov $0x7fff;
	s6 =	sadd.s32 s7, s0;
	s26 =	ssub.s32 s2, s8;
	s7 =	sadd.s32 s1, s7;
	v0 =	vimm.f32 $0.0e+00;
	v1 =	vcombine.low v4, v1  }
0x10: {  	s6 =	sadd.s32 $0x600, s6;
	s8 =	smax.u32 s26, $0x1;
	s26 =	simm.s32 $0x13900;
	v2 =	vand.u32 $0xF, v2;
	v3 =	vand.u32 $0xF, v3;
	v4 =	vand.u32 $0xF, v5  }
.LBB2_1:
0x11: {  	s0 =	simm.s32 $0x1000  }
0x12: {  	[tilespmem:s3], [sflag:$0x3] =	stream.strided.gather [hbm4b:s6+s9], $0x1900, s0, s9, $0x38;
	[tilespmem:$0x179D0] =	vst v63  }
0x13: {  	_ =	swait.ge [sflag:s11], $0x1900  }
0x14: {  	[sflag:s11] =	ssyncset.done $0x0  }
0x15: {  	[sflag:s11] =	ssyncadd.s32 $0xFFFFE700  }
0x16: {  	s1 =	simm.s32 $0x17900;
	s12 =	rddreg [dreg:$0x1]  }
0x17: {  	[tilespmem:s1], [sflag:$0x3] =	stream.linear.gather [hbm4b:s12+s3], $0x40, $0x38;
	[tilespmem:$0x179D0] =	vst v63  }
0x18: {  	_ =	swait.ge [sflag:s11], $0x40  }
0x19: {  	[sflag:s11] =	ssyncset.done $0x0  }
0x1a: {  	[sflag:s11] =	ssyncadd.s32 $0xFFFFFFC0  }
0x1b: {  	[tilespmem:s13], [sflag:$0x3] =	stream.linear.gather [hbm4b:s4+s3], $0x10, $0x38;
	[tilespmem:$0x179D0] =	vst v63  }
0x1c: {  	_ =	swait.ge [sflag:s11], $0x10  }
0x1d: {  	[sflag:s11] =	ssyncset.done $0x0  }
0x1e: {  	[sflag:s11] =	ssyncadd.s32 $0xFFFFFFF0  }
0x1f: {  	v8 =	vld [tilespmem:$0x17900]  }
0x20: {  	v9 =	vld [tilespmem:$0x17910]  }
0x21: {  	v7 =	vld [tilespmem:$0x17920]  }
0x22: {  	v6 =	vld [tilespmem:$0x17930]  }
0x23: {  	s0 =	simm.s32 $0x0;
	s1 =	simm.s32 $0x100;
	v5 =	vld [tilespmem:$0x17940]  }
.LBB2_2:
0x24: {  	p0 =	sne.s32 s1, $0x7F00;
	[tilespmem:s0+$0x15930] =	vst v0;
	s2 =	smov.u32 s1;
	s1 =	sadd.s32 $0x100, s1  }
.Ltmp0:
0x25: {  	[tilespmem:s0+$0x15920] =	vst v0;
	(pc) =	sbr.rel @p0 .LBB2_2-.Ltmp0, $3  }
0x26: {  	[tilespmem:s0+$0x15900] =	vst v0  }
0x27: {  	[tilespmem:s0+$0x15910] =	vst v0;
	_ =	sdelay $0x1  }
0x28: {  	s0 =	sshra.s32 s2, $0x2  }
0x29: {  	[tilespmem:s0+$0x15930] =	vst v0  }
0x2a: {  	[tilespmem:s0+$0x15920] =	vst v0  }
0x2b: {  	[tilespmem:s0+$0x15900] =	vst v0  }
0x2c: {  	[tilespmem:s0+$0x15910] =	vst v0;
	s0 =	simm.s32 $0x0  }
0x2d: {  	[tilespmem:s14], [sflag:$0x1] =	stream.indirect.gather [hbm4b:s5+s9], $0x40, s0, s9, $0xb8;
	[tilespmem:$0x179D0] =	vst v63  }
0x2e: {  	_ = 	snop  }
0x2f: {  	[tilespmem:s15], [sflag:$0x1] =	stream.indirect.gather [hbm4b:s5+s9], $0x40, s9, s9, $0xb8;
	[tilespmem:$0x179D0] =	vst v63  }
0x30: {  	_ = 	snop  }
0x31: {  	[tilespmem:s17], [sflag:$0x1] =	stream.indirect.gather [hbm4b:s5+s9], $0x40, s16, s9, $0xb8;
	[tilespmem:$0x179D0] =	vst v63  }
0x32: {  	_ = 	snop  }
0x33: {  	[tilespmem:s19], [sflag:$0x1] =	stream.indirect.gather [hbm4b:s5+s9], $0x40, s18, s9, $0xb8;
	[tilespmem:$0x179D0] =	vst v63  }
0x34: {  	_ = 	snop  }
0x35: {  	[tilespmem:s21], [sflag:$0x1] =	stream.indirect.gather [hbm4b:s5+s9], $0x40, s20, s9, $0xb8;
	[tilespmem:$0x179D0] =	vst v63  }
.LBB2_4:
0x36: {  	s1 =	smul.u32 $0x1400, s0;
	_ =	sdelay $0x1  }
0x37: {  	s1 =	sshra.s32 s1, $0x2  }
0x38: {  	s2 =	sadd.s32 $0x280, s1  }
0x39: {  	[tilespmem:s22], [sflag:$0x2] =	stream.indirect.gather [hbm4b:s5+s9], $0x40, s2, s9, $0xb8;
	[tilespmem:$0x179D0] =	vst v63  }
0x3a: {  	s10 =	sadd.s32 $0x300, s1  }
0x3b: {  	[tilespmem:s23], [sflag:$0x2] =	stream.indirect.gather [hbm4b:s5+s9], $0x40, s10, s9, $0xb8;
	[tilespmem:$0x179D0] =	vst v63  }
0x3c: {  	s12 =	sadd.s32 $0x380, s1  }
0x3d: {  	[tilespmem:s24], [sflag:$0x2] =	stream.indirect.gather [hbm4b:s5+s9], $0x40, s12, s9, $0xb8;
	[tilespmem:$0x179D0] =	vst v63  }
0x3e: {  	s10 =	sadd.s32 $0x400, s1  }
0x3f: {  	[tilespmem:s25], [sflag:$0x2] =	stream.indirect.gather [hbm4b:s5+s9], $0x40, s10, s9, $0xb8;
	[tilespmem:$0x179D0] =	vst v63  }
0x40: {  	s12 =	sadd.s32 $0x480, s1  }
0x41: {  	[tilespmem:s26], [sflag:$0x2] =	stream.indirect.gather [hbm4b:s5+s9], $0x40, s12, s9, $0xb8;
	[tilespmem:$0x179D0] =	vst v63  }
0x42: {  	_ =	swait.ge [sflag:s28], $0x2000  }
0x43: {  	[sflag:s28] =	ssyncset.done $0x0  }
0x44: {  	[sflag:s28] =	ssyncadd.s32 $0xFFFFE000  }
0x45: {  	_ =	swait.ge [sflag:s28], $0x2000  }
0x46: {  	[sflag:s28] =	ssyncset.done $0x0  }
0x47: {  	[sflag:s28] =	ssyncadd.s32 $0xFFFFE000  }
0x48: {  	_ =	swait.ge [sflag:s28], $0x2000  }
0x49: {  	[sflag:s28] =	ssyncset.done $0x0  }
0x4a: {  	[sflag:s28] =	ssyncadd.s32 $0xFFFFE000  }
0x4b: {  	_ =	swait.ge [sflag:s28], $0x2000  }
0x4c: {  	[sflag:s28] =	ssyncset.done $0x0  }
0x4d: {  	[sflag:s28] =	ssyncadd.s32 $0xFFFFE000  }
0x4e: {  	_ =	swait.ge [sflag:s28], $0x2000  }
0x4f: {  	[sflag:s28] =	ssyncset.done $0x0  }
0x50: {  	s2 =	simm.s32 $0x0;
	[sflag:s28] =	ssyncadd.s32 $0xFFFFE000  }
0x51: {  	v10 =	vld [tilespmem:s2+$0x1930]  }
0x52: {  	v11 =	vld [tilespmem:s2+$0x3930]  }
0x53: {  	v12 =	vld [tilespmem:s2+$0x1900]  }
0x54: {  	v13 =	vld [tilespmem:s2+$0x5930]  }
0x55: {  	v14 =	vld [tilespmem:s2+$0x3900]  }
0x56: {  	v15 =	vld [tilespmem:s2+$0x7930]  }
0x57: {  	v16 =	vld [tilespmem:s2+$0x1910];
	v10 =	vadd.f32 v11, v10  }
0x58: {  	v11 =	vld [tilespmem:s2+$0x9930]  }
0x59: {  	v17 =	vld [tilespmem:s2+$0x3910];
	v10 =	vadd.f32 v13, v10  }
0x5a: {  	v18 =	vld [tilespmem:s2+$0x3920]  }
0x5b: {  	v19 =	vld [tilespmem:s2+$0x5910];
	v10 =	vadd.f32 v15, v10  }
0x5c: {  	v20 =	vld [tilespmem:s2+$0x7910]  }
0x5d: {  	v13 =	vld [tilespmem:s2+$0x1920];
	v10 =	vadd.f32 v11, v10  }
0x5e: {  	v15 =	vld [tilespmem:s2+$0x5900]  }
0x5f: {  	[tilespmem:s2+$0x15930] =	vst.add.f32.msk $0xffff, v10  }
0x60: {  	v10 =	vld [tilespmem:s2+$0x7900]  }
0x61: {  	v12 =	vadd.f32 v14, v12;
	v11 =	vld [tilespmem:s2+$0x5920]  }
0x62: {  	v21 =	vld [tilespmem:s2+$0x7920]  }
0x63: {  	v62 =	vld [tilespmem:s2+$0x9900];
	v14 =	vadd.f32 v17, v16;
	v12 =	vadd.f32 v15, v12  }
0x64: {  	v63 =	vld [tilespmem:s2+$0x9910];
	v13 =	vadd.f32 v18, v13  }
0x65: {  	v14 =	vadd.f32 v19, v14;
	v10 =	vadd.f32 v10, v12;
	v12 =	vld [tilespmem:s2+$0x9920]  }
0x66: {  	v11 =	vadd.f32 v11, v13  }
0x67: {  	v15 =	vadd.f32 v20, v14  }
0x68: {  	s10 =	simm.s32 $0x40;
	v13 =	vadd.f32 v21, v11  }
0x69: {  	s12 =	simm.s32 $0x200;
	v14 =	vld [tilespmem:s10+$0x1930];
	v11 =	vadd.f32 v63, v15;
	v10 =	vadd.f32 v62, v10  }
.LBB2_5:
0x6a: {  	p0 =	sne.s32 s12, $0x7F00;
	v15 =	vld [tilespmem:s10+$0x3930];
	v16 =	vadd.f32 v12, v13  }
0x6b: {  	v12 =	vld [tilespmem:s10+$0x1900]  }
0x6c: {  	v13 =	vld [tilespmem:s10+$0x5930]  }
0x6d: {  	v17 =	vld [tilespmem:s10+$0x3900]  }
0x6e: {  	v18 =	vld [tilespmem:s10+$0x7930]  }
0x6f: {  	v19 =	vld [tilespmem:s10+$0x1910];
	v14 =	vadd.f32 v15, v14  }
0x70: {  	v15 =	vld [tilespmem:s10+$0x9930]  }
0x71: {  	v20 =	vld [tilespmem:s10+$0x3910];
	v13 =	vadd.f32 v13, v14  }
0x72: {  	v12 =	vadd.f32 v17, v12;
	v14 =	vld [tilespmem:s10+$0x1920]  }
0x73: {  	v17 =	vld [tilespmem:s10+$0x3920];
	v13 =	vadd.f32 v18, v13  }
0x74: {  	v18 =	vld [tilespmem:s10+$0x5900]  }
0x75: {  	v21 =	vld [tilespmem:s10+$0x5910];
	v13 =	vadd.f32 v15, v13  }
0x76: {  	v15 =	vadd.f32 v20, v19;
	v19 =	vld [tilespmem:s10+$0x5920]  }
0x77: {  	[tilespmem:s10+$0x15930] =	vst.add.f32.msk $0xffff, v13  }
0x78: {  	v13 =	vld [tilespmem:s10+$0x7900];
	v14 =	vadd.f32 v17, v14  }
0x79: {  	v12 =	vadd.f32 v18, v12;
	v17 =	vld [tilespmem:s10+$0x7910]  }
0x7a: {  	v15 =	vadd.f32 v21, v15;
	v18 =	vld [tilespmem:s10+$0x7920]  }
0x7b: {  	v20 =	vld [tilespmem:s10+$0x9900];
	v14 =	vadd.f32 v19, v14  }
0x7c: {  	v19 =	vld [tilespmem:s10+$0x9910]  }
.Ltmp1:
0x7d: {  	v21 =	vadd.f32 v13, v12;
	v12 =	vld [tilespmem:s10+$0x9920];
	(pc) =	sbr.rel @p0 .LBB2_5-.Ltmp1, $4  }
0x7e: {  	v15 =	vadd.f32 v17, v15;
	[tilespmem:s2+$0x15900] =	vst.add.f32.msk $0xffff, v10  }
0x7f: {  	v13 =	vadd.f32 v18, v14;
	[tilespmem:s2+$0x15910] =	vst.add.f32.msk $0xffff, v11  }
0x80: {  	v10 =	vadd.f32 v20, v21;
	[tilespmem:s2+$0x15920] =	vst.add.f32.msk $0xffff, v16;
	s2 =	smov.u32 s10;
	s10 =	sshra.s32 s12, $0x2  }
0x81: {  	s12 =	sadd.s32 $0x100, s12;
	v14 =	vld [tilespmem:s10+$0x1930];
	v11 =	vadd.f32 v19, v15  }
0x82: {  	v15 =	vld [tilespmem:s10+$0x3930]  }
0x83: {  	v16 =	vld [tilespmem:s10+$0x1900]  }
0x84: {  	v17 =	vld [tilespmem:s10+$0x5930]  }
0x85: {  	v18 =	vld [tilespmem:s10+$0x3900]  }
0x86: {  	v19 =	vld [tilespmem:s10+$0x7930]  }
0x87: {  	v20 =	vld [tilespmem:s10+$0x1910]  }
0x88: {  	v21 =	vld [tilespmem:s10+$0x3910]  }
0x89: {  	v50 =	vld [tilespmem:s10+$0x1920];
	v14 =	vadd.f32 v15, v14  }
0x8a: {  	v15 =	vld [tilespmem:s10+$0x9930]  }
0x8b: {  	v22 =	vld [tilespmem:s10+$0x3920];
	v14 =	vadd.f32 v17, v14  }
0x8c: {  	v51 =	vld [tilespmem:s10+$0x5900]  }
0x8d: {  	v23 =	vld [tilespmem:s10+$0x5910];
	v14 =	vadd.f32 v19, v14  }
0x8e: {  	v24 =	vld [tilespmem:s10+$0x7910]  }
0x8f: {  	v52 =	vld [tilespmem:s10+$0x7920];
	v14 =	vadd.f32 v15, v14  }
0x90: {  	v15 =	vld [tilespmem:s10+$0x5920]  }
0x91: {  	[tilespmem:s10+$0x15930] =	vst.add.f32.msk $0xffff, v14  }
0x92: {  	v20 =	vadd.f32 v21, v20;
	v14 =	vld [tilespmem:s10+$0x7900]  }
0x93: {  	v54 =	vld [tilespmem:s10+$0x9910];
	v16 =	vadd.f32 v18, v16  }
0x94: {  	v53 =	vld [tilespmem:s10+$0x9900];
	v17 =	vadd.f32 v22, v50;
	v20 =	vadd.f32 v23, v20  }
0x95: {  	v55 =	vld [tilespmem:s10+$0x9920];
	v12 =	vadd.f32 v12, v13;
	v16 =	vadd.f32 v51, v16  }
0x96: {  	v13 =	vadd.f32 v24, v20;
	v15 =	vadd.f32 v15, v17  }
0x97: {  	[tilespmem:s2+$0x15900] =	vst.add.f32.msk $0xffff, v10;
	v14 =	vadd.f32 v14, v16  }
0x98: {  	[tilespmem:s2+$0x15920] =	vst.add.f32.msk $0xffff, v12;
	v12 =	vadd.f32 v54, v13;
	v10 =	vadd.f32 v52, v15  }
0x99: {  	[tilespmem:s2+$0x15910] =	vst.add.f32.msk $0xffff, v11;
	v11 =	vadd.f32 v53, v14  }
0x9a: {  	[tilespmem:s10+$0x15910] =	vst.add.f32.msk $0xffff, v12;
	v10 =	vadd.f32 v55, v10  }
0x9b: {  	p0 =	seq.s32 s0, $0x4;
	[tilespmem:s10+$0x15900] =	vst.add.f32.msk $0xffff, v11  }
0x9c: {  	s12 =	simm.s32 @!p0 $0x1900;
	s2 =	sadd.s32 @!p0 $0x500, s1;
	[tilespmem:s10+$0x15920] =	vst.add.f32.msk $0xffff, v10;
	s10 =	simm.s32 @!p0 $0x80  }
0x9d: {  	[tilespmem:s12], [sflag:$0x1] =	stream.indirect.gather @!p0 [hbm4b:s5+s10], $0x40, s2, s10, $0xb8;
	[tilespmem:$0x179D0] =	vst v63  }
0x9e: {  	s2 =	sadd.s32 @!p0 $0x580, s1;
	s12 =	simm.s32 @!p0 $0x3900  }
0x9f: {  	[tilespmem:s12], [sflag:$0x1] =	stream.indirect.gather @!p0 [hbm4b:s5+s10], $0x40, s2, s10, $0xb8;
	[tilespmem:$0x179D0] =	vst v63  }
0xa0: {  	s2 =	sadd.s32 @!p0 $0x600, s1;
	s12 =	simm.s32 @!p0 $0x5900  }
0xa1: {  	[tilespmem:s12], [sflag:$0x1] =	stream.indirect.gather @!p0 [hbm4b:s5+s10], $0x40, s2, s10, $0xb8;
	[tilespmem:$0x179D0] =	vst v63  }
0xa2: {  	s2 =	sadd.s32 @!p0 $0x680, s1;
	s12 =	simm.s32 @!p0 $0x7900  }
0xa3: {  	[tilespmem:s12], [sflag:$0x1] =	stream.indirect.gather @!p0 [hbm4b:s5+s10], $0x40, s2, s10, $0xb8;
	[tilespmem:$0x179D0] =	vst v63  }
0xa4: {  	s1 =	sadd.s32 @!p0 $0x700, s1;
	s2 =	simm.s32 @!p0 $0x9900  }
0xa5: {  	[tilespmem:s2], [sflag:$0x1] =	stream.indirect.gather @!p0 [hbm4b:s5+s10], $0x40, s1, s10, $0xb8;
	[tilespmem:$0x179D0] =	vst v63  }
0xa6: {  	_ =	swait.ge [sflag:s29], $0x2000  }
0xa7: {  	[sflag:s29] =	ssyncset.done $0x0  }
0xa8: {  	[sflag:s29] =	ssyncadd.s32 $0xFFFFE000  }
0xa9: {  	_ =	swait.ge [sflag:s29], $0x2000  }
0xaa: {  	[sflag:s29] =	ssyncset.done $0x0  }
0xab: {  	[sflag:s29] =	ssyncadd.s32 $0xFFFFE000  }
0xac: {  	_ =	swait.ge [sflag:s29], $0x2000  }
0xad: {  	[sflag:s29] =	ssyncset.done $0x0  }
0xae: {  	[sflag:s29] =	ssyncadd.s32 $0xFFFFE000  }
0xaf: {  	_ =	swait.ge [sflag:s29], $0x2000  }
0xb0: {  	[sflag:s29] =	ssyncset.done $0x0  }
0xb1: {  	[sflag:s29] =	ssyncadd.s32 $0xFFFFE000  }
0xb2: {  	_ =	swait.ge [sflag:s29], $0x2000  }
0xb3: {  	[sflag:s29] =	ssyncset.done $0x0  }
0xb4: {  	s1 =	simm.s32 $0x0;
	[sflag:s29] =	ssyncadd.s32 $0xFFFFE000  }
0xb5: {  	v10 =	vld [tilespmem:s1+$0xB930]  }
0xb6: {  	v11 =	vld [tilespmem:s1+$0xD930]  }
0xb7: {  	v12 =	vld [tilespmem:s1+$0xB900]  }
0xb8: {  	v13 =	vld [tilespmem:s1+$0xF930]  }
0xb9: {  	v14 =	vld [tilespmem:s1+$0xD900]  }
0xba: {  	v15 =	vld [tilespmem:s1+$0x11930]  }
0xbb: {  	v56 =	vld [tilespmem:s1+$0xB910];
	v10 =	vadd.f32 v11, v10  }
0xbc: {  	v11 =	vld [tilespmem:s1+$0x13930]  }
0xbd: {  	v57 =	vld [tilespmem:s1+$0xD910];
	v10 =	vadd.f32 v13, v10  }
0xbe: {  	v58 =	vld [tilespmem:s1+$0xD920]  }
0xbf: {  	v59 =	vld [tilespmem:s1+$0xF910];
	v10 =	vadd.f32 v15, v10  }
0xc0: {  	v60 =	vld [tilespmem:s1+$0x11910]  }
0xc1: {  	v13 =	vld [tilespmem:s1+$0xB920];
	v10 =	vadd.f32 v11, v10  }
0xc2: {  	v15 =	vld [tilespmem:s1+$0xF900]  }
0xc3: {  	[tilespmem:s1+$0x15930] =	vst.add.f32.msk $0xffff, v10  }
0xc4: {  	v10 =	vld [tilespmem:s1+$0x11900]  }
0xc5: {  	v12 =	vadd.f32 v14, v12;
	v11 =	vld [tilespmem:s1+$0xF920]  }
0xc6: {  	v61 =	vld [tilespmem:s1+$0x11920]  }
0xc7: {  	v62 =	vld [tilespmem:s1+$0x13900];
	v14 =	vadd.f32 v57, v56;
	v12 =	vadd.f32 v15, v12  }
0xc8: {  	v63 =	vld [tilespmem:s1+$0x13910];
	v13 =	vadd.f32 v58, v13  }
0xc9: {  	v14 =	vadd.f32 v59, v14;
	v10 =	vadd.f32 v10, v12;
	v12 =	vld [tilespmem:s1+$0x13920]  }
0xca: {  	v11 =	vadd.f32 v11, v13  }
0xcb: {  	v15 =	vadd.f32 v60, v14  }
0xcc: {  	s2 =	simm.s32 $0x40;
	v13 =	vadd.f32 v61, v11  }
0xcd: {  	s10 =	simm.s32 $0x200;
	v14 =	vld [tilespmem:s2+$0xB930];
	v11 =	vadd.f32 v63, v15;
	v10 =	vadd.f32 v62, v10  }
.LBB2_7:
0xce: {  	p0 =	sne.s32 s10, $0x7F00;
	v15 =	vld [tilespmem:s2+$0xD930];
	v16 =	vadd.f32 v12, v13  }
0xcf: {  	v12 =	vld [tilespmem:s2+$0xB900]  }
0xd0: {  	v13 =	vld [tilespmem:s2+$0xF930]  }
0xd1: {  	v17 =	vld [tilespmem:s2+$0xD900]  }
0xd2: {  	v18 =	vld [tilespmem:s2+$0x11930]  }
0xd3: {  	v19 =	vld [tilespmem:s2+$0xB910];
	v14 =	vadd.f32 v15, v14  }
0xd4: {  	v15 =	vld [tilespmem:s2+$0x13930]  }
0xd5: {  	v20 =	vld [tilespmem:s2+$0xD910];
	v13 =	vadd.f32 v13, v14  }
0xd6: {  	v12 =	vadd.f32 v17, v12;
	v14 =	vld [tilespmem:s2+$0xB920]  }
0xd7: {  	v17 =	vld [tilespmem:s2+$0xD920];
	v13 =	vadd.f32 v18, v13  }
0xd8: {  	v18 =	vld [tilespmem:s2+$0xF900]  }
0xd9: {  	v21 =	vld [tilespmem:s2+$0xF910];
	v13 =	vadd.f32 v15, v13  }
0xda: {  	v15 =	vadd.f32 v20, v19;
	v19 =	vld [tilespmem:s2+$0xF920]  }
0xdb: {  	[tilespmem:s2+$0x15930] =	vst.add.f32.msk $0xffff, v13  }
0xdc: {  	v13 =	vld [tilespmem:s2+$0x11900];
	v14 =	vadd.f32 v17, v14  }
0xdd: {  	v12 =	vadd.f32 v18, v12;
	v17 =	vld [tilespmem:s2+$0x11910]  }
0xde: {  	v15 =	vadd.f32 v21, v15;
	v18 =	vld [tilespmem:s2+$0x11920]  }
0xdf: {  	v20 =	vld [tilespmem:s2+$0x13900];
	v14 =	vadd.f32 v19, v14  }
0xe0: {  	v19 =	vld [tilespmem:s2+$0x13910]  }
.Ltmp2:
0xe1: {  	v21 =	vadd.f32 v13, v12;
	v12 =	vld [tilespmem:s2+$0x13920];
	(pc) =	sbr.rel @p0 .LBB2_7-.Ltmp2, $4  }
0xe2: {  	v15 =	vadd.f32 v17, v15;
	[tilespmem:s1+$0x15900] =	vst.add.f32.msk $0xffff, v10  }
0xe3: {  	v13 =	vadd.f32 v18, v14;
	[tilespmem:s1+$0x15910] =	vst.add.f32.msk $0xffff, v11  }
0xe4: {  	v10 =	vadd.f32 v20, v21;
	[tilespmem:s1+$0x15920] =	vst.add.f32.msk $0xffff, v16;
	s1 =	smov.u32 s2;
	s2 =	sshra.s32 s10, $0x2  }
0xe5: {  	s10 =	sadd.s32 $0x100, s10;
	v14 =	vld [tilespmem:s2+$0xB930];
	v11 =	vadd.f32 v19, v15  }
0xe6: {  	v15 =	vld [tilespmem:s2+$0xD930]  }
0xe7: {  	v16 =	vld [tilespmem:s2+$0xB900]  }
0xe8: {  	v17 =	vld [tilespmem:s2+$0xF930]  }
0xe9: {  	v18 =	vld [tilespmem:s2+$0xD900]  }
0xea: {  	v19 =	vld [tilespmem:s2+$0x11930]  }
0xeb: {  	v20 =	vld [tilespmem:s2+$0xB910]  }
0xec: {  	v53 =	vld [tilespmem:s2+$0x13930]  }
0xed: {  	v21 =	vld [tilespmem:s2+$0xD910]  }
0xee: {  	v54 =	vld [tilespmem:s2+$0xB920]  }
0xef: {  	v22 =	vld [tilespmem:s2+$0xD920]  }
0xf0: {  	v55 =	vld [tilespmem:s2+$0xF900]  }
0xf1: {  	v23 =	vld [tilespmem:s2+$0xF910];
	v14 =	vadd.f32 v15, v14  }
0xf2: {  	v56 =	vld [tilespmem:s2+$0xF920]  }
0xf3: {  	v57 =	vld [tilespmem:s2+$0x11900];
	v14 =	vadd.f32 v17, v14  }
0xf4: {  	v24 =	vld [tilespmem:s2+$0x11910]  }
0xf5: {  	v58 =	vld [tilespmem:s2+$0x11920];
	v20 =	vadd.f32 v21, v20;
	v14 =	vadd.f32 v19, v14  }
0xf6: {  	v60 =	vld [tilespmem:s2+$0x13910];
	v16 =	vadd.f32 v18, v16;
	v17 =	vadd.f32 v22, v54  }
0xf7: {  	v59 =	vld [tilespmem:s2+$0x13900];
	v20 =	vadd.f32 v23, v20;
	v14 =	vadd.f32 v53, v14  }
0xf8: {  	v61 =	vld [tilespmem:s2+$0x13920];
	v16 =	vadd.f32 v55, v16  }
0xf9: {  	s0 =	sadd.s32 $0x1, s0;
	v15 =	vadd.f32 v56, v17;
	v62 =	vadd.f32 v24, v20;
	[tilespmem:s2+$0x15930] =	vst.add.f32.msk $0xffff, v14  }
0xfa: {  	v12 =	vadd.f32 v12, v13;
	p0 =	sne.s32 s0, $0x5;
	v14 =	vadd.f32 v57, v16;
	[tilespmem:s1+$0x15900] =	vst.add.f32.msk $0xffff, v10  }
.Ltmp3:
0xfb: {  	v63 =	vadd.f32 v60, v62;
	v10 =	vadd.f32 v58, v15;
	[tilespmem:s1+$0x15910] =	vst.add.f32.msk $0xffff, v11;
	(pc) =	sbr.rel @p0 .LBB2_4-.Ltmp3, $4  }
0xfc: {  	[tilespmem:s1+$0x15920] =	vst.add.f32.msk $0xffff, v12;
	v11 =	vadd.f32 v59, v14  }
0xfd: {  	[tilespmem:s2+$0x15910] =	vst.add.f32.msk $0xffff, v63;
	v10 =	vadd.f32 v61, v10  }
0xfe: {  	[tilespmem:s2+$0x15900] =	vst.add.f32.msk $0xffff, v11  }
0xff: {  	[tilespmem:s2+$0x15920] =	vst.add.f32.msk $0xffff, v10  }
0x100: {  	s1 =	simm.s32 $0x15B00  }
0x101: {  	v10 =	vld [tilespmem:s1+$0x1C0]  }
0x102: {  	v11 =	vld [tilespmem:s1+$0x1D0]  }
0x103: {  	v12 =	vld [tilespmem:s1+$0x1E0]  }
0x104: {  	v13 =	vld [tilespmem:s1+$0x1F0]  }
0x105: {  	v14 =	vld [tilespmem:s1+$0x180]  }
0x106: {  	v15 =	vld [tilespmem:s1+$0x190]  }
0x107: {  	v16 =	vld [tilespmem:s1+$0x1B0];
	v10 =	vmax.f32 v10, $0.0e+00;
	v11 =	vmax.f32 v11, $0.0e+00  }
0x108: {  	v17 =	vld [tilespmem:s1+$0x170];
	v10 =	vmul.f32 v10, v8;
	v11 =	vmul.f32 v11, v9  }
0x109: {  	v18 =	vld [tilespmem:s1+$0x140];
	v12 =	vmax.f32 v12, $0.0e+00  }
0x10a: {  	v10 =	vadd.f32 v11, v10;
	v11 =	vmul.f32 v12, v7;
	v12 =	vld [tilespmem:s1+$0x1A0]  }
0x10b: {  	v25 =	vld [tilespmem:s1+$0x40];
	v14 =	vmax.f32 v14, $0.0e+00;
	v15 =	vmax.f32 v15, $0.0e+00  }
0x10c: {  	v26 =	vld [tilespmem:s1+$0x60];
	v13 =	vmax.f32 v13, $0.0e+00;
	v14 =	vmul.f32 v14, v8;
	v15 =	vmul.f32 v15, v9  }
0x10d: {  	v19 =	vld [tilespmem:s1+$0x100];
	v10 =	vadd.f32 v11, v10;
	v11 =	vmul.f32 v13, v6  }
0x10e: {  	v14 =	vadd.f32 v15, v14;
	v15 =	vmax.f32 v16, $0.0e+00;
	v16 =	vmax.f32 v17, $0.0e+00;
	v17 =	vld [tilespmem:s1+$0x120]  }
0x10f: {  	v10 =	vadd.f32 v11, v10;
	v11 =	vld [tilespmem:s1+$0x150];
	v12 =	vmax.f32 v12, $0.0e+00  }
0x110: {  	v21 =	vld [tilespmem:s1+$0x110];
	v12 =	vmul.f32 v12, v7  }
0x111: {  	v25 =	vmax.f32 v25, $0.0e+00;
	v26 =	vmax.f32 v26, $0.0e+00;
	v13 =	vld [tilespmem:s1+$0x160];
	v20 =	vperm.xlane v10, v1  }
0x112: {  	v15 =	vmul.f32 v15, v6;
	v16 =	vmul.f32 v16, v6;
	v12 =	vadd.f32 v12, v14  }
0x113: {  	v17 =	vmax.f32 v17, $0.0e+00;
	v10 =	vadd.f32 v10, v20;
	v14 =	vmax.f32 v18, $0.0e+00  }
0x114: {  	v20 =	vld [tilespmem:s1+$0x130];
	v14 =	vmul.f32 v14, v8;
	v11 =	vmax.f32 v11, $0.0e+00;
	v12 =	vadd.f32 v15, v12  }
0x115: {  	v15 =	vmax.f32 v19, $0.0e+00;
	v19 =	vmax.f32 v21, $0.0e+00;
	v11 =	vmul.f32 v11, v9  }
0x116: {  	v29 =	vld [tilespmem:s1+$0x20];
	v13 =	vmax.f32 v13, $0.0e+00;
	v15 =	vmul.f32 v15, v8;
	v19 =	vmul.f32 v19, v9  }
0x117: {  	v13 =	vmul.f32 v13, v7;
	v18 =	vperm.xlane v10, v2;
	v11 =	vadd.f32 v11, v14  }
0x118: {  	v30 =	vld [tilespmem:s1+$0xFFFFFFE0];
	v17 =	vmul.f32 v17, v7;
	v14 =	vperm.xlane v12, v1;
	v15 =	vadd.f32 v19, v15  }
0x119: {  	v10 =	vadd.f32 v10, v18;
	v18 =	vmax.f32 v20, $0.0e+00;
	v11 =	vadd.f32 v13, v11  }
0x11a: {  	v12 =	vadd.f32 v12, v14;
	v13 =	vld [tilespmem:s1+$0xC0];
	v14 =	vadd.f32 v17, v15;
	v15 =	vmul.f32 v18, v6  }
0x11b: {  	v29 =	vmax.f32 v29, $0.0e+00;
	v25 =	vmul.f32 v25, v8;
	v17 =	vld [tilespmem:s1+$0xD0];
	v11 =	vadd.f32 v16, v11  }
0x11c: {  	v39 =	vld [tilespmem:s1+$0xFFFFFF10];
	v26 =	vmul.f32 v26, v7;
	v16 =	vperm.xlane v12, v2;
	v14 =	vadd.f32 v15, v14  }
0x11d: {  	v30 =	vmax.f32 v30, $0.0e+00;
	v18 =	vperm.xlane v10, v3;
	v15 =	vld [tilespmem:s1+$0xE0];
	v19 =	vperm.xlane v11, v1  }
0x11e: {  	v30 =	vmul.f32 v30, v7;
	v12 =	vadd.f32 v12, v16;
	v16 =	vperm.xlane v14, v1  }
0x11f: {  	v10 =	vadd.f32 v10, v18;
	v18 =	vld [tilespmem:s1+$0xF0];
	v13 =	vmax.f32 v13, $0.0e+00;
	v19 =	vadd.f32 v11, v19  }
0x120: {  	v21 =	vld [tilespmem:s1+$0x90];
	v20 =	vperm.xlane v12, v3;
	v17 =	vmax.f32 v17, $0.0e+00;
	v14 =	vadd.f32 v14, v16  }
0x121: {  	v60 =	vmax.f32 v39, $0.0e+00;
	v13 =	vmul.f32 v13, v8;
	v16 =	vld [tilespmem:s1+$0x80];
	v17 =	vmul.f32 v17, v9  }
0x122: {  	v24 =	vld [tilespmem:s1+$0xB0];
	v15 =	vmax.f32 v15, $0.0e+00;
	v23 =	vperm.xlane v19, v2;
	v22 =	vperm.xlane v14, v2  }
0x123: {  	v12 =	vadd.f32 v12, v20;
	v13 =	vadd.f32 v17, v13;
	v15 =	vmul.f32 v15, v7;
	v17 =	vld [tilespmem:s1+$0xA0]  }
0x124: {  	v18 =	vmax.f32 v18, $0.0e+00;
	v20 =	vadd.f32 v14, v22;
	v14 =	vadd.f32 v19, v23  }
0x125: {  	v21 =	vmax.f32 v21, $0.0e+00;
	v18 =	vmul.f32 v18, v6;
	v15 =	vadd.f32 v15, v13  }
0x126: {  	v16 =	vmax.f32 v16, $0.0e+00;
	v19 =	vperm.xlane v20, v3;
	v22 =	vperm.xlane v14, v3  }
0x127: {  	v23 =	vld [tilespmem:s1+$0x70];
	v18 =	vadd.f32 v18, v15;
	v15 =	vmul.f32 v16, v8;
	v16 =	vmul.f32 v21, v9  }
0x128: {  	v21 =	vld [tilespmem:s1+$0x50];
	v17 =	vmax.f32 v17, $0.0e+00;
	v14 =	vadd.f32 v14, v22;
	v22 =	vmax.f32 v24, $0.0e+00  }
0x129: {  	v43 =	vld [tilespmem:s1+$0xFFFFFE30];
	v24 =	vperm.xlane v18, v1;
	v27 =	vadd.f32 v16, v15;
	v17 =	vmul.f32 v17, v7  }
0x12a: {  	v46 =	vmul.f32 v60, v9;
	v11 =	vperm.xlane v10, v4;
	v15 =	vadd.f32 v20, v19;
	v19 =	vld [tilespmem:s1+$0x0]  }
0x12b: {  	v20 =	vmul.f32 v22, v6;
	v22 =	vld [tilespmem:s1+$0x10];
	v18 =	vadd.f32 v18, v24;
	v24 =	vadd.f32 v17, v27  }
0x12c: {  	v13 =	vperm.xlane v12, v4;
	v23 =	vmax.f32 v23, $0.0e+00;
	v16 =	vperm.xlane v14, v4;
	v27 =	vld [tilespmem:s1+$0x30]  }
0x12d: {  	v17 =	vperm.xlane v15, v4;
	v21 =	vmax.f32 v21, $0.0e+00;
	v20 =	vadd.f32 v20, v24  }
0x12e: {  	v62 =	vmax.f32 v43, $0.0e+00;
	v23 =	vmul.f32 v23, v6;
	v24 =	vld [tilespmem:s1+$0xFFFFFFF0];
	v21 =	vmul.f32 v21, v9  }
0x12f: {  	v32 =	vld [tilespmem:s1+$0xFFFFFFC0];
	v28 =	vperm.xlane v18, v2;
	v19 =	vmax.f32 v19, $0.0e+00;
	v31 =	vperm.xlane v20, v1  }
0x130: {  	v22 =	vmax.f32 v22, $0.0e+00;
	v21 =	vadd.f32 v21, v25;
	v25 =	vld [tilespmem:s1+$0xFFFFFFD0];
	v19 =	vmul.f32 v19, v8  }
0x131: {  	v56 =	vld [tilespmem:s1+$0xFFFFFF50];
	v18 =	vadd.f32 v18, v28;
	v22 =	vmul.f32 v22, v9;
	v27 =	vmax.f32 v27, $0.0e+00  }
0x132: {  	v33 =	vld [tilespmem:s1+$0xFFFFFF80];
	v21 =	vadd.f32 v26, v21;
	v20 =	vadd.f32 v20, v31;
	v27 =	vmul.f32 v27, v6  }
0x133: {  	v26 =	vld [tilespmem:s1+$0xFFFFFF90];
	v19 =	vadd.f32 v22, v19;
	v22 =	vmul.f32 v29, v7;
	v24 =	vmax.f32 v24, $0.0e+00  }
0x134: {  	v58 =	vld [tilespmem:s1+$0xFFFFFF00];
	v21 =	vadd.f32 v23, v21;
	v23 =	vperm.xlane v20, v2;
	v24 =	vmul.f32 v24, v6  }
0x135: {  	v29 =	vld [tilespmem:s1+$0xFFFFFFA0];
	v19 =	vadd.f32 v22, v19;
	v22 =	vmax.f32 v32, $0.0e+00;
	v25 =	vmax.f32 v25, $0.0e+00  }
0x136: {  	v32 =	vmax.f32 v56, $0.0e+00;
	v31 =	vperm.xlane v21, v1;
	v22 =	vmul.f32 v22, v8  }
0x137: {  	v55 =	vld [tilespmem:s1+$0xFFFFFFB0];
	v25 =	vmul.f32 v25, v9;
	v20 =	vadd.f32 v20, v23;
	v32 =	vmul.f32 v32, v9  }
0x138: {  	v19 =	vadd.f32 v27, v19;
	v27 =	vmax.f32 v33, $0.0e+00;
	v26 =	vmax.f32 v26, $0.0e+00  }
0x139: {  	v33 =	vmax.f32 v58, $0.0e+00;
	v27 =	vmul.f32 v27, v8;
	v26 =	vmul.f32 v26, v9  }
0x13a: {  	v28 =	vmax.f32 v29, $0.0e+00;
	v22 =	vadd.f32 v25, v22;
	v21 =	vadd.f32 v21, v31;
	v31 =	vld [tilespmem:s1+$0xFFFFFF20]  }
0x13b: {  	v25 =	vperm.xlane v19, v1;
	v26 =	vadd.f32 v26, v27;
	v27 =	vmul.f32 v28, v7  }
0x13c: {  	v29 =	vmax.f32 v55, $0.0e+00;
	v33 =	vmul.f32 v33, v8;
	v22 =	vadd.f32 v30, v22  }
0x13d: {  	v28 =	vld [tilespmem:s1+$0xFFFFFF70];
	v19 =	vadd.f32 v19, v25;
	v25 =	vadd.f32 v27, v26;
	v26 =	vmul.f32 v29, v6  }
0x13e: {  	v30 =	vld [tilespmem:s1+$0xFFFFFF60];
	v61 =	vadd.f32 v46, v33;
	v27 =	vperm.xlane v21, v2;
	v22 =	vadd.f32 v24, v22  }
0x13f: {  	v24 =	vperm.xlane v19, v2;
	v31 =	vmax.f32 v31, $0.0e+00;
	v23 =	vadd.f32 v26, v25  }
0x140: {  	v44 =	vld [tilespmem:s1+$0xFFFFFEE0];
	v21 =	vadd.f32 v21, v27;
	v25 =	vperm.xlane v18, v3;
	v27 =	vperm.xlane v22, v1  }
0x141: {  	v35 =	vld [tilespmem:s1+$0xFFFFFEB0];
	v33 =	vmul.f32 v62, v6;
	v31 =	vmul.f32 v31, v7;
	v24 =	vadd.f32 v19, v24  }
0x142: {  	v37 =	vld [tilespmem:s1+$0xFFFFFEC0];
	v57 =	vperm.xlane v23, v1;
	v18 =	vadd.f32 v18, v25;
	v25 =	vadd.f32 v22, v27  }
0x143: {  	v26 =	vld [tilespmem:s1+$0xFFFFFF40];
	v19 =	vperm.xlane v20, v3;
	v28 =	vmax.f32 v28, $0.0e+00;
	v30 =	vmax.f32 v30, $0.0e+00  }
0x144: {  	v29 =	vld [tilespmem:s1+$0xFFFFFEF0];
	v34 =	vperm.xlane v21, v3;
	v27 =	vadd.f32 v23, v57;
	v59 =	vperm.xlane v25, v2  }
0x145: {  	v38 =	vld [tilespmem:s1+$0xFFFFFED0];
	v63 =	vmax.f32 v44, $0.0e+00;
	v28 =	vmul.f32 v28, v6;
	v30 =	vmul.f32 v30, v7  }
0x146: {  	v39 =	vld [tilespmem:s1+$0xFFFFFE80];
	v31 =	vadd.f32 v31, v61;
	v36 =	vperm.xlane v27, v2;
	v40 =	vadd.f32 v25, v59  }
0x147: {  	v43 =	vld [tilespmem:s1+$0xFFFFFE40];
	v22 =	vperm.xlane v24, v3;
	v19 =	vadd.f32 v20, v19;
	v21 =	vadd.f32 v21, v34  }
0x148: {  	v34 =	vld [tilespmem:s1+$0xFFFFFE70];
	v26 =	vmax.f32 v26, $0.0e+00;
	v27 =	vadd.f32 v27, v36;
	v41 =	vperm.xlane v40, v3  }
0x149: {  	v29 =	vmax.f32 v29, $0.0e+00;
	v20 =	vperm.xlane v18, v4;
	v45 =	vmul.f32 v26, v8;
	v36 =	vld [tilespmem:s1+$0xFFFFFEA0]  }
0x14a: {  	v23 =	vadd.f32 v24, v22;
	v42 =	vperm.xlane v27, v3;
	v26 =	vadd.f32 v40, v41;
	v40 =	vld [tilespmem:s1+$0xFFFFFE20]  }
0x14b: {  	v29 =	vmul.f32 v29, v6;
	v22 =	vperm.xlane v19, v4;
	v32 =	vadd.f32 v32, v45;
	v41 =	vld [tilespmem:s1+$0xFFFFFE00]  }
0x14c: {  	v24 =	vperm.xlane v21, v4;
	v25 =	vperm.xlane v23, v4;
	v27 =	vadd.f32 v27, v42;
	v42 =	vld [tilespmem:s1+$0xFFFFFE10]  }
0x14d: {  	s2 =	simm.s32 $0x0;
	s0 =	simm.s32 $0x40;
	v44 =	vld [tilespmem:s1+$0xFFFFFE50];
	v30 =	vadd.f32 v30, v32;
	v32 =	vmax.f32 v35, $0.0e+00;
	v35 =	vmul.f32 v63, v7  }
.LBB2_10:
0x14e: {  	p0 =	sne.s32 s0, $0x1C0;
	v34 =	vmax.f32 v34, $0.0e+00;
	v45 =	vld [tilespmem:s1+$0xFFFFFE90];
	v36 =	vmax.f32 v36, $0.0e+00;
	v37 =	vmax.f32 v37, $0.0e+00  }
0x14f: {  	v40 =	vmax.f32 v40, $0.0e+00;
	v38 =	vmax.f32 v38, $0.0e+00;
	v46 =	vld [tilespmem:s1+$0xFFFFFE60];
	v37 =	vmul.f32 v37, v8  }
0x150: {  	v41 =	vmax.f32 v41, $0.0e+00;
	v40 =	vmul.f32 v40, v7;
	v38 =	vmul.f32 v38, v9  }
0x151: {  	v39 =	vmax.f32 v39, $0.0e+00;
	v41 =	vmul.f32 v41, v8;
	v42 =	vmax.f32 v42, $0.0e+00  }
0x152: {  	v42 =	vmul.f32 v42, v9;
	v43 =	vmax.f32 v43, $0.0e+00;
	v44 =	vmax.f32 v44, $0.0e+00  }
0x153: {  	v43 =	vmul.f32 v43, v8;
	v44 =	vmul.f32 v44, v9;
	v45 =	vmax.f32 v45, $0.0e+00  }
0x154: {  	v39 =	vmul.f32 v39, v8;
	v46 =	vmax.f32 v46, $0.0e+00;
	v45 =	vmul.f32 v45, v9;
	v47 =	vld [tilespmem:s1+$0xFFFFFF30]  }
0x155: {  	v41 =	vadd.f32 v42, v41;
	v42 =	vadd.f32 v44, v43;
	v43 =	vmul.f32 v46, v7  }
0x156: {  	v36 =	vmul.f32 v36, v7;
	v37 =	vadd.f32 v38, v37;
	v39 =	vadd.f32 v45, v39  }
0x157: {  	v34 =	vmul.f32 v34, v6;
	v38 =	vadd.f32 v40, v41;
	v40 =	vadd.f32 v43, v42  }
0x158: {  	v32 =	vmul.f32 v32, v6;
	v35 =	vadd.f32 v35, v37;
	v36 =	vadd.f32 v36, v39  }
0x159: {  	v33 =	vadd.f32 v33, v38;
	v34 =	vadd.f32 v34, v40;
	v37 =	vmax.f32 v47, $0.0e+00  }
0x15a: {  	v29 =	vadd.f32 v29, v35;
	v32 =	vadd.f32 v32, v36;
	v35 =	vmul.f32 v37, v6  }
0x15b: {  	v28 =	vadd.f32 v28, v30;
	v36 =	vperm.xlane v33, v1;
	v37 =	vperm.xlane v34, v1  }
0x15c: {  	v38 =	vperm.xlane v29, v1;
	v30 =	vperm.xlane v32, v1;
	v31 =	vadd.f32 v35, v31  }
0x15d: {  	v33 =	vadd.f32 v33, v36;
	v35 =	vperm.xlane v28, v1;
	v34 =	vadd.f32 v34, v37  }
0x15e: {  	v29 =	vadd.f32 v29, v38;
	v30 =	vadd.f32 v32, v30;
	v32 =	vperm.xlane v31, v1  }
0x15f: {  	v36 =	vperm.xlane v33, v2;
	v28 =	vadd.f32 v28, v35;
	v37 =	vperm.xlane v34, v2  }
0x160: {  	v38 =	vperm.xlane v29, v2;
	v35 =	vperm.xlane v30, v2;
	v31 =	vadd.f32 v31, v32  }
0x161: {  	v32 =	vadd.f32 v33, v36;
	v33 =	vadd.f32 v34, v37;
	v34 =	vperm.xlane v28, v2  }
0x162: {  	v29 =	vadd.f32 v29, v38;
	v30 =	vadd.f32 v30, v35;
	v35 =	vperm.xlane v31, v2  }
0x163: {  	v36 =	vperm.xlane v32, v3;
	v37 =	vperm.xlane v33, v3;
	v28 =	vadd.f32 v28, v34  }
0x164: {  	v38 =	vperm.xlane v29, v3;
	v34 =	vperm.xlane v30, v3;
	v31 =	vadd.f32 v31, v35  }
0x165: {  	v32 =	vadd.f32 v32, v36;
	v33 =	vadd.f32 v33, v37;
	v35 =	vperm.xlane v28, v3  }
0x166: {  	v29 =	vadd.f32 v29, v38;
	v30 =	vadd.f32 v30, v34;
	v34 =	vperm.xlane v31, v3  }
0x167: {  	v36 =	vperm.xlane v32, v4;
	v37 =	vperm.xlane v33, v4;
	v28 =	vadd.f32 v28, v35  }
0x168: {  	v38 =	vperm.xlane v29, v4;
	v35 =	vperm.xlane v30, v4;
	v31 =	vadd.f32 v31, v34  }
0x169: {  	v32 =	vadd.f32 v32, v36;
	v34 =	vperm.xlane v26, v4;
	v33 =	vadd.f32 v33, v37  }
0x16a: {  	v29 =	vadd.f32 v29, v38;
	v30 =	vadd.f32 v30, v35;
	v35 =	vperm.xlane v31, v4  }
0x16b: {  	v36 =	vperm.xlane v28, v4;
	v32 =	vadd.f32 v32, v5;
	v33 =	vadd.f32 v33, v5  }
0x16c: {  	v30 =	vadd.f32 v30, v5;
	v31 =	vadd.f32 v31, v35;
	v35 =	vperm.xlane v27, v4  }
0x16d: {  	v29 =	vadd.f32 v29, v5;
	v28 =	vadd.f32 v28, v36;
	v32 =	vsel vm0, v32, v33  }
0x16e: {  	v30 =	vsel vm1, v32, v30;
	v31 =	vadd.f32 v31, v5;
	v27 =	vadd.f32 v27, v35  }
0x16f: {  	v26 =	vadd.f32 v26, v34;
	v28 =	vadd.f32 v28, v5;
	v29 =	vsel vm2, v30, v29  }
0x170: {  	v23 =	vadd.f32 v23, v25;
	v29 =	vsel vm3, v29, v31;
	v27 =	vadd.f32 v27, v5  }
0x171: {  	v21 =	vadd.f32 v21, v24;
	v26 =	vadd.f32 v26, v5;
	v25 =	vsel vm4, v29, v28  }
0x172: {  	v19 =	vadd.f32 v19, v22;
	v23 =	vadd.f32 v23, v5;
	v24 =	vsel vm5, v25, v27  }
0x173: {  	v18 =	vadd.f32 v18, v20;
	v21 =	vadd.f32 v21, v5;
	v22 =	vsel vm6, v24, v26  }
0x174: {  	v15 =	vadd.f32 v15, v17;
	v19 =	vadd.f32 v19, v5;
	v20 =	vsel vm7, v22, v23  }
0x175: {  	v14 =	vadd.f32 v14, v16;
	v18 =	vadd.f32 v18, v5;
	v17 =	vsel vm8, v20, v21  }
0x176: {  	v12 =	vadd.f32 v12, v13;
	v15 =	vadd.f32 v15, v5;
	v16 =	vsel vm9, v17, v19  }
0x177: {  	v10 =	vadd.f32 v10, v11;
	v14 =	vadd.f32 v14, v5;
	v13 =	vsel vm10, v16, v18  }
0x178: {  	v12 =	vadd.f32 v12, v5;
	v11 =	vsel vm11, v13, v15  }
0x179: {  	v10 =	vadd.f32 v10, v5;
	v11 =	vsel vm12, v11, v14  }
0x17a: {  	v11 =	vsel vm13, v11, v12  }
0x17b: {  	s10 =	sshra.s32 s2, $0x2;
	s2 =	smov.u32 s0;
	v10 =	vsel vm14, v11, v10  }
0x17c: {  	s1 =	sadd.s32 $0x400, s1;
	[tilespmem:s10+$0x17950] =	vst v10  }
0x17d: {  	v10 =	vld [tilespmem:s1+$0x1C0]  }
0x17e: {  	v11 =	vld [tilespmem:s1+$0x1D0];
	_ =	sdelay $0x1  }
0x17f: {  	v12 =	vld [tilespmem:s1+$0x1E0];
	_ =	sdelay $0x1  }
0x180: {  	v13 =	vld [tilespmem:s1+$0x1F0]  }
0x181: {  	v10 =	vmax.f32 v10, $0.0e+00;
	v11 =	vmax.f32 v11, $0.0e+00  }
0x182: {  	v10 =	vmul.f32 v10, v8;
	v14 =	vld [tilespmem:s1+$0x180];
	v11 =	vmul.f32 v11, v9  }
0x183: {  	v15 =	vld [tilespmem:s1+$0x190];
	v12 =	vmax.f32 v12, $0.0e+00  }
0x184: {  	v16 =	vld [tilespmem:s1+$0x1B0];
	v10 =	vadd.f32 v11, v10;
	v11 =	vmul.f32 v12, v7  }
0x185: {  	v12 =	vld [tilespmem:s1+$0x1A0];
	v13 =	vmax.f32 v13, $0.0e+00  }
0x186: {  	v17 =	vld [tilespmem:s1+$0x170];
	v10 =	vadd.f32 v11, v10;
	v11 =	vmul.f32 v13, v6  }
0x187: {  	v13 =	vld [tilespmem:s1+$0x160]  }
0x188: {  	v14 =	vmax.f32 v14, $0.0e+00;
	v18 =	vld [tilespmem:s1+$0x140];
	v15 =	vmax.f32 v15, $0.0e+00;
	v10 =	vadd.f32 v11, v10  }
0x189: {  	v14 =	vmul.f32 v14, v8;
	v11 =	vld [tilespmem:s1+$0x150];
	v15 =	vmul.f32 v15, v9  }
0x18a: {  	v19 =	vld [tilespmem:s1+$0x100];
	v12 =	vmax.f32 v12, $0.0e+00;
	v20 =	vperm.xlane v10, v1  }
0x18b: {  	v21 =	vld [tilespmem:s1+$0x110];
	v14 =	vadd.f32 v15, v14;
	v12 =	vmul.f32 v12, v7;
	v15 =	vmax.f32 v16, $0.0e+00  }
0x18c: {  	v16 =	vmax.f32 v17, $0.0e+00;
	v15 =	vmul.f32 v15, v6;
	v10 =	vadd.f32 v10, v20  }
0x18d: {  	v13 =	vmax.f32 v13, $0.0e+00;
	v16 =	vmul.f32 v16, v6;
	v17 =	vld [tilespmem:s1+$0x120];
	v12 =	vadd.f32 v12, v14  }
0x18e: {  	v14 =	vmax.f32 v18, $0.0e+00;
	v13 =	vmul.f32 v13, v7;
	v18 =	vperm.xlane v10, v2  }
0x18f: {  	v14 =	vmul.f32 v14, v8;
	v11 =	vmax.f32 v11, $0.0e+00;
	v20 =	vld [tilespmem:s1+$0x130];
	v12 =	vadd.f32 v15, v12  }
0x190: {  	v15 =	vmax.f32 v19, $0.0e+00;
	v11 =	vmul.f32 v11, v9;
	v19 =	vmax.f32 v21, $0.0e+00  }
0x191: {  	v15 =	vmul.f32 v15, v8;
	v19 =	vmul.f32 v19, v9  }
0x192: {  	v11 =	vadd.f32 v11, v14;
	v14 =	vperm.xlane v12, v1;
	v17 =	vmax.f32 v17, $0.0e+00  }
0x193: {  	v10 =	vadd.f32 v10, v18;
	v15 =	vadd.f32 v19, v15;
	v17 =	vmul.f32 v17, v7  }
0x194: {  	v11 =	vadd.f32 v13, v11;
	v12 =	vadd.f32 v12, v14;
	v18 =	vmax.f32 v20, $0.0e+00  }
0x195: {  	v13 =	vld [tilespmem:s1+$0xC0];
	v14 =	vadd.f32 v17, v15;
	v15 =	vmul.f32 v18, v6  }
0x196: {  	v11 =	vadd.f32 v16, v11;
	v16 =	vperm.xlane v12, v2;
	v18 =	vperm.xlane v10, v3;
	v17 =	vld [tilespmem:s1+$0xD0]  }
0x197: {  	v14 =	vadd.f32 v15, v14  }
0x198: {  	v19 =	vperm.xlane v11, v1;
	v12 =	vadd.f32 v12, v16;
	v10 =	vadd.f32 v10, v18;
	v15 =	vld [tilespmem:s1+$0xE0]  }
0x199: {  	v16 =	vperm.xlane v14, v1  }
0x19a: {  	v19 =	vadd.f32 v11, v19;
	v20 =	vperm.xlane v12, v3;
	v11 =	vperm.xlane v10, v4;
	v18 =	vld [tilespmem:s1+$0xF0]  }
0x19b: {  	v13 =	vmax.f32 v13, $0.0e+00;
	v17 =	vmax.f32 v17, $0.0e+00;
	v14 =	vadd.f32 v14, v16  }
0x19c: {  	v13 =	vmul.f32 v13, v8;
	v16 =	vld [tilespmem:s1+$0x80];
	v17 =	vmul.f32 v17, v9  }
0x19d: {  	v23 =	vperm.xlane v19, v2;
	v21 =	vld [tilespmem:s1+$0x90];
	v15 =	vmax.f32 v15, $0.0e+00;
	v22 =	vperm.xlane v14, v2  }
0x19e: {  	v12 =	vadd.f32 v12, v20;
	v24 =	vld [tilespmem:s1+$0xB0];
	v13 =	vadd.f32 v17, v13;
	v15 =	vmul.f32 v15, v7  }
0x19f: {  	v17 =	vld [tilespmem:s1+$0xA0];
	v18 =	vmax.f32 v18, $0.0e+00;
	v20 =	vadd.f32 v14, v22;
	v14 =	vadd.f32 v19, v23  }
0x1a0: {  	v15 =	vadd.f32 v15, v13;
	v18 =	vmul.f32 v18, v6;
	v13 =	vperm.xlane v12, v4  }
0x1a1: {  	v19 =	vperm.xlane v20, v3;
	v22 =	vperm.xlane v14, v3  }
0x1a2: {  	v16 =	vmax.f32 v16, $0.0e+00;
	v23 =	vld [tilespmem:s1+$0x70];
	v21 =	vmax.f32 v21, $0.0e+00;
	v18 =	vadd.f32 v18, v15  }
0x1a3: {  	v15 =	vmul.f32 v16, v8;
	v25 =	vld [tilespmem:s1+$0x40];
	v16 =	vmul.f32 v21, v9;
	v14 =	vadd.f32 v14, v22  }
0x1a4: {  	v22 =	vmax.f32 v24, $0.0e+00;
	v21 =	vld [tilespmem:s1+$0x50];
	v17 =	vmax.f32 v17, $0.0e+00;
	v24 =	vperm.xlane v18, v1  }
0x1a5: {  	v26 =	vld [tilespmem:s1+$0x60];
	v27 =	vadd.f32 v16, v15;
	v17 =	vmul.f32 v17, v7;
	v15 =	vadd.f32 v20, v19  }
0x1a6: {  	v20 =	vmul.f32 v22, v6;
	v16 =	vperm.xlane v14, v4;
	v19 =	vld [tilespmem:s1+$0x0];
	v18 =	vadd.f32 v18, v24  }
0x1a7: {  	v22 =	vld [tilespmem:s1+$0x10];
	v23 =	vmax.f32 v23, $0.0e+00;
	v24 =	vadd.f32 v17, v27;
	v17 =	vperm.xlane v15, v4  }
0x1a8: {  	v27 =	vld [tilespmem:s1+$0x30];
	v23 =	vmul.f32 v23, v6;
	v28 =	vperm.xlane v18, v2  }
0x1a9: {  	v25 =	vmax.f32 v25, $0.0e+00;
	v29 =	vld [tilespmem:s1+$0x20];
	v21 =	vmax.f32 v21, $0.0e+00;
	v20 =	vadd.f32 v20, v24  }
0x1aa: {  	v25 =	vmul.f32 v25, v8;
	v24 =	vld [tilespmem:s1+$0xFFFFFFF0];
	v21 =	vmul.f32 v21, v9;
	v26 =	vmax.f32 v26, $0.0e+00  }
0x1ab: {  	v30 =	vld [tilespmem:s1+$0xFFFFFFE0];
	v26 =	vmul.f32 v26, v7;
	v31 =	vperm.xlane v20, v1  }
0x1ac: {  	v19 =	vmax.f32 v19, $0.0e+00;
	v32 =	vld [tilespmem:s1+$0xFFFFFFC0];
	v22 =	vmax.f32 v22, $0.0e+00;
	v21 =	vadd.f32 v21, v25  }
0x1ad: {  	v19 =	vmul.f32 v19, v8;
	v25 =	vld [tilespmem:s1+$0xFFFFFFD0];
	v22 =	vmul.f32 v22, v9;
	v27 =	vmax.f32 v27, $0.0e+00  }
0x1ae: {  	v20 =	vadd.f32 v20, v31;
	v33 =	vld [tilespmem:s1+$0xFFFFFF80];
	v29 =	vmax.f32 v29, $0.0e+00;
	v21 =	vadd.f32 v26, v21  }
0x1af: {  	v27 =	vmul.f32 v27, v6;
	v26 =	vld [tilespmem:s1+$0xFFFFFF90];
	v19 =	vadd.f32 v22, v19;
	v22 =	vmul.f32 v29, v7  }
0x1b0: {  	v24 =	vmax.f32 v24, $0.0e+00;
	v21 =	vadd.f32 v23, v21;
	v23 =	vperm.xlane v20, v2  }
0x1b1: {  	v30 =	vmax.f32 v30, $0.0e+00;
	v24 =	vmul.f32 v24, v6;
	v29 =	vld [tilespmem:s1+$0xFFFFFFA0];
	v19 =	vadd.f32 v22, v19  }
0x1b2: {  	v22 =	vmax.f32 v32, $0.0e+00;
	v30 =	vmul.f32 v30, v7;
	v31 =	vperm.xlane v21, v1  }
0x1b3: {  	v22 =	vmul.f32 v22, v8;
	v25 =	vmax.f32 v25, $0.0e+00;
	v32 =	vld [tilespmem:s1+$0xFFFFFFB0];
	v19 =	vadd.f32 v27, v19  }
0x1b4: {  	v27 =	vmax.f32 v33, $0.0e+00;
	v25 =	vmul.f32 v25, v9;
	v26 =	vmax.f32 v26, $0.0e+00  }
0x1b5: {  	v18 =	vadd.f32 v18, v28;
	v27 =	vmul.f32 v27, v8;
	v26 =	vmul.f32 v26, v9  }
0x1b6: {  	v22 =	vadd.f32 v25, v22;
	v25 =	vperm.xlane v19, v1;
	v28 =	vmax.f32 v29, $0.0e+00  }
0x1b7: {  	v21 =	vadd.f32 v21, v31;
	v26 =	vadd.f32 v26, v27;
	v27 =	vmul.f32 v28, v7  }
0x1b8: {  	v22 =	vadd.f32 v30, v22;
	v19 =	vadd.f32 v19, v25;
	v28 =	vld [tilespmem:s1+$0xFFFFFF70];
	v29 =	vmax.f32 v32, $0.0e+00  }
0x1b9: {  	v30 =	vld [tilespmem:s1+$0xFFFFFF60];
	v25 =	vadd.f32 v27, v26;
	v26 =	vmul.f32 v29, v6;
	v27 =	vperm.xlane v21, v2  }
0x1ba: {  	v20 =	vadd.f32 v20, v23;
	v22 =	vadd.f32 v24, v22;
	v24 =	vperm.xlane v19, v2;
	v29 =	vld [tilespmem:s1+$0xFFFFFEF0]  }
0x1bb: {  	v31 =	vld [tilespmem:s1+$0xFFFFFF20];
	v23 =	vadd.f32 v26, v25;
	v21 =	vadd.f32 v21, v27;
	v25 =	vperm.xlane v18, v3  }
0x1bc: {  	v27 =	vperm.xlane v22, v1;
	v24 =	vadd.f32 v19, v24;
	v19 =	vperm.xlane v20, v3;
	v26 =	vld [tilespmem:s1+$0xFFFFFF40]  }
0x1bd: {  	v32 =	vld [tilespmem:s1+$0xFFFFFF50];
	v33 =	vperm.xlane v23, v1;
	v34 =	vperm.xlane v21, v3;
	v18 =	vadd.f32 v18, v25  }
0x1be: {  	v25 =	vadd.f32 v22, v27;
	v22 =	vperm.xlane v24, v3;
	v19 =	vadd.f32 v20, v19;
	v35 =	vld [tilespmem:s1+$0xFFFFFEB0]  }
0x1bf: {  	v44 =	vld [tilespmem:s1+$0xFFFFFEE0];
	v27 =	vadd.f32 v23, v33;
	v21 =	vadd.f32 v21, v34;
	v20 =	vperm.xlane v18, v4  }
0x1c0: {  	v34 =	vperm.xlane v25, v2;
	v23 =	vadd.f32 v24, v22;
	v22 =	vperm.xlane v19, v4;
	v33 =	vld [tilespmem:s1+$0xFFFFFF00]  }
0x1c1: {  	v39 =	vld [tilespmem:s1+$0xFFFFFF10];
	v36 =	vperm.xlane v27, v2;
	v24 =	vperm.xlane v21, v4  }
0x1c2: {  	v28 =	vmax.f32 v28, $0.0e+00;
	v40 =	vadd.f32 v25, v34;
	v25 =	vperm.xlane v23, v4;
	v43 =	vld [tilespmem:s1+$0xFFFFFE30]  }
0x1c3: {  	v30 =	vmax.f32 v30, $0.0e+00;
	v28 =	vmul.f32 v28, v6;
	v34 =	vld [tilespmem:s1+$0xFFFFFE70];
	v27 =	vadd.f32 v27, v36  }
0x1c4: {  	v30 =	vmul.f32 v30, v7;
	v41 =	vperm.xlane v40, v3;
	v36 =	vld [tilespmem:s1+$0xFFFFFEA0]  }
0x1c5: {  	v26 =	vmax.f32 v26, $0.0e+00;
	v32 =	vmax.f32 v32, $0.0e+00;
	v37 =	vld [tilespmem:s1+$0xFFFFFEC0];
	v42 =	vperm.xlane v27, v3  }
0x1c6: {  	v45 =	vmul.f32 v26, v8;
	v32 =	vmul.f32 v32, v9;
	v26 =	vadd.f32 v40, v41;
	v38 =	vld [tilespmem:s1+$0xFFFFFED0]  }
0x1c7: {  	v29 =	vmax.f32 v29, $0.0e+00;
	v33 =	vmax.f32 v33, $0.0e+00;
	v41 =	vmax.f32 v39, $0.0e+00;
	v40 =	vld [tilespmem:s1+$0xFFFFFE20]  }
.Ltmp4:
0x1c8: {  	v32 =	vadd.f32 v32, v45;
	v33 =	vmul.f32 v33, v8;
	v46 =	vmul.f32 v41, v9;
	v39 =	vld [tilespmem:s1+$0xFFFFFE80];
	(pc) =	sbr.rel @p0 .LBB2_10-.Ltmp4, $4  }
0x1c9: {  	v29 =	vmul.f32 v29, v6;
	v31 =	vmax.f32 v31, $0.0e+00;
	v27 =	vadd.f32 v27, v42;
	v41 =	vld [tilespmem:s1+$0xFFFFFE00]  }
0x1ca: {  	v31 =	vmul.f32 v31, v7;
	v30 =	vadd.f32 v30, v32;
	v45 =	vadd.f32 v46, v33;
	v42 =	vld [tilespmem:s1+$0xFFFFFE10]  }
0x1cb: {  	v32 =	vmax.f32 v35, $0.0e+00;
	v35 =	vmax.f32 v44, $0.0e+00;
	v33 =	vmax.f32 v43, $0.0e+00;
	v43 =	vld [tilespmem:s1+$0xFFFFFE40]  }
0x1cc: {  	s0 =	sadd.s32 $0x40, s0;
	v35 =	vmul.f32 v35, v7;
	v33 =	vmul.f32 v33, v6;
	v31 =	vadd.f32 v31, v45;
	v44 =	vld [tilespmem:s1+$0xFFFFFE50]  }
0x1cd: {  	v34 =	vmax.f32 v34, $0.0e+00;
	v45 =	vld [tilespmem:s1+$0xFFFFFE90];
	v36 =	vmax.f32 v36, $0.0e+00;
	v37 =	vmax.f32 v37, $0.0e+00  }
0x1ce: {  	v40 =	vmax.f32 v40, $0.0e+00;
	v46 =	vld [tilespmem:s1+$0xFFFFFE60];
	v38 =	vmax.f32 v38, $0.0e+00;
	v39 =	vmax.f32 v39, $0.0e+00  }
0x1cf: {  	v37 =	vmul.f32 v37, v8;
	v41 =	vmax.f32 v41, $0.0e+00;
	v40 =	vmul.f32 v40, v7  }
0x1d0: {  	v38 =	vmul.f32 v38, v9;
	v41 =	vmul.f32 v41, v8;
	v42 =	vmax.f32 v42, $0.0e+00  }
0x1d1: {  	v42 =	vmul.f32 v42, v9;
	v43 =	vmax.f32 v43, $0.0e+00;
	v44 =	vmax.f32 v44, $0.0e+00  }
0x1d2: {  	v43 =	vmul.f32 v43, v8;
	v44 =	vmul.f32 v44, v9;
	v45 =	vmax.f32 v45, $0.0e+00  }
0x1d3: {  	v54 =	vld [tilespmem:s1+$0xFFFFFF30];
	v52 =	vmul.f32 v39, v8;
	v46 =	vmax.f32 v46, $0.0e+00;
	v53 =	vmul.f32 v45, v9  }
0x1d4: {  	v41 =	vadd.f32 v42, v41;
	v56 =	vmul.f32 v46, v7;
	v55 =	vadd.f32 v44, v43  }
0x1d5: {  	v57 =	vadd.f32 v38, v37;
	v7 =	vmul.f32 v36, v7;
	v8 =	vadd.f32 v53, v52  }
0x1d6: {  	v34 =	vmul.f32 v34, v6;
	v58 =	vadd.f32 v40, v41;
	v59 =	vadd.f32 v56, v55  }
0x1d7: {  	v60 =	vmul.f32 v32, v6;
	v9 =	vadd.f32 v35, v57;
	v7 =	vadd.f32 v7, v8  }
0x1d8: {  	v63 =	vmax.f32 v54, $0.0e+00;
	v61 =	vadd.f32 v33, v58;
	v62 =	vadd.f32 v34, v59  }
0x1d9: {  	v6 =	vmul.f32 v63, v6;
	v36 =	vadd.f32 v29, v9;
	v7 =	vadd.f32 v60, v7  }
0x1da: {  	v28 =	vadd.f32 v28, v30;
	v37 =	vperm.xlane v61, v1;
	v38 =	vperm.xlane v62, v1  }
0x1db: {  	v6 =	vadd.f32 v6, v31;
	v40 =	vperm.xlane v36, v1;
	v39 =	vperm.xlane v7, v1  }
0x1dc: {  	v41 =	vperm.xlane v28, v1;
	v9 =	vadd.f32 v61, v37;
	v29 =	vadd.f32 v62, v38  }
0x1dd: {  	v42 =	vperm.xlane v6, v1;
	v8 =	vadd.f32 v36, v40;
	v7 =	vadd.f32 v7, v39  }
0x1de: {  	v28 =	vadd.f32 v28, v41;
	v32 =	vperm.xlane v9, v2;
	v33 =	vperm.xlane v29, v2  }
0x1df: {  	v6 =	vadd.f32 v6, v42;
	v34 =	vperm.xlane v8, v2;
	v43 =	vperm.xlane v7, v2  }
0x1e0: {  	v44 =	vperm.xlane v28, v2;
	v9 =	vadd.f32 v9, v32;
	v29 =	vadd.f32 v29, v33  }
0x1e1: {  	v45 =	vperm.xlane v6, v2;
	v8 =	vadd.f32 v8, v34;
	v7 =	vadd.f32 v7, v43  }
0x1e2: {  	v28 =	vadd.f32 v28, v44;
	v32 =	vperm.xlane v9, v3;
	v33 =	vperm.xlane v29, v3  }
0x1e3: {  	v6 =	vadd.f32 v6, v45;
	v34 =	vperm.xlane v8, v3;
	v46 =	vperm.xlane v7, v3  }
0x1e4: {  	v47 =	vperm.xlane v28, v3;
	v9 =	vadd.f32 v9, v32;
	v29 =	vadd.f32 v29, v33  }
0x1e5: {  	v48 =	vperm.xlane v6, v3;
	v8 =	vadd.f32 v8, v34;
	v7 =	vadd.f32 v7, v46  }
0x1e6: {  	v28 =	vadd.f32 v28, v47;
	v32 =	vperm.xlane v9, v4;
	v33 =	vperm.xlane v29, v4  }
0x1e7: {  	v6 =	vadd.f32 v6, v48;
	v34 =	vperm.xlane v8, v4;
	v49 =	vperm.xlane v7, v4  }
0x1e8: {  	v50 =	vperm.xlane v26, v4;
	v9 =	vadd.f32 v9, v32;
	v29 =	vadd.f32 v29, v33  }
0x1e9: {  	v51 =	vperm.xlane v6, v4;
	v8 =	vadd.f32 v8, v34;
	v7 =	vadd.f32 v7, v49  }
0x1ea: {  	v52 =	vperm.xlane v28, v4;
	v9 =	vadd.f32 v9, v5;
	v29 =	vadd.f32 v29, v5  }
0x1eb: {  	v53 =	vperm.xlane v27, v4;
	v6 =	vadd.f32 v6, v51;
	v7 =	vadd.f32 v7, v5  }
0x1ec: {  	v28 =	vadd.f32 v28, v52;
	v8 =	vadd.f32 v8, v5;
	v9 =	vsel vm0, v9, v29  }
0x1ed: {  	v54 =	vadd.f32 v27, v53;
	v6 =	vadd.f32 v6, v5;
	v7 =	vsel vm1, v9, v7  }
0x1ee: {  	v26 =	vadd.f32 v26, v50;
	v55 =	vadd.f32 v28, v5;
	v7 =	vsel vm2, v7, v8  }
0x1ef: {  	v56 =	vadd.f32 v23, v25;
	v6 =	vsel vm3, v7, v6;
	v7 =	vadd.f32 v54, v5  }
0x1f0: {  	v21 =	vadd.f32 v21, v24;
	v57 =	vadd.f32 v26, v5;
	v6 =	vsel vm4, v6, v55  }
0x1f1: {  	v58 =	vadd.f32 v19, v22;
	v6 =	vsel vm5, v6, v7;
	v7 =	vadd.f32 v56, v5  }
0x1f2: {  	v18 =	vadd.f32 v18, v20;
	v59 =	vadd.f32 v21, v5;
	v6 =	vsel vm6, v6, v57  }
0x1f3: {  	v60 =	vadd.f32 v15, v17;
	v6 =	vsel vm7, v6, v7;
	v7 =	vadd.f32 v58, v5  }
0x1f4: {  	v14 =	vadd.f32 v14, v16;
	v61 =	vadd.f32 v18, v5;
	v6 =	vsel vm8, v6, v59  }
0x1f5: {  	v62 =	vadd.f32 v12, v13;
	v6 =	vsel vm9, v6, v7;
	v7 =	vadd.f32 v60, v5  }
0x1f6: {  	v10 =	vadd.f32 v10, v11;
	v63 =	vadd.f32 v14, v5;
	v6 =	vsel vm10, v6, v61  }
0x1f7: {  	v6 =	vsel vm11, v6, v7;
	v7 =	vadd.f32 v62, v5  }
0x1f8: {  	v5 =	vadd.f32 v10, v5;
	v6 =	vsel vm12, v6, v63  }
0x1f9: {  	s31 =	sadd.s32 $0x1, s31;
	v6 =	vsel vm13, v6, v7  }
0x1fa: {  	s0 =	sshra.s32 s2, $0x2;
	p0 =	sne.s32 s31, s8;
	v5 =	vsel vm14, v6, v5  }
.Ltmp5:
0x1fb: {  	[tilespmem:s0+$0x17950] =	vst v5;
	(pc) =	sbr.rel @p0 .LBB2_1-.Ltmp5, $4  }
0x1fc: {  	[hbm4b:s7+s3] =	stream.linear.scatter [tilespmem:s30], [sflag:$0x3], $0x80, $0x38;
	[tilespmem:$0x179D0] =	vst v63  }
0x1fd: {  	_ =	swait.ge [sflag:s11], $0x80  }
0x1fe: {  	[sflag:s11] =	ssyncset.done $0x0  }
0x1ff: {  	[sflag:s11] =	ssyncadd.s32 $0xFFFFFF80  }
0x200: {  	_ =	sfence.sel $0x180000  }
0x201: {  	[bflag:$0x0] =	sbarrier.arrive $0xFFFF  }
0x202: {  	_ =	strace $0x90000047  }
0x203: {  	s0 =	stileid.u32;
	[bflag:$0x2] =	sbarrier.arrive $0xFFFF  }
0x204: {  	p0 =	sne.s32 s0, $0x0;
	s0 =	rddreg [dreg:$0x3]  }
0x205: {  	s0 =	sadd.s32 @!p0 $0x100000, s0  }
0x206: {  	[sflag:s0] =	ssyncadd.tile.s32 @!p0 $0x1;
	_ =	shalt  }
.Lfunc_end2:
_tile_overlayer_lowered:
.L_overlay_start_2:
0x207: {  	(tag) =	ssettag $0x2  }
0x208: {  	s0 =	rddreg [dreg:$0x0];
	s2 =	stileid.u32  }
0x209: {  	s1 =	rddreg [dreg:$0x1];
	p0 =	sne.s32 s2, $0x0  }
0x20a: {  	s3 =	rddreg [dreg:$0x2];
	[bflag:$0x3] =	sbarrier.arrive $0xFFFF;
	s2 =	simm.s32 @!p0 $0x1C03  }
0x20b: {  	[timem:s3], [sflag:s2] =	dma.local @!p0 [hbm:s0], s1  }
0x20c: {  	s0 =	simm.s32 @!p0 $0x3  }
0x20d: {  	_ =	swait.ge @!p0 [sflag:s0], s1  }
0x20e: {  	s1 =	ssub.s32 @!p0 $0x0, s1;
	[sflag:s0] =	ssyncset.done @!p0 $0x0  }
0x20f: {  	[sflag:s0] =	ssyncadd.s32 @!p0 s1  }
0x210: {  	[bflag:$0x3] =	sbarrier.arrive $0xFFFF  }
0x211: {  	_ =	shalt  }

</sc_bundles>
